<compile_context>
chip_gen: v7x
topology: tpu7x:2x2x1
jax: 0.10.2.dev20260603
libtpu: 0.0.44.dev20260713+nightly
codegen_flags: <defaults>
</compile_context>

<pallas_src>
import jax
import jax.numpy as jnp
from jax.experimental import pallas as pl
from jax.experimental.pallas import tpu as pltpu
from jax.experimental.pallas import tpu_sc as plsc

B = 16384
VOCAB = 1000
VPAD = 1024
EMB = 8
NWIDE = 8
NDEEP = 4
NDENSE = 4
NSLOT = NWIDE + NDEEP
NCLS = 2
PCOLS = NSLOT * NCLS

NC = 2
NS = 16
L = 16
NW = NC * NS
BPW = B // NW
NG = BPW // L
VROWS = VPAD // NS
VG = VROWS // L


def _rne_bf16(x):
    u = plsc.bitcast(x, jnp.int32)
    r = (u + 0x7FFF + ((u >> 16) & 1)) & jnp.int32(-65536)
    return plsc.bitcast(r, jnp.float32)


def _sc_body(emb_hbm, xw_hbm, xd_hbm, xs_hbm, wpb_hbm,
             lg_hbm, pb_hbm, tg_hbm,
             pf, xe, ps, xw, xd, xs, wpb, lg, pb, tg, pshared):
    cid = jax.lax.axis_index("c")
    sid = jax.lax.axis_index("s")
    wid = sid * NC + cid
    base = wid * BPW

    pltpu.sync_copy(emb_hbm.at[pl.ds(sid * VROWS * EMB, VROWS * EMB)], xe)
    pltpu.sync_copy(xw_hbm.at[pl.ds(base * NWIDE, BPW * NWIDE)], xw)
    pltpu.sync_copy(xd_hbm.at[pl.ds(base * NDEEP, BPW * NDEEP)], xd)
    pltpu.sync_copy(xs_hbm.at[pl.ds(base * NDENSE, BPW * NDENSE)], xs)
    pltpu.sync_copy(wpb_hbm, wpb)

    iw = jnp.arange(L, dtype=jnp.int32)

    wsp = []
    for e in range(EMB):
        r0 = _rne_bf16(wpb[pl.ds(e * PCOLS, L)])
        r1 = _rne_bf16(wpb[pl.ds(e * PCOLS + 8, L)])
        wsp.append([jnp.full((L,), r0[c], jnp.float32) for c in range(L)]
                   + [jnp.full((L,), r1[c + 8], jnp.float32) for c in range(8)])
    bsp = [jnp.full((L,), wpb[pl.ds(192, L)][c], jnp.float32) for c in range(NCLS)]
    wdr = _rne_bf16(wpb[pl.ds(208, L)])
    wdsp = [jnp.full((L,), wdr[8 + j], jnp.float32) for j in range(2 * NDENSE)]

    def vgroup(g, carry):
        vrow = g * L + iw
        eb = [_rne_bf16(plsc.load_gather(xe, [vrow * EMB + e])) for e in range(EMB)]
        for col in range(PCOLS):
            acc = eb[0] * wsp[0][col]
            for e in range(1, EMB):
                acc = acc + eb[e] * wsp[e][col]
            if col < NCLS:
                acc = acc + bsp[col]
            plsc.store_scatter(ps, [vrow * PCOLS + col], acc)
        return carry

    jax.lax.fori_loop(0, VG, vgroup, 0)
    pltpu.sync_copy(ps, pshared.at[pl.ds(sid * VROWS * PCOLS, VROWS * PCOLS)])
    plsc.subcore_barrier()
    pltpu.sync_copy(pshared, pf)

    def group(g, carry):
        row = g * L + iw
        oi = row * NCLS
        xf = [_rne_bf16(plsc.load_gather(xs, [row * NDENSE + j]))
              for j in range(NDENSE)]
        acc0 = xf[0] * wdsp[0]
        acc1 = xf[0] * wdsp[NDENSE]
        for j in range(1, NDENSE):
            acc0 = acc0 + xf[j] * wdsp[j]
            acc1 = acc1 + xf[j] * wdsp[NDENSE + j]
        for s in range(NWIDE):
            idx = plsc.load_gather(xw, [row * NWIDE + s])
            fi = idx * PCOLS + (2 * s)
            acc0 = acc0 + plsc.load_gather(pf, [fi])
            acc1 = acc1 + plsc.load_gather(pf, [fi + 1])
        for s in range(NDEEP):
            idx = plsc.load_gather(xd, [row * NDEEP + s])
            fi = idx * PCOLS + (2 * (NWIDE + s))
            acc0 = acc0 + plsc.load_gather(pf, [fi])
            acc1 = acc1 + plsc.load_gather(pf, [fi + 1])
        plsc.store_scatter(lg, [oi], acc0)
        plsc.store_scatter(lg, [oi + 1], acc1)
        m = jnp.maximum(acc0, acc1)
        e0 = jnp.exp(acc0 - m)
        e1 = jnp.exp(acc1 - m)
        inv = 1.0 / (e0 + e1)
        plsc.store_scatter(pb, [oi], e0 * inv)
        plsc.store_scatter(pb, [oi + 1], e1 * inv)
        t = jnp.where(acc1 > acc0, 1, 0).astype(jnp.int32)
        plsc.store_scatter(tg, [row], t)
        return carry

    jax.lax.fori_loop(0, NG, group, 0)

    pltpu.sync_copy(lg, lg_hbm.at[pl.ds(base * NCLS, BPW * NCLS)])
    pltpu.sync_copy(pb, pb_hbm.at[pl.ds(base * NCLS, BPW * NCLS)])
    pltpu.sync_copy(tg, tg_hbm.at[pl.ds(base, BPW)])


def kernel(x_wide, x_deep, x_dense, emb, fc_w, fc_b):
    x_wide = x_wide.astype(jnp.int32)
    x_deep = x_deep.astype(jnp.int32)
    x_dense = x_dense.astype(jnp.float32)
    emb = emb.astype(jnp.float32)
    fc_w = fc_w.astype(jnp.float32)
    fc_b = fc_b.astype(jnp.float32)

    w_proj = (
        fc_w[:, : NSLOT * EMB]
        .reshape(NCLS, NSLOT, EMB)
        .transpose(2, 1, 0)
        .reshape(EMB, PCOLS)
    )
    bias24 = jnp.concatenate([fc_b, jnp.zeros((PCOLS - NCLS,), jnp.float32)])
    wd8 = fc_w[:, NSLOT * EMB:].reshape(-1)
    wpb = jnp.concatenate([w_proj.reshape(-1), bias24, wd8])
    emb_flat = jnp.pad(emb, ((0, VPAD - VOCAB), (0, 0))).reshape(-1)

    mesh = plsc.VectorSubcoreMesh(
        core_axis_name="c", subcore_axis_name="s",
        num_cores=NC, num_subcores=NS,
    )
    sc = pl.kernel(
        _sc_body,
        compiler_params=pltpu.CompilerParams(needs_layout_passes=False),
        out_type=[
            jax.ShapeDtypeStruct((B * NCLS,), jnp.float32),
            jax.ShapeDtypeStruct((B * NCLS,), jnp.float32),
            jax.ShapeDtypeStruct((B,), jnp.int32),
        ],
        mesh=mesh,
        scratch_types=[
            pltpu.VMEM((VPAD * PCOLS,), jnp.float32),
            pltpu.VMEM((VROWS * EMB,), jnp.float32),
            pltpu.VMEM((VROWS * PCOLS,), jnp.float32),
            pltpu.VMEM((BPW * NWIDE,), jnp.int32),
            pltpu.VMEM((BPW * NDEEP,), jnp.int32),
            pltpu.VMEM((BPW * NDENSE,), jnp.float32),
            pltpu.VMEM((224,), jnp.float32),
            pltpu.VMEM((BPW * NCLS,), jnp.float32),
            pltpu.VMEM((BPW * NCLS,), jnp.float32),
            pltpu.VMEM((BPW,), jnp.int32),
            pltpu.VMEM_SHARED((VPAD * PCOLS,), jnp.float32),
        ],
    )
    lg, pb, tg = sc(
        emb_flat,
        x_wide.reshape(-1),
        x_deep.reshape(-1),
        x_dense.reshape(-1),
        wpb,
    )
    return (lg.reshape(B, NCLS), tg.reshape(B, 1), pb.reshape(B, NCLS))

# --- scband reference (transcript-rebuilt; emitter-appended) ---
"""Pipeline reference for scband-net-31834297598315 (READ-ONLY COPY).

The authoritative reference and input builder live on the scoring server;
editing this copy changes nothing except your own understanding.
"""

import jax, jax.numpy as jnp
import numpy as np

B = 16384
VOCAB = 1000
EMB = 8

def setup_inputs(seed: int = 0) -> dict:
    key = jax.random.key(seed)
    k1, k2, k3, k4, k5, k6 = jax.random.split(key, 6)
    x_wide = jax.random.randint(k1, (B, 8), 0, VOCAB)
    x_deep = jax.random.randint(k2, (B, 4), 0, VOCAB)
    x_dense = jax.random.normal(k3, (B, 4), dtype=jnp.float32)
    emb = jax.random.normal(k4, (VOCAB, EMB), dtype=jnp.float32)
    fc_w = jax.random.normal(k5, (2, 100), dtype=jnp.float32) * 0.1
    fc_b = jax.random.normal(k6, (2,), dtype=jnp.float32) * 0.1
    return {"x_wide": x_wide, "x_deep": x_deep, "x_dense": x_dense, "emb": emb, "fc_w": fc_w, "fc_b": fc_b}

def reference(x_wide, x_deep, x_dense, emb, fc_w, fc_b):
    xw = jnp.take(emb, x_wide, axis=0).reshape(-1, 64)
    xd = jnp.take(emb, x_deep, axis=0).reshape(-1, 32)
    X = jnp.concatenate([xw, xd, x_dense], axis=1)
    logits = X @ fc_w.T + fc_b
    target_classes = jnp.argmax(logits, axis=1, keepdims=True)
    probabilites = jax.nn.softmax(logits, axis=1)
    return (logits, target_classes, probabilites)

if __name__ == "__main__":
    import jax
    _d = setup_inputs()
    print(jax.jit(kernel)(*tuple(_d.values())))

</pallas_src>

<mosaic_0001>
#map = affine_map<(d0, d1) -> (0)>
module attributes {stable_mosaic.version = 14 : i64} {
  func.func @_sc_body(%arg0: i32, %arg1: i32, %arg2: memref<8192xf32, #tpu.memory_space<hbm>>, %arg3: memref<131072xi32, #tpu.memory_space<hbm>>, %arg4: memref<65536xi32, #tpu.memory_space<hbm>>, %arg5: memref<65536xf32, #tpu.memory_space<hbm>>, %arg6: memref<224xf32, #tpu.memory_space<hbm>>, %arg7: memref<32768xf32, #tpu.memory_space<hbm>>, %arg8: memref<32768xf32, #tpu.memory_space<hbm>>, %arg9: memref<16384xi32, #tpu.memory_space<hbm>>, %arg10: memref<24576xf32, #tpu.memory_space<vmem>>, %arg11: memref<512xf32, #tpu.memory_space<vmem>>, %arg12: memref<1536xf32, #tpu.memory_space<vmem>>, %arg13: memref<4096xi32, #tpu.memory_space<vmem>>, %arg14: memref<2048xi32, #tpu.memory_space<vmem>>, %arg15: memref<2048xf32, #tpu.memory_space<vmem>>, %arg16: memref<224xf32, #tpu.memory_space<vmem>>, %arg17: memref<1024xf32, #tpu.memory_space<vmem>>, %arg18: memref<1024xf32, #tpu.memory_space<vmem>>, %arg19: memref<512xi32, #tpu.memory_space<vmem>>, %arg20: memref<24576xf32, #tpu.memory_space<vmem_shared>>) attributes {dimension_semantics = [#tpu.dimension_semantics<core_parallel>, #tpu.dimension_semantics<subcore_parallel>], iteration_bounds = array<i64: 2, 16>, scalar_prefetch = 0 : i64, scratch_operands = 11 : i64, tpu.core_type = #tpu.core_type<sc_vector_subcore>, window_params = [{transform_indices = #map}, {transform_indices = #map}, {transform_indices = #map}, {transform_indices = #map}, {transform_indices = #map}, {transform_indices = #map}, {transform_indices = #map}, {transform_indices = #map}]} {
    %mul3A = arith.constant 2 : i32
    %mul3A_0 = arith.muli %arg1, %mul3A : i32
    %add3A = arith.addi %mul3A_0, %arg0 : i32
    %mul3A_1 = arith.constant 512 : i32
    %mul3A_2 = arith.muli %add3A, %mul3A_1 : i32
    %mul3A_3 = arith.constant 64 : i32
    %mul3A_4 = arith.muli %arg1, %mul3A_3 : i32
    %mul3A_5 = arith.constant 8 : i32
    %mul3A_6 = arith.muli %mul3A_4, %mul3A_5 : i32
    "tpu.region"() ({
      %run_scoped3A = tpu.sem_alloc : memref<!tpu.dma_semaphore, #tpu.memory_space<semaphore_mem>>
      %dma_start3A = tpu.memref_slice %arg2[%mul3A_6] : memref<8192xf32, #tpu.memory_space<hbm>> -> memref<512xf32, #tpu.memory_space<hbm>>
      %dma_start3A_924 = tpu.memref_slice %arg2[%mul3A_6] : memref<8192xf32, #tpu.memory_space<hbm>> -> memref<512xf32, #tpu.memory_space<hbm>>
      tpu.enqueue_dma source(%dma_start3A_924 : memref<512xf32, #tpu.memory_space<hbm>>) target(%arg11 : memref<512xf32, #tpu.memory_space<vmem>>) target_semaphore(%run_scoped3A : memref<!tpu.dma_semaphore, #tpu.memory_space<semaphore_mem>>)
      %dma_wait3A = tpu.memref_slice %arg2[%mul3A_6] : memref<8192xf32, #tpu.memory_space<hbm>> -> memref<512xf32, #tpu.memory_space<hbm>>
      %dma_wait3A_925 = tpu.memref_slice %arg2[%mul3A_6] : memref<8192xf32, #tpu.memory_space<hbm>> -> memref<512xf32, #tpu.memory_space<hbm>>
      tpu.wait_dma2 semaphore(%run_scoped3A : memref<!tpu.dma_semaphore, #tpu.memory_space<semaphore_mem>>) src(%dma_wait3A_925 : memref<512xf32, #tpu.memory_space<hbm>>) dst(%arg11 : memref<512xf32, #tpu.memory_space<vmem>>)
      tpu.yield
    }) : () -> ()
    %mul3A_7 = arith.constant 8 : i32
    %mul3A_8 = arith.muli %mul3A_2, %mul3A_7 : i32
    "tpu.region"() ({
      %run_scoped3A = tpu.sem_alloc : memref<!tpu.dma_semaphore, #tpu.memory_space<semaphore_mem>>
      %dma_start3A = tpu.memref_slice %arg3[%mul3A_8] : memref<131072xi32, #tpu.memory_space<hbm>> -> memref<4096xi32, #tpu.memory_space<hbm>>
      %dma_start3A_924 = tpu.memref_slice %arg3[%mul3A_8] : memref<131072xi32, #tpu.memory_space<hbm>> -> memref<4096xi32, #tpu.memory_space<hbm>>
      tpu.enqueue_dma source(%dma_start3A_924 : memref<4096xi32, #tpu.memory_space<hbm>>) target(%arg13 : memref<4096xi32, #tpu.memory_space<vmem>>) target_semaphore(%run_scoped3A : memref<!tpu.dma_semaphore, #tpu.memory_space<semaphore_mem>>)
      %dma_wait3A = tpu.memref_slice %arg3[%mul3A_8] : memref<131072xi32, #tpu.memory_space<hbm>> -> memref<4096xi32, #tpu.memory_space<hbm>>
      %dma_wait3A_925 = tpu.memref_slice %arg3[%mul3A_8] : memref<131072xi32, #tpu.memory_space<hbm>> -> memref<4096xi32, #tpu.memory_space<hbm>>
      tpu.wait_dma2 semaphore(%run_scoped3A : memref<!tpu.dma_semaphore, #tpu.memory_space<semaphore_mem>>) src(%dma_wait3A_925 : memref<4096xi32, #tpu.memory_space<hbm>>) dst(%arg13 : memref<4096xi32, #tpu.memory_space<vmem>>)
      tpu.yield
    }) : () -> ()
    %mul3A_9 = arith.constant 4 : i32
    %mul3A_10 = arith.muli %mul3A_2, %mul3A_9 : i32
    "tpu.region"() ({
      %run_scoped3A = tpu.sem_alloc : memref<!tpu.dma_semaphore, #tpu.memory_space<semaphore_mem>>
      %dma_start3A = tpu.memref_slice %arg4[%mul3A_10] : memref<65536xi32, #tpu.memory_space<hbm>> -> memref<2048xi32, #tpu.memory_space<hbm>>
      %dma_start3A_924 = tpu.memref_slice %arg4[%mul3A_10] : memref<65536xi32, #tpu.memory_space<hbm>> -> memref<2048xi32, #tpu.memory_space<hbm>>
      tpu.enqueue_dma source(%dma_start3A_924 : memref<2048xi32, #tpu.memory_space<hbm>>) target(%arg14 : memref<2048xi32, #tpu.memory_space<vmem>>) target_semaphore(%run_scoped3A : memref<!tpu.dma_semaphore, #tpu.memory_space<semaphore_mem>>)
      %dma_wait3A = tpu.memref_slice %arg4[%mul3A_10] : memref<65536xi32, #tpu.memory_space<hbm>> -> memref<2048xi32, #tpu.memory_space<hbm>>
      %dma_wait3A_925 = tpu.memref_slice %arg4[%mul3A_10] : memref<65536xi32, #tpu.memory_space<hbm>> -> memref<2048xi32, #tpu.memory_space<hbm>>
      tpu.wait_dma2 semaphore(%run_scoped3A : memref<!tpu.dma_semaphore, #tpu.memory_space<semaphore_mem>>) src(%dma_wait3A_925 : memref<2048xi32, #tpu.memory_space<hbm>>) dst(%arg14 : memref<2048xi32, #tpu.memory_space<vmem>>)
      tpu.yield
    }) : () -> ()
    %mul3A_11 = arith.constant 4 : i32
    %mul3A_12 = arith.muli %mul3A_2, %mul3A_11 : i32
    "tpu.region"() ({
      %run_scoped3A = tpu.sem_alloc : memref<!tpu.dma_semaphore, #tpu.memory_space<semaphore_mem>>
      %dma_start3A = tpu.memref_slice %arg5[%mul3A_12] : memref<65536xf32, #tpu.memory_space<hbm>> -> memref<2048xf32, #tpu.memory_space<hbm>>
      %dma_start3A_924 = tpu.memref_slice %arg5[%mul3A_12] : memref<65536xf32, #tpu.memory_space<hbm>> -> memref<2048xf32, #tpu.memory_space<hbm>>
      tpu.enqueue_dma source(%dma_start3A_924 : memref<2048xf32, #tpu.memory_space<hbm>>) target(%arg15 : memref<2048xf32, #tpu.memory_space<vmem>>) target_semaphore(%run_scoped3A : memref<!tpu.dma_semaphore, #tpu.memory_space<semaphore_mem>>)
      %dma_wait3A = tpu.memref_slice %arg5[%mul3A_12] : memref<65536xf32, #tpu.memory_space<hbm>> -> memref<2048xf32, #tpu.memory_space<hbm>>
      %dma_wait3A_925 = tpu.memref_slice %arg5[%mul3A_12] : memref<65536xf32, #tpu.memory_space<hbm>> -> memref<2048xf32, #tpu.memory_space<hbm>>
      tpu.wait_dma2 semaphore(%run_scoped3A : memref<!tpu.dma_semaphore, #tpu.memory_space<semaphore_mem>>) src(%dma_wait3A_925 : memref<2048xf32, #tpu.memory_space<hbm>>) dst(%arg15 : memref<2048xf32, #tpu.memory_space<vmem>>)
      tpu.yield
    }) : () -> ()
    "tpu.region"() ({
      %run_scoped3A = tpu.sem_alloc : memref<!tpu.dma_semaphore, #tpu.memory_space<semaphore_mem>>
      tpu.enqueue_dma source(%arg6 : memref<224xf32, #tpu.memory_space<hbm>>) target(%arg16 : memref<224xf32, #tpu.memory_space<vmem>>) target_semaphore(%run_scoped3A : memref<!tpu.dma_semaphore, #tpu.memory_space<semaphore_mem>>)
      tpu.wait_dma2 semaphore(%run_scoped3A : memref<!tpu.dma_semaphore, #tpu.memory_space<semaphore_mem>>) src(%arg6 : memref<224xf32, #tpu.memory_space<hbm>>) dst(%arg16 : memref<224xf32, #tpu.memory_space<vmem>>)
      tpu.yield
    }) : () -> ()
    %iota3A = tpu.iota {dimensions = array<i32: 0>} : vector<16xi32>
    %get3A = arith.constant 0 : index
    %get3A_13 = tpu.vector_load %arg16[%get3A] {strides = array<i32>} : memref<224xf32, #tpu.memory_space<vmem>>, vector<16xf32>,
    %bitcast3A = vector.bitcast %get3A_13 : vector<16xf32> to vector<16xi32>
    %add3A_14 = arith.constant 32767 : i32
    %add3A_15 = vector.broadcast %add3A_14 : i32 to vector<16xi32>
    %add3A_16 = arith.addi %bitcast3A, %add3A_15 : vector<16xi32>
    %shift_right_arithmetic3A = arith.constant 16 : i32
    %shift_right_arithmetic3A_17 = vector.broadcast %shift_right_arithmetic3A : i32 to vector<16xi32>
    %shift_right_arithmetic3A_18 = arith.shrsi %bitcast3A, %shift_right_arithmetic3A_17 : vector<16xi32>
    %and3A = arith.constant 1 : i32
    %and3A_19 = vector.broadcast %and3A : i32 to vector<16xi32>
    %and3A_20 = arith.andi %shift_right_arithmetic3A_18, %and3A_19 : vector<16xi32>
    %add3A_21 = arith.addi %add3A_16, %and3A_20 : vector<16xi32>
    %and3A_22 = arith.constant -65536 : i32
    %and3A_23 = vector.broadcast %and3A_22 : i32 to vector<16xi32>
    %and3A_24 = arith.andi %add3A_21, %and3A_23 : vector<16xi32>
    %bitcast3A_25 = vector.bitcast %and3A_24 : vector<16xi32> to vector<16xf32>
    %get3A_26 = arith.constant 8 : index
    %get3A_27 = tpu.vector_load %arg16[%get3A_26] {strides = array<i32>} : memref<224xf32, #tpu.memory_space<vmem>>, vector<16xf32>,
    %bitcast3A_28 = vector.bitcast %get3A_27 : vector<16xf32> to vector<16xi32>
    %add3A_29 = arith.constant 32767 : i32
    %add3A_30 = vector.broadcast %add3A_29 : i32 to vector<16xi32>
    %add3A_31 = arith.addi %bitcast3A_28, %add3A_30 : vector<16xi32>
    %shift_right_arithmetic3A_32 = arith.constant 16 : i32
    %shift_right_arithmetic3A_33 = vector.broadcast %shift_right_arithmetic3A_32 : i32 to vector<16xi32>
    %shift_right_arithmetic3A_34 = arith.shrsi %bitcast3A_28, %shift_right_arithmetic3A_33 : vector<16xi32>
    %and3A_35 = arith.constant 1 : i32
    %and3A_36 = vector.broadcast %and3A_35 : i32 to vector<16xi32>
    %and3A_37 = arith.andi %shift_right_arithmetic3A_34, %and3A_36 : vector<16xi32>
    %add3A_38 = arith.addi %add3A_31, %and3A_37 : vector<16xi32>
    %and3A_39 = arith.constant -65536 : i32
    %and3A_40 = vector.broadcast %and3A_39 : i32 to vector<16xi32>
    %and3A_41 = arith.andi %add3A_38, %and3A_40 : vector<16xi32>
    %bitcast3A_42 = vector.bitcast %and3A_41 : vector<16xi32> to vector<16xf32>
    %slice3A = vector.extract_strided_slice %bitcast3A_25 {offsets = [0], sizes = [1], strides = [1]} : vector<16xf32> to vector<1xf32>
    %squeeze3A = vector.extract %slice3A[0] : f32 from vector<1xf32>
    %broadcast_in_dim3A = vector.broadcast %squeeze3A : f32 to vector<16xf32>
    %slice3A_43 = vector.extract_strided_slice %bitcast3A_25 {offsets = [1], sizes = [1], strides = [1]} : vector<16xf32> to vector<1xf32>
    %squeeze3A_44 = vector.extract %slice3A_43[0] : f32 from vector<1xf32>
    %broadcast_in_dim3A_45 = vector.broadcast %squeeze3A_44 : f32 to vector<16xf32>
    %slice3A_46 = vector.extract_strided_slice %bitcast3A_25 {offsets = [2], sizes = [1], strides = [1]} : vector<16xf32> to vector<1xf32>
    %squeeze3A_47 = vector.extract %slice3A_46[0] : f32 from vector<1xf32>
    %broadcast_in_dim3A_48 = vector.broadcast %squeeze3A_47 : f32 to vector<16xf32>
    %slice3A_49 = vector.extract_strided_slice %bitcast3A_25 {offsets = [3], sizes = [1], strides = [1]} : vector<16xf32> to vector<1xf32>
    %squeeze3A_50 = vector.extract %slice3A_49[0] : f32 from vector<1xf32>
    %broadcast_in_dim3A_51 = vector.broadcast %squeeze3A_50 : f32 to vector<16xf32>
    %slice3A_52 = vector.extract_strided_slice %bitcast3A_25 {offsets = [4], sizes = [1], strides = [1]} : vector<16xf32> to vector<1xf32>
    %squeeze3A_53 = vector.extract %slice3A_52[0] : f32 from vector<1xf32>
    %broadcast_in_dim3A_54 = vector.broadcast %squeeze3A_53 : f32 to vector<16xf32>
    %slice3A_55 = vector.extract_strided_slice %bitcast3A_25 {offsets = [5], sizes = [1], strides = [1]} : vector<16xf32> to vector<1xf32>
    %squeeze3A_56 = vector.extract %slice3A_55[0] : f32 from vector<1xf32>
    %broadcast_in_dim3A_57 = vector.broadcast %squeeze3A_56 : f32 to vector<16xf32>
    %slice3A_58 = vector.extract_strided_slice %bitcast3A_25 {offsets = [6], sizes = [1], strides = [1]} : vector<16xf32> to vector<1xf32>
    %squeeze3A_59 = vector.extract %slice3A_58[0] : f32 from vector<1xf32>
    %broadcast_in_dim3A_60 = vector.broadcast %squeeze3A_59 : f32 to vector<16xf32>
    %slice3A_61 = vector.extract_strided_slice %bitcast3A_25 {offsets = [7], sizes = [1], strides = [1]} : vector<16xf32> to vector<1xf32>
    %squeeze3A_62 = vector.extract %slice3A_61[0] : f32 from vector<1xf32>
    %broadcast_in_dim3A_63 = vector.broadcast %squeeze3A_62 : f32 to vector<16xf32>
    %slice3A_64 = vector.extract_strided_slice %bitcast3A_25 {offsets = [8], sizes = [1], strides = [1]} : vector<16xf32> to vector<1xf32>
    %squeeze3A_65 = vector.extract %slice3A_64[0] : f32 from vector<1xf32>
    %broadcast_in_dim3A_66 = vector.broadcast %squeeze3A_65 : f32 to vector<16xf32>
    %slice3A_67 = vector.extract_strided_slice %bitcast3A_25 {offsets = [9], sizes = [1], strides = [1]} : vector<16xf32> to vector<1xf32>
    %squeeze3A_68 = vector.extract %slice3A_67[0] : f32 from vector<1xf32>
    %broadcast_in_dim3A_69 = vector.broadcast %squeeze3A_68 : f32 to vector<16xf32>
    %slice3A_70 = vector.extract_strided_slice %bitcast3A_25 {offsets = [10], sizes = [1], strides = [1]} : vector<16xf32> to vector<1xf32>
    %squeeze3A_71 = vector.extract %slice3A_70[0] : f32 from vector<1xf32>
    %broadcast_in_dim3A_72 = vector.broadcast %squeeze3A_71 : f32 to vector<16xf32>
    %slice3A_73 = vector.extract_strided_slice %bitcast3A_25 {offsets = [11], sizes = [1], strides = [1]} : vector<16xf32> to vector<1xf32>
    %squeeze3A_74 = vector.extract %slice3A_73[0] : f32 from vector<1xf32>
    %broadcast_in_dim3A_75 = vector.broadcast %squeeze3A_74 : f32 to vector<16xf32>
    %slice3A_76 = vector.extract_strided_slice %bitcast3A_25 {offsets = [12], sizes = [1], strides = [1]} : vector<16xf32> to vector<1xf32>
    %squeeze3A_77 = vector.extract %slice3A_76[0] : f32 from vector<1xf32>
    %broadcast_in_dim3A_78 = vector.broadcast %squeeze3A_77 : f32 to vector<16xf32>
    %slice3A_79 = vector.extract_strided_slice %bitcast3A_25 {offsets = [13], sizes = [1], strides = [1]} : vector<16xf32> to vector<1xf32>
    %squeeze3A_80 = vector.extract %slice3A_79[0] : f32 from vector<1xf32>
    %broadcast_in_dim3A_81 = vector.broadcast %squeeze3A_80 : f32 to vector<16xf32>
    %slice3A_82 = vector.extract_strided_slice %bitcast3A_25 {offsets = [14], sizes = [1], strides = [1]} : vector<16xf32> to vector<1xf32>
    %squeeze3A_83 = vector.extract %slice3A_82[0] : f32 from vector<1xf32>
    %broadcast_in_dim3A_84 = vector.broadcast %squeeze3A_83 : f32 to vector<16xf32>
    %slice3A_85 = vector.extract_strided_slice %bitcast3A_25 {offsets = [15], sizes = [1], strides = [1]} : vector<16xf32> to vector<1xf32>
    %squeeze3A_86 = vector.extract %slice3A_85[0] : f32 from vector<1xf32>
    %broadcast_in_dim3A_87 = vector.broadcast %squeeze3A_86 : f32 to vector<16xf32>
    %slice3A_88 = vector.extract_strided_slice %bitcast3A_42 {offsets = [8], sizes = [1], strides = [1]} : vector<16xf32> to vector<1xf32>
    %squeeze3A_89 = vector.extract %slice3A_88[0] : f32 from vector<1xf32>
    %broadcast_in_dim3A_90 = vector.broadcast %squeeze3A_89 : f32 to vector<16xf32>
    %slice3A_91 = vector.extract_strided_slice %bitcast3A_42 {offsets = [9], sizes = [1], strides = [1]} : vector<16xf32> to vector<1xf32>
    %squeeze3A_92 = vector.extract %slice3A_91[0] : f32 from vector<1xf32>
    %broadcast_in_dim3A_93 = vector.broadcast %squeeze3A_92 : f32 to vector<16xf32>
    %slice3A_94 = vector.extract_strided_slice %bitcast3A_42 {offsets = [10], sizes = [1], strides = [1]} : vector<16xf32> to vector<1xf32>
    %squeeze3A_95 = vector.extract %slice3A_94[0] : f32 from vector<1xf32>
    %broadcast_in_dim3A_96 = vector.broadcast %squeeze3A_95 : f32 to vector<16xf32>
    %slice3A_97 = vector.extract_strided_slice %bitcast3A_42 {offsets = [11], sizes = [1], strides = [1]} : vector<16xf32> to vector<1xf32>
    %squeeze3A_98 = vector.extract %slice3A_97[0] : f32 from vector<1xf32>
    %broadcast_in_dim3A_99 = vector.broadcast %squeeze3A_98 : f32 to vector<16xf32>
    %slice3A_100 = vector.extract_strided_slice %bitcast3A_42 {offsets = [12], sizes = [1], strides = [1]} : vector<16xf32> to vector<1xf32>
    %squeeze3A_101 = vector.extract %slice3A_100[0] : f32 from vector<1xf32>
    %broadcast_in_dim3A_102 = vector.broadcast %squeeze3A_101 : f32 to vector<16xf32>
    %slice3A_103 = vector.extract_strided_slice %bitcast3A_42 {offsets = [13], sizes = [1], strides = [1]} : vector<16xf32> to vector<1xf32>
    %squeeze3A_104 = vector.extract %slice3A_103[0] : f32 from vector<1xf32>
    %broadcast_in_dim3A_105 = vector.broadcast %squeeze3A_104 : f32 to vector<16xf32>
    %slice3A_106 = vector.extract_strided_slice %bitcast3A_42 {offsets = [14], sizes = [1], strides = [1]} : vector<16xf32> to vector<1xf32>
    %squeeze3A_107 = vector.extract %slice3A_106[0] : f32 from vector<1xf32>
    %broadcast_in_dim3A_108 = vector.broadcast %squeeze3A_107 : f32 to vector<16xf32>
    %slice3A_109 = vector.extract_strided_slice %bitcast3A_42 {offsets = [15], sizes = [1], strides = [1]} : vector<16xf32> to vector<1xf32>
    %squeeze3A_110 = vector.extract %slice3A_109[0] : f32 from vector<1xf32>
    %broadcast_in_dim3A_111 = vector.broadcast %squeeze3A_110 : f32 to vector<16xf32>
    %get3A_112 = arith.constant 24 : index
    %get3A_113 = tpu.vector_load %arg16[%get3A_112] {strides = array<i32>} : memref<224xf32, #tpu.memory_space<vmem>>, vector<16xf32>,
    %bitcast3A_114 = vector.bitcast %get3A_113 : vector<16xf32> to vector<16xi32>
    %add3A_115 = arith.constant 32767 : i32
    %add3A_116 = vector.broadcast %add3A_115 : i32 to vector<16xi32>
    %add3A_117 = arith.addi %bitcast3A_114, %add3A_116 : vector<16xi32>
    %shift_right_arithmetic3A_118 = arith.constant 16 : i32
    %shift_right_arithmetic3A_119 = vector.broadcast %shift_right_arithmetic3A_118 : i32 to vector<16xi32>
    %shift_right_arithmetic3A_120 = arith.shrsi %bitcast3A_114, %shift_right_arithmetic3A_119 : vector<16xi32>
    %and3A_121 = arith.constant 1 : i32
    %and3A_122 = vector.broadcast %and3A_121 : i32 to vector<16xi32>
    %and3A_123 = arith.andi %shift_right_arithmetic3A_120, %and3A_122 : vector<16xi32>
    %add3A_124 = arith.addi %add3A_117, %and3A_123 : vector<16xi32>
    %and3A_125 = arith.constant -65536 : i32
    %and3A_126 = vector.broadcast %and3A_125 : i32 to vector<16xi32>
    %and3A_127 = arith.andi %add3A_124, %and3A_126 : vector<16xi32>
    %bitcast3A_128 = vector.bitcast %and3A_127 : vector<16xi32> to vector<16xf32>
    %get3A_129 = arith.constant 32 : index
    %get3A_130 = tpu.vector_load %arg16[%get3A_129] {strides = array<i32>} : memref<224xf32, #tpu.memory_space<vmem>>, vector<16xf32>,
    %bitcast3A_131 = vector.bitcast %get3A_130 : vector<16xf32> to vector<16xi32>
    %add3A_132 = arith.constant 32767 : i32
    %add3A_133 = vector.broadcast %add3A_132 : i32 to vector<16xi32>
    %add3A_134 = arith.addi %bitcast3A_131, %add3A_133 : vector<16xi32>
    %shift_right_arithmetic3A_135 = arith.constant 16 : i32
    %shift_right_arithmetic3A_136 = vector.broadcast %shift_right_arithmetic3A_135 : i32 to vector<16xi32>
    %shift_right_arithmetic3A_137 = arith.shrsi %bitcast3A_131, %shift_right_arithmetic3A_136 : vector<16xi32>
    %and3A_138 = arith.constant 1 : i32
    %and3A_139 = vector.broadcast %and3A_138 : i32 to vector<16xi32>
    %and3A_140 = arith.andi %shift_right_arithmetic3A_137, %and3A_139 : vector<16xi32>
    %add3A_141 = arith.addi %add3A_134, %and3A_140 : vector<16xi32>
    %and3A_142 = arith.constant -65536 : i32
    %and3A_143 = vector.broadcast %and3A_142 : i32 to vector<16xi32>
    %and3A_144 = arith.andi %add3A_141, %and3A_143 : vector<16xi32>
    %bitcast3A_145 = vector.bitcast %and3A_144 : vector<16xi32> to vector<16xf32>
    %slice3A_146 = vector.extract_strided_slice %bitcast3A_128 {offsets = [0], sizes = [1], strides = [1]} : vector<16xf32> to vector<1xf32>
    %squeeze3A_147 = vector.extract %slice3A_146[0] : f32 from vector<1xf32>
    %broadcast_in_dim3A_148 = vector.broadcast %squeeze3A_147 : f32 to vector<16xf32>
    %slice3A_149 = vector.extract_strided_slice %bitcast3A_128 {offsets = [1], sizes = [1], strides = [1]} : vector<16xf32> to vector<1xf32>
    %squeeze3A_150 = vector.extract %slice3A_149[0] : f32 from vector<1xf32>
    %broadcast_in_dim3A_151 = vector.broadcast %squeeze3A_150 : f32 to vector<16xf32>
    %slice3A_152 = vector.extract_strided_slice %bitcast3A_128 {offsets = [2], sizes = [1], strides = [1]} : vector<16xf32> to vector<1xf32>
    %squeeze3A_153 = vector.extract %slice3A_152[0] : f32 from vector<1xf32>
    %broadcast_in_dim3A_154 = vector.broadcast %squeeze3A_153 : f32 to vector<16xf32>
    %slice3A_155 = vector.extract_strided_slice %bitcast3A_128 {offsets = [3], sizes = [1], strides = [1]} : vector<16xf32> to vector<1xf32>
    %squeeze3A_156 = vector.extract %slice3A_155[0] : f32 from vector<1xf32>
    %broadcast_in_dim3A_157 = vector.broadcast %squeeze3A_156 : f32 to vector<16xf32>
    %slice3A_158 = vector.extract_strided_slice %bitcast3A_128 {offsets = [4], sizes = [1], strides = [1]} : vector<16xf32> to vector<1xf32>
    %squeeze3A_159 = vector.extract %slice3A_158[0] : f32 from vector<1xf32>
    %broadcast_in_dim3A_160 = vector.broadcast %squeeze3A_159 : f32 to vector<16xf32>
    %slice3A_161 = vector.extract_strided_slice %bitcast3A_128 {offsets = [5], sizes = [1], strides = [1]} : vector<16xf32> to vector<1xf32>
    %squeeze3A_162 = vector.extract %slice3A_161[0] : f32 from vector<1xf32>
    %broadcast_in_dim3A_163 = vector.broadcast %squeeze3A_162 : f32 to vector<16xf32>
    %slice3A_164 = vector.extract_strided_slice %bitcast3A_128 {offsets = [6], sizes = [1], strides = [1]} : vector<16xf32> to vector<1xf32>
    %squeeze3A_165 = vector.extract %slice3A_164[0] : f32 from vector<1xf32>
    %broadcast_in_dim3A_166 = vector.broadcast %squeeze3A_165 : f32 to vector<16xf32>
    %slice3A_167 = vector.extract_strided_slice %bitcast3A_128 {offsets = [7], sizes = [1], strides = [1]} : vector<16xf32> to vector<1xf32>
    %squeeze3A_168 = vector.extract %slice3A_167[0] : f32 from vector<1xf32>
    %broadcast_in_dim3A_169 = vector.broadcast %squeeze3A_168 : f32 to vector<16xf32>
    %slice3A_170 = vector.extract_strided_slice %bitcast3A_128 {offsets = [8], sizes = [1], strides = [1]} : vector<16xf32> to vector<1xf32>
    %squeeze3A_171 = vector.extract %slice3A_170[0] : f32 from vector<1xf32>
    %broadcast_in_dim3A_172 = vector.broadcast %squeeze3A_171 : f32 to vector<16xf32>
    %slice3A_173 = vector.extract_strided_slice %bitcast3A_128 {offsets = [9], sizes = [1], strides = [1]} : vector<16xf32> to vector<1xf32>
    %squeeze3A_174 = vector.extract %slice3A_173[0] : f32 from vector<1xf32>
    %broadcast_in_dim3A_175 = vector.broadcast %squeeze3A_174 : f32 to vector<16xf32>
    %slice3A_176 = vector.extract_strided_slice %bitcast3A_128 {offsets = [10], sizes = [1], strides = [1]} : vector<16xf32> to vector<1xf32>
    %squeeze3A_177 = vector.extract %slice3A_176[0] : f32 from vector<1xf32>
    %broadcast_in_dim3A_178 = vector.broadcast %squeeze3A_177 : f32 to vector<16xf32>
    %slice3A_179 = vector.extract_strided_slice %bitcast3A_128 {offsets = [11], sizes = [1], strides = [1]} : vector<16xf32> to vector<1xf32>
    %squeeze3A_180 = vector.extract %slice3A_179[0] : f32 from vector<1xf32>
    %broadcast_in_dim3A_181 = vector.broadcast %squeeze3A_180 : f32 to vector<16xf32>
    %slice3A_182 = vector.extract_strided_slice %bitcast3A_128 {offsets = [12], sizes = [1], strides = [1]} : vector<16xf32> to vector<1xf32>
    %squeeze3A_183 = vector.extract %slice3A_182[0] : f32 from vector<1xf32>
    %broadcast_in_dim3A_184 = vector.broadcast %squeeze3A_183 : f32 to vector<16xf32>
    %slice3A_185 = vector.extract_strided_slice %bitcast3A_128 {offsets = [13], sizes = [1], strides = [1]} : vector<16xf32> to vector<1xf32>
    %squeeze3A_186 = vector.extract %slice3A_185[0] : f32 from vector<1xf32>
    %broadcast_in_dim3A_187 = vector.broadcast %squeeze3A_186 : f32 to vector<16xf32>
    %slice3A_188 = vector.extract_strided_slice %bitcast3A_128 {offsets = [14], sizes = [1], strides = [1]} : vector<16xf32> to vector<1xf32>
    %squeeze3A_189 = vector.extract %slice3A_188[0] : f32 from vector<1xf32>
    %broadcast_in_dim3A_190 = vector.broadcast %squeeze3A_189 : f32 to vector<16xf32>
    %slice3A_191 = vector.extract_strided_slice %bitcast3A_128 {offsets = [15], sizes = [1], strides = [1]} : vector<16xf32> to vector<1xf32>
    %squeeze3A_192 = vector.extract %slice3A_191[0] : f32 from vector<1xf32>
    %broadcast_in_dim3A_193 = vector.broadcast %squeeze3A_192 : f32 to vector<16xf32>
    %slice3A_194 = vector.extract_strided_slice %bitcast3A_145 {offsets = [8], sizes = [1], strides = [1]} : vector<16xf32> to vector<1xf32>
    %squeeze3A_195 = vector.extract %slice3A_194[0] : f32 from vector<1xf32>
    %broadcast_in_dim3A_196 = vector.broadcast %squeeze3A_195 : f32 to vector<16xf32>
    %slice3A_197 = vector.extract_strided_slice %bitcast3A_145 {offsets = [9], sizes = [1], strides = [1]} : vector<16xf32> to vector<1xf32>
    %squeeze3A_198 = vector.extract %slice3A_197[0] : f32 from vector<1xf32>
    %broadcast_in_dim3A_199 = vector.broadcast %squeeze3A_198 : f32 to vector<16xf32>
    %slice3A_200 = vector.extract_strided_slice %bitcast3A_145 {offsets = [10], sizes = [1], strides = [1]} : vector<16xf32> to vector<1xf32>
    %squeeze3A_201 = vector.extract %slice3A_200[0] : f32 from vector<1xf32>
    %broadcast_in_dim3A_202 = vector.broadcast %squeeze3A_201 : f32 to vector<16xf32>
    %slice3A_203 = vector.extract_strided_slice %bitcast3A_145 {offsets = [11], sizes = [1], strides = [1]} : vector<16xf32> to vector<1xf32>
    %squeeze3A_204 = vector.extract %slice3A_203[0] : f32 from vector<1xf32>
    %broadcast_in_dim3A_205 = vector.broadcast %squeeze3A_204 : f32 to vector<16xf32>
    %slice3A_206 = vector.extract_strided_slice %bitcast3A_145 {offsets = [12], sizes = [1], strides = [1]} : vector<16xf32> to vector<1xf32>
    %squeeze3A_207 = vector.extract %slice3A_206[0] : f32 from vector<1xf32>
    %broadcast_in_dim3A_208 = vector.broadcast %squeeze3A_207 : f32 to vector<16xf32>
    %slice3A_209 = vector.extract_strided_slice %bitcast3A_145 {offsets = [13], sizes = [1], strides = [1]} : vector<16xf32> to vector<1xf32>
    %squeeze3A_210 = vector.extract %slice3A_209[0] : f32 from vector<1xf32>
    %broadcast_in_dim3A_211 = vector.broadcast %squeeze3A_210 : f32 to vector<16xf32>
    %slice3A_212 = vector.extract_strided_slice %bitcast3A_145 {offsets = [14], sizes = [1], strides = [1]} : vector<16xf32> to vector<1xf32>
    %squeeze3A_213 = vector.extract %slice3A_212[0] : f32 from vector<1xf32>
    %broadcast_in_dim3A_214 = vector.broadcast %squeeze3A_213 : f32 to vector<16xf32>
    %slice3A_215 = vector.extract_strided_slice %bitcast3A_145 {offsets = [15], sizes = [1], strides = [1]} : vector<16xf32> to vector<1xf32>
    %squeeze3A_216 = vector.extract %slice3A_215[0] : f32 from vector<1xf32>
    %broadcast_in_dim3A_217 = vector.broadcast %squeeze3A_216 : f32 to vector<16xf32>
    %get3A_218 = arith.constant 48 : index
    %get3A_219 = tpu.vector_load %arg16[%get3A_218] {strides = array<i32>} : memref<224xf32, #tpu.memory_space<vmem>>, vector<16xf32>,
    %bitcast3A_220 = vector.bitcast %get3A_219 : vector<16xf32> to vector<16xi32>
    %add3A_221 = arith.constant 32767 : i32
    %add3A_222 = vector.broadcast %add3A_221 : i32 to vector<16xi32>
    %add3A_223 = arith.addi %bitcast3A_220, %add3A_222 : vector<16xi32>
    %shift_right_arithmetic3A_224 = arith.constant 16 : i32
    %shift_right_arithmetic3A_225 = vector.broadcast %shift_right_arithmetic3A_224 : i32 to vector<16xi32>
    %shift_right_arithmetic3A_226 = arith.shrsi %bitcast3A_220, %shift_right_arithmetic3A_225 : vector<16xi32>
    %and3A_227 = arith.constant 1 : i32
    %and3A_228 = vector.broadcast %and3A_227 : i32 to vector<16xi32>
    %and3A_229 = arith.andi %shift_right_arithmetic3A_226, %and3A_228 : vector<16xi32>
    %add3A_230 = arith.addi %add3A_223, %and3A_229 : vector<16xi32>
    %and3A_231 = arith.constant -65536 : i32
    %and3A_232 = vector.broadcast %and3A_231 : i32 to vector<16xi32>
    %and3A_233 = arith.andi %add3A_230, %and3A_232 : vector<16xi32>
    %bitcast3A_234 = vector.bitcast %and3A_233 : vector<16xi32> to vector<16xf32>
    %get3A_235 = arith.constant 56 : index
    %get3A_236 = tpu.vector_load %arg16[%get3A_235] {strides = array<i32>} : memref<224xf32, #tpu.memory_space<vmem>>, vector<16xf32>,
    %bitcast3A_237 = vector.bitcast %get3A_236 : vector<16xf32> to vector<16xi32>
    %add3A_238 = arith.constant 32767 : i32
    %add3A_239 = vector.broadcast %add3A_238 : i32 to vector<16xi32>
    %add3A_240 = arith.addi %bitcast3A_237, %add3A_239 : vector<16xi32>
    %shift_right_arithmetic3A_241 = arith.constant 16 : i32
    %shift_right_arithmetic3A_242 = vector.broadcast %shift_right_arithmetic3A_241 : i32 to vector<16xi32>
    %shift_right_arithmetic3A_243 = arith.shrsi %bitcast3A_237, %shift_right_arithmetic3A_242 : vector<16xi32>
    %and3A_244 = arith.constant 1 : i32
    %and3A_245 = vector.broadcast %and3A_244 : i32 to vector<16xi32>
    %and3A_246 = arith.andi %shift_right_arithmetic3A_243, %and3A_245 : vector<16xi32>
    %add3A_247 = arith.addi %add3A_240, %and3A_246 : vector<16xi32>
    %and3A_248 = arith.constant -65536 : i32
    %and3A_249 = vector.broadcast %and3A_248 : i32 to vector<16xi32>
    %and3A_250 = arith.andi %add3A_247, %and3A_249 : vector<16xi32>
    %bitcast3A_251 = vector.bitcast %and3A_250 : vector<16xi32> to vector<16xf32>
    %slice3A_252 = vector.extract_strided_slice %bitcast3A_234 {offsets = [0], sizes = [1], strides = [1]} : vector<16xf32> to vector<1xf32>
    %squeeze3A_253 = vector.extract %slice3A_252[0] : f32 from vector<1xf32>
    %broadcast_in_dim3A_254 = vector.broadcast %squeeze3A_253 : f32 to vector<16xf32>
    %slice3A_255 = vector.extract_strided_slice %bitcast3A_234 {offsets = [1], sizes = [1], strides = [1]} : vector<16xf32> to vector<1xf32>
    %squeeze3A_256 = vector.extract %slice3A_255[0] : f32 from vector<1xf32>
    %broadcast_in_dim3A_257 = vector.broadcast %squeeze3A_256 : f32 to vector<16xf32>
    %slice3A_258 = vector.extract_strided_slice %bitcast3A_234 {offsets = [2], sizes = [1], strides = [1]} : vector<16xf32> to vector<1xf32>
    %squeeze3A_259 = vector.extract %slice3A_258[0] : f32 from vector<1xf32>
    %broadcast_in_dim3A_260 = vector.broadcast %squeeze3A_259 : f32 to vector<16xf32>
    %slice3A_261 = vector.extract_strided_slice %bitcast3A_234 {offsets = [3], sizes = [1], strides = [1]} : vector<16xf32> to vector<1xf32>
    %squeeze3A_262 = vector.extract %slice3A_261[0] : f32 from vector<1xf32>
    %broadcast_in_dim3A_263 = vector.broadcast %squeeze3A_262 : f32 to vector<16xf32>
    %slice3A_264 = vector.extract_strided_slice %bitcast3A_234 {offsets = [4], sizes = [1], strides = [1]} : vector<16xf32> to vector<1xf32>
    %squeeze3A_265 = vector.extract %slice3A_264[0] : f32 from vector<1xf32>
    %broadcast_in_dim3A_266 = vector.broadcast %squeeze3A_265 : f32 to vector<16xf32>
    %slice3A_267 = vector.extract_strided_slice %bitcast3A_234 {offsets = [5], sizes = [1], strides = [1]} : vector<16xf32> to vector<1xf32>
    %squeeze3A_268 = vector.extract %slice3A_267[0] : f32 from vector<1xf32>
    %broadcast_in_dim3A_269 = vector.broadcast %squeeze3A_268 : f32 to vector<16xf32>
    %slice3A_270 = vector.extract_strided_slice %bitcast3A_234 {offsets = [6], sizes = [1], strides = [1]} : vector<16xf32> to vector<1xf32>
    %squeeze3A_271 = vector.extract %slice3A_270[0] : f32 from vector<1xf32>
    %broadcast_in_dim3A_272 = vector.broadcast %squeeze3A_271 : f32 to vector<16xf32>
    %slice3A_273 = vector.extract_strided_slice %bitcast3A_234 {offsets = [7], sizes = [1], strides = [1]} : vector<16xf32> to vector<1xf32>
    %squeeze3A_274 = vector.extract %slice3A_273[0] : f32 from vector<1xf32>
    %broadcast_in_dim3A_275 = vector.broadcast %squeeze3A_274 : f32 to vector<16xf32>
    %slice3A_276 = vector.extract_strided_slice %bitcast3A_234 {offsets = [8], sizes = [1], strides = [1]} : vector<16xf32> to vector<1xf32>
    %squeeze3A_277 = vector.extract %slice3A_276[0] : f32 from vector<1xf32>
    %broadcast_in_dim3A_278 = vector.broadcast %squeeze3A_277 : f32 to vector<16xf32>
    %slice3A_279 = vector.extract_strided_slice %bitcast3A_234 {offsets = [9], sizes = [1], strides = [1]} : vector<16xf32> to vector<1xf32>
    %squeeze3A_280 = vector.extract %slice3A_279[0] : f32 from vector<1xf32>
    %broadcast_in_dim3A_281 = vector.broadcast %squeeze3A_280 : f32 to vector<16xf32>
    %slice3A_282 = vector.extract_strided_slice %bitcast3A_234 {offsets = [10], sizes = [1], strides = [1]} : vector<16xf32> to vector<1xf32>
    %squeeze3A_283 = vector.extract %slice3A_282[0] : f32 from vector<1xf32>
    %broadcast_in_dim3A_284 = vector.broadcast %squeeze3A_283 : f32 to vector<16xf32>
    %slice3A_285 = vector.extract_strided_slice %bitcast3A_234 {offsets = [11], sizes = [1], strides = [1]} : vector<16xf32> to vector<1xf32>
    %squeeze3A_286 = vector.extract %slice3A_285[0] : f32 from vector<1xf32>
    %broadcast_in_dim3A_287 = vector.broadcast %squeeze3A_286 : f32 to vector<16xf32>
    %slice3A_288 = vector.extract_strided_slice %bitcast3A_234 {offsets = [12], sizes = [1], strides = [1]} : vector<16xf32> to vector<1xf32>
    %squeeze3A_289 = vector.extract %slice3A_288[0] : f32 from vector<1xf32>
    %broadcast_in_dim3A_290 = vector.broadcast %squeeze3A_289 : f32 to vector<16xf32>
    %slice3A_291 = vector.extract_strided_slice %bitcast3A_234 {offsets = [13], sizes = [1], strides = [1]} : vector<16xf32> to vector<1xf32>
    %squeeze3A_292 = vector.extract %slice3A_291[0] : f32 from vector<1xf32>
    %broadcast_in_dim3A_293 = vector.broadcast %squeeze3A_292 : f32 to vector<16xf32>
    %slice3A_294 = vector.extract_strided_slice %bitcast3A_234 {offsets = [14], sizes = [1], strides = [1]} : vector<16xf32> to vector<1xf32>
    %squeeze3A_295 = vector.extract %slice3A_294[0] : f32 from vector<1xf32>
    %broadcast_in_dim3A_296 = vector.broadcast %squeeze3A_295 : f32 to vector<16xf32>
    %slice3A_297 = vector.extract_strided_slice %bitcast3A_234 {offsets = [15], sizes = [1], strides = [1]} : vector<16xf32> to vector<1xf32>
    %squeeze3A_298 = vector.extract %slice3A_297[0] : f32 from vector<1xf32>
    %broadcast_in_dim3A_299 = vector.broadcast %squeeze3A_298 : f32 to vector<16xf32>
    %slice3A_300 = vector.extract_strided_slice %bitcast3A_251 {offsets = [8], sizes = [1], strides = [1]} : vector<16xf32> to vector<1xf32>
    %squeeze3A_301 = vector.extract %slice3A_300[0] : f32 from vector<1xf32>
    %broadcast_in_dim3A_302 = vector.broadcast %squeeze3A_301 : f32 to vector<16xf32>
    %slice3A_303 = vector.extract_strided_slice %bitcast3A_251 {offsets = [9], sizes = [1], strides = [1]} : vector<16xf32> to vector<1xf32>
    %squeeze3A_304 = vector.extract %slice3A_303[0] : f32 from vector<1xf32>
    %broadcast_in_dim3A_305 = vector.broadcast %squeeze3A_304 : f32 to vector<16xf32>
    %slice3A_306 = vector.extract_strided_slice %bitcast3A_251 {offsets = [10], sizes = [1], strides = [1]} : vector<16xf32> to vector<1xf32>
    %squeeze3A_307 = vector.extract %slice3A_306[0] : f32 from vector<1xf32>
    %broadcast_in_dim3A_308 = vector.broadcast %squeeze3A_307 : f32 to vector<16xf32>
    %slice3A_309 = vector.extract_strided_slice %bitcast3A_251 {offsets = [11], sizes = [1], strides = [1]} : vector<16xf32> to vector<1xf32>
    %squeeze3A_310 = vector.extract %slice3A_309[0] : f32 from vector<1xf32>
    %broadcast_in_dim3A_311 = vector.broadcast %squeeze3A_310 : f32 to vector<16xf32>
    %slice3A_312 = vector.extract_strided_slice %bitcast3A_251 {offsets = [12], sizes = [1], strides = [1]} : vector<16xf32> to vector<1xf32>
    %squeeze3A_313 = vector.extract %slice3A_312[0] : f32 from vector<1xf32>
    %broadcast_in_dim3A_314 = vector.broadcast %squeeze3A_313 : f32 to vector<16xf32>
    %slice3A_315 = vector.extract_strided_slice %bitcast3A_251 {offsets = [13], sizes = [1], strides = [1]} : vector<16xf32> to vector<1xf32>
    %squeeze3A_316 = vector.extract %slice3A_315[0] : f32 from vector<1xf32>
    %broadcast_in_dim3A_317 = vector.broadcast %squeeze3A_316 : f32 to vector<16xf32>
    %slice3A_318 = vector.extract_strided_slice %bitcast3A_251 {offsets = [14], sizes = [1], strides = [1]} : vector<16xf32> to vector<1xf32>
    %squeeze3A_319 = vector.extract %slice3A_318[0] : f32 from vector<1xf32>
    %broadcast_in_dim3A_320 = vector.broadcast %squeeze3A_319 : f32 to vector<16xf32>
    %slice3A_321 = vector.extract_strided_slice %bitcast3A_251 {offsets = [15], sizes = [1], strides = [1]} : vector<16xf32> to vector<1xf32>
    %squeeze3A_322 = vector.extract %slice3A_321[0] : f32 from vector<1xf32>
    %broadcast_in_dim3A_323 = vector.broadcast %squeeze3A_322 : f32 to vector<16xf32>
    %get3A_324 = arith.constant 72 : index
    %get3A_325 = tpu.vector_load %arg16[%get3A_324] {strides = array<i32>} : memref<224xf32, #tpu.memory_space<vmem>>, vector<16xf32>,
    %bitcast3A_326 = vector.bitcast %get3A_325 : vector<16xf32> to vector<16xi32>
    %add3A_327 = arith.constant 32767 : i32
    %add3A_328 = vector.broadcast %add3A_327 : i32 to vector<16xi32>
    %add3A_329 = arith.addi %bitcast3A_326, %add3A_328 : vector<16xi32>
    %shift_right_arithmetic3A_330 = arith.constant 16 : i32
    %shift_right_arithmetic3A_331 = vector.broadcast %shift_right_arithmetic3A_330 : i32 to vector<16xi32>
    %shift_right_arithmetic3A_332 = arith.shrsi %bitcast3A_326, %shift_right_arithmetic3A_331 : vector<16xi32>
    %and3A_333 = arith.constant 1 : i32
    %and3A_334 = vector.broadcast %and3A_333 : i32 to vector<16xi32>
    %and3A_335 = arith.andi %shift_right_arithmetic3A_332, %and3A_334 : vector<16xi32>
    %add3A_336 = arith.addi %add3A_329, %and3A_335 : vector<16xi32>
    %and3A_337 = arith.constant -65536 : i32
    %and3A_338 = vector.broadcast %and3A_337 : i32 to vector<16xi32>
    %and3A_339 = arith.andi %add3A_336, %and3A_338 : vector<16xi32>
    %bitcast3A_340 = vector.bitcast %and3A_339 : vector<16xi32> to vector<16xf32>
    %get3A_341 = arith.constant 80 : index
    %get3A_342 = tpu.vector_load %arg16[%get3A_341] {strides = array<i32>} : memref<224xf32, #tpu.memory_space<vmem>>, vector<16xf32>,
    %bitcast3A_343 = vector.bitcast %get3A_342 : vector<16xf32> to vector<16xi32>
    %add3A_344 = arith.constant 32767 : i32
    %add3A_345 = vector.broadcast %add3A_344 : i32 to vector<16xi32>
    %add3A_346 = arith.addi %bitcast3A_343, %add3A_345 : vector<16xi32>
    %shift_right_arithmetic3A_347 = arith.constant 16 : i32
    %shift_right_arithmetic3A_348 = vector.broadcast %shift_right_arithmetic3A_347 : i32 to vector<16xi32>
    %shift_right_arithmetic3A_349 = arith.shrsi %bitcast3A_343, %shift_right_arithmetic3A_348 : vector<16xi32>
    %and3A_350 = arith.constant 1 : i32
    %and3A_351 = vector.broadcast %and3A_350 : i32 to vector<16xi32>
    %and3A_352 = arith.andi %shift_right_arithmetic3A_349, %and3A_351 : vector<16xi32>
    %add3A_353 = arith.addi %add3A_346, %and3A_352 : vector<16xi32>
    %and3A_354 = arith.constant -65536 : i32
    %and3A_355 = vector.broadcast %and3A_354 : i32 to vector<16xi32>
    %and3A_356 = arith.andi %add3A_353, %and3A_355 : vector<16xi32>
    %bitcast3A_357 = vector.bitcast %and3A_356 : vector<16xi32> to vector<16xf32>
    %slice3A_358 = vector.extract_strided_slice %bitcast3A_340 {offsets = [0], sizes = [1], strides = [1]} : vector<16xf32> to vector<1xf32>
    %squeeze3A_359 = vector.extract %slice3A_358[0] : f32 from vector<1xf32>
    %broadcast_in_dim3A_360 = vector.broadcast %squeeze3A_359 : f32 to vector<16xf32>
    %slice3A_361 = vector.extract_strided_slice %bitcast3A_340 {offsets = [1], sizes = [1], strides = [1]} : vector<16xf32> to vector<1xf32>
    %squeeze3A_362 = vector.extract %slice3A_361[0] : f32 from vector<1xf32>
    %broadcast_in_dim3A_363 = vector.broadcast %squeeze3A_362 : f32 to vector<16xf32>
    %slice3A_364 = vector.extract_strided_slice %bitcast3A_340 {offsets = [2], sizes = [1], strides = [1]} : vector<16xf32> to vector<1xf32>
    %squeeze3A_365 = vector.extract %slice3A_364[0] : f32 from vector<1xf32>
    %broadcast_in_dim3A_366 = vector.broadcast %squeeze3A_365 : f32 to vector<16xf32>
    %slice3A_367 = vector.extract_strided_slice %bitcast3A_340 {offsets = [3], sizes = [1], strides = [1]} : vector<16xf32> to vector<1xf32>
    %squeeze3A_368 = vector.extract %slice3A_367[0] : f32 from vector<1xf32>
    %broadcast_in_dim3A_369 = vector.broadcast %squeeze3A_368 : f32 to vector<16xf32>
    %slice3A_370 = vector.extract_strided_slice %bitcast3A_340 {offsets = [4], sizes = [1], strides = [1]} : vector<16xf32> to vector<1xf32>
    %squeeze3A_371 = vector.extract %slice3A_370[0] : f32 from vector<1xf32>
    %broadcast_in_dim3A_372 = vector.broadcast %squeeze3A_371 : f32 to vector<16xf32>
    %slice3A_373 = vector.extract_strided_slice %bitcast3A_340 {offsets = [5], sizes = [1], strides = [1]} : vector<16xf32> to vector<1xf32>
    %squeeze3A_374 = vector.extract %slice3A_373[0] : f32 from vector<1xf32>
    %broadcast_in_dim3A_375 = vector.broadcast %squeeze3A_374 : f32 to vector<16xf32>
    %slice3A_376 = vector.extract_strided_slice %bitcast3A_340 {offsets = [6], sizes = [1], strides = [1]} : vector<16xf32> to vector<1xf32>
    %squeeze3A_377 = vector.extract %slice3A_376[0] : f32 from vector<1xf32>
    %broadcast_in_dim3A_378 = vector.broadcast %squeeze3A_377 : f32 to vector<16xf32>
    %slice3A_379 = vector.extract_strided_slice %bitcast3A_340 {offsets = [7], sizes = [1], strides = [1]} : vector<16xf32> to vector<1xf32>
    %squeeze3A_380 = vector.extract %slice3A_379[0] : f32 from vector<1xf32>
    %broadcast_in_dim3A_381 = vector.broadcast %squeeze3A_380 : f32 to vector<16xf32>
    %slice3A_382 = vector.extract_strided_slice %bitcast3A_340 {offsets = [8], sizes = [1], strides = [1]} : vector<16xf32> to vector<1xf32>
    %squeeze3A_383 = vector.extract %slice3A_382[0] : f32 from vector<1xf32>
    %broadcast_in_dim3A_384 = vector.broadcast %squeeze3A_383 : f32 to vector<16xf32>
    %slice3A_385 = vector.extract_strided_slice %bitcast3A_340 {offsets = [9], sizes = [1], strides = [1]} : vector<16xf32> to vector<1xf32>
    %squeeze3A_386 = vector.extract %slice3A_385[0] : f32 from vector<1xf32>
    %broadcast_in_dim3A_387 = vector.broadcast %squeeze3A_386 : f32 to vector<16xf32>
    %slice3A_388 = vector.extract_strided_slice %bitcast3A_340 {offsets = [10], sizes = [1], strides = [1]} : vector<16xf32> to vector<1xf32>
    %squeeze3A_389 = vector.extract %slice3A_388[0] : f32 from vector<1xf32>
    %broadcast_in_dim3A_390 = vector.broadcast %squeeze3A_389 : f32 to vector<16xf32>
    %slice3A_391 = vector.extract_strided_slice %bitcast3A_340 {offsets = [11], sizes = [1], strides = [1]} : vector<16xf32> to vector<1xf32>
    %squeeze3A_392 = vector.extract %slice3A_391[0] : f32 from vector<1xf32>
    %broadcast_in_dim3A_393 = vector.broadcast %squeeze3A_392 : f32 to vector<16xf32>
    %slice3A_394 = vector.extract_strided_slice %bitcast3A_340 {offsets = [12], sizes = [1], strides = [1]} : vector<16xf32> to vector<1xf32>
    %squeeze3A_395 = vector.extract %slice3A_394[0] : f32 from vector<1xf32>
    %broadcast_in_dim3A_396 = vector.broadcast %squeeze3A_395 : f32 to vector<16xf32>
    %slice3A_397 = vector.extract_strided_slice %bitcast3A_340 {offsets = [13], sizes = [1], strides = [1]} : vector<16xf32> to vector<1xf32>
    %squeeze3A_398 = vector.extract %slice3A_397[0] : f32 from vector<1xf32>
    %broadcast_in_dim3A_399 = vector.broadcast %squeeze3A_398 : f32 to vector<16xf32>
    %slice3A_400 = vector.extract_strided_slice %bitcast3A_340 {offsets = [14], sizes = [1], strides = [1]} : vector<16xf32> to vector<1xf32>
    %squeeze3A_401 = vector.extract %slice3A_400[0] : f32 from vector<1xf32>
    %broadcast_in_dim3A_402 = vector.broadcast %squeeze3A_401 : f32 to vector<16xf32>
    %slice3A_403 = vector.extract_strided_slice %bitcast3A_340 {offsets = [15], sizes = [1], strides = [1]} : vector<16xf32> to vector<1xf32>
    %squeeze3A_404 = vector.extract %slice3A_403[0] : f32 from vector<1xf32>
    %broadcast_in_dim3A_405 = vector.broadcast %squeeze3A_404 : f32 to vector<16xf32>
    %slice3A_406 = vector.extract_strided_slice %bitcast3A_357 {offsets = [8], sizes = [1], strides = [1]} : vector<16xf32> to vector<1xf32>
    %squeeze3A_407 = vector.extract %slice3A_406[0] : f32 from vector<1xf32>
    %broadcast_in_dim3A_408 = vector.broadcast %squeeze3A_407 : f32 to vector<16xf32>
    %slice3A_409 = vector.extract_strided_slice %bitcast3A_357 {offsets = [9], sizes = [1], strides = [1]} : vector<16xf32> to vector<1xf32>
    %squeeze3A_410 = vector.extract %slice3A_409[0] : f32 from vector<1xf32>
    %broadcast_in_dim3A_411 = vector.broadcast %squeeze3A_410 : f32 to vector<16xf32>
    %slice3A_412 = vector.extract_strided_slice %bitcast3A_357 {offsets = [10], sizes = [1], strides = [1]} : vector<16xf32> to vector<1xf32>
    %squeeze3A_413 = vector.extract %slice3A_412[0] : f32 from vector<1xf32>
    %broadcast_in_dim3A_414 = vector.broadcast %squeeze3A_413 : f32 to vector<16xf32>
    %slice3A_415 = vector.extract_strided_slice %bitcast3A_357 {offsets = [11], sizes = [1], strides = [1]} : vector<16xf32> to vector<1xf32>
    %squeeze3A_416 = vector.extract %slice3A_415[0] : f32 from vector<1xf32>
    %broadcast_in_dim3A_417 = vector.broadcast %squeeze3A_416 : f32 to vector<16xf32>
    %slice3A_418 = vector.extract_strided_slice %bitcast3A_357 {offsets = [12], sizes = [1], strides = [1]} : vector<16xf32> to vector<1xf32>
    %squeeze3A_419 = vector.extract %slice3A_418[0] : f32 from vector<1xf32>
    %broadcast_in_dim3A_420 = vector.broadcast %squeeze3A_419 : f32 to vector<16xf32>
    %slice3A_421 = vector.extract_strided_slice %bitcast3A_357 {offsets = [13], sizes = [1], strides = [1]} : vector<16xf32> to vector<1xf32>
    %squeeze3A_422 = vector.extract %slice3A_421[0] : f32 from vector<1xf32>
    %broadcast_in_dim3A_423 = vector.broadcast %squeeze3A_422 : f32 to vector<16xf32>
    %slice3A_424 = vector.extract_strided_slice %bitcast3A_357 {offsets = [14], sizes = [1], strides = [1]} : vector<16xf32> to vector<1xf32>
    %squeeze3A_425 = vector.extract %slice3A_424[0] : f32 from vector<1xf32>
    %broadcast_in_dim3A_426 = vector.broadcast %squeeze3A_425 : f32 to vector<16xf32>
    %slice3A_427 = vector.extract_strided_slice %bitcast3A_357 {offsets = [15], sizes = [1], strides = [1]} : vector<16xf32> to vector<1xf32>
    %squeeze3A_428 = vector.extract %slice3A_427[0] : f32 from vector<1xf32>
    %broadcast_in_dim3A_429 = vector.broadcast %squeeze3A_428 : f32 to vector<16xf32>
    %get3A_430 = arith.constant 96 : index
    %get3A_431 = tpu.vector_load %arg16[%get3A_430] {strides = array<i32>} : memref<224xf32, #tpu.memory_space<vmem>>, vector<16xf32>,
    %bitcast3A_432 = vector.bitcast %get3A_431 : vector<16xf32> to vector<16xi32>
    %add3A_433 = arith.constant 32767 : i32
    %add3A_434 = vector.broadcast %add3A_433 : i32 to vector<16xi32>
    %add3A_435 = arith.addi %bitcast3A_432, %add3A_434 : vector<16xi32>
    %shift_right_arithmetic3A_436 = arith.constant 16 : i32
    %shift_right_arithmetic3A_437 = vector.broadcast %shift_right_arithmetic3A_436 : i32 to vector<16xi32>
    %shift_right_arithmetic3A_438 = arith.shrsi %bitcast3A_432, %shift_right_arithmetic3A_437 : vector<16xi32>
    %and3A_439 = arith.constant 1 : i32
    %and3A_440 = vector.broadcast %and3A_439 : i32 to vector<16xi32>
    %and3A_441 = arith.andi %shift_right_arithmetic3A_438, %and3A_440 : vector<16xi32>
    %add3A_442 = arith.addi %add3A_435, %and3A_441 : vector<16xi32>
    %and3A_443 = arith.constant -65536 : i32
    %and3A_444 = vector.broadcast %and3A_443 : i32 to vector<16xi32>
    %and3A_445 = arith.andi %add3A_442, %and3A_444 : vector<16xi32>
    %bitcast3A_446 = vector.bitcast %and3A_445 : vector<16xi32> to vector<16xf32>
    %get3A_447 = arith.constant 104 : index
    %get3A_448 = tpu.vector_load %arg16[%get3A_447] {strides = array<i32>} : memref<224xf32, #tpu.memory_space<vmem>>, vector<16xf32>,
    %bitcast3A_449 = vector.bitcast %get3A_448 : vector<16xf32> to vector<16xi32>
    %add3A_450 = arith.constant 32767 : i32
    %add3A_451 = vector.broadcast %add3A_450 : i32 to vector<16xi32>
    %add3A_452 = arith.addi %bitcast3A_449, %add3A_451 : vector<16xi32>
    %shift_right_arithmetic3A_453 = arith.constant 16 : i32
    %shift_right_arithmetic3A_454 = vector.broadcast %shift_right_arithmetic3A_453 : i32 to vector<16xi32>
    %shift_right_arithmetic3A_455 = arith.shrsi %bitcast3A_449, %shift_right_arithmetic3A_454 : vector<16xi32>
    %and3A_456 = arith.constant 1 : i32
    %and3A_457 = vector.broadcast %and3A_456 : i32 to vector<16xi32>
    %and3A_458 = arith.andi %shift_right_arithmetic3A_455, %and3A_457 : vector<16xi32>
    %add3A_459 = arith.addi %add3A_452, %and3A_458 : vector<16xi32>
    %and3A_460 = arith.constant -65536 : i32
    %and3A_461 = vector.broadcast %and3A_460 : i32 to vector<16xi32>
    %and3A_462 = arith.andi %add3A_459, %and3A_461 : vector<16xi32>
    %bitcast3A_463 = vector.bitcast %and3A_462 : vector<16xi32> to vector<16xf32>
    %slice3A_464 = vector.extract_strided_slice %bitcast3A_446 {offsets = [0], sizes = [1], strides = [1]} : vector<16xf32> to vector<1xf32>
    %squeeze3A_465 = vector.extract %slice3A_464[0] : f32 from vector<1xf32>
    %broadcast_in_dim3A_466 = vector.broadcast %squeeze3A_465 : f32 to vector<16xf32>
    %slice3A_467 = vector.extract_strided_slice %bitcast3A_446 {offsets = [1], sizes = [1], strides = [1]} : vector<16xf32> to vector<1xf32>
    %squeeze3A_468 = vector.extract %slice3A_467[0] : f32 from vector<1xf32>
    %broadcast_in_dim3A_469 = vector.broadcast %squeeze3A_468 : f32 to vector<16xf32>
    %slice3A_470 = vector.extract_strided_slice %bitcast3A_446 {offsets = [2], sizes = [1], strides = [1]} : vector<16xf32> to vector<1xf32>
    %squeeze3A_471 = vector.extract %slice3A_470[0] : f32 from vector<1xf32>
    %broadcast_in_dim3A_472 = vector.broadcast %squeeze3A_471 : f32 to vector<16xf32>
    %slice3A_473 = vector.extract_strided_slice %bitcast3A_446 {offsets = [3], sizes = [1], strides = [1]} : vector<16xf32> to vector<1xf32>
    %squeeze3A_474 = vector.extract %slice3A_473[0] : f32 from vector<1xf32>
    %broadcast_in_dim3A_475 = vector.broadcast %squeeze3A_474 : f32 to vector<16xf32>
    %slice3A_476 = vector.extract_strided_slice %bitcast3A_446 {offsets = [4], sizes = [1], strides = [1]} : vector<16xf32> to vector<1xf32>
    %squeeze3A_477 = vector.extract %slice3A_476[0] : f32 from vector<1xf32>
    %broadcast_in_dim3A_478 = vector.broadcast %squeeze3A_477 : f32 to vector<16xf32>
    %slice3A_479 = vector.extract_strided_slice %bitcast3A_446 {offsets = [5], sizes = [1], strides = [1]} : vector<16xf32> to vector<1xf32>
    %squeeze3A_480 = vector.extract %slice3A_479[0] : f32 from vector<1xf32>
    %broadcast_in_dim3A_481 = vector.broadcast %squeeze3A_480 : f32 to vector<16xf32>
    %slice3A_482 = vector.extract_strided_slice %bitcast3A_446 {offsets = [6], sizes = [1], strides = [1]} : vector<16xf32> to vector<1xf32>
    %squeeze3A_483 = vector.extract %slice3A_482[0] : f32 from vector<1xf32>
    %broadcast_in_dim3A_484 = vector.broadcast %squeeze3A_483 : f32 to vector<16xf32>
    %slice3A_485 = vector.extract_strided_slice %bitcast3A_446 {offsets = [7], sizes = [1], strides = [1]} : vector<16xf32> to vector<1xf32>
    %squeeze3A_486 = vector.extract %slice3A_485[0] : f32 from vector<1xf32>
    %broadcast_in_dim3A_487 = vector.broadcast %squeeze3A_486 : f32 to vector<16xf32>
    %slice3A_488 = vector.extract_strided_slice %bitcast3A_446 {offsets = [8], sizes = [1], strides = [1]} : vector<16xf32> to vector<1xf32>
    %squeeze3A_489 = vector.extract %slice3A_488[0] : f32 from vector<1xf32>
    %broadcast_in_dim3A_490 = vector.broadcast %squeeze3A_489 : f32 to vector<16xf32>
    %slice3A_491 = vector.extract_strided_slice %bitcast3A_446 {offsets = [9], sizes = [1], strides = [1]} : vector<16xf32> to vector<1xf32>
    %squeeze3A_492 = vector.extract %slice3A_491[0] : f32 from vector<1xf32>
    %broadcast_in_dim3A_493 = vector.broadcast %squeeze3A_492 : f32 to vector<16xf32>
    %slice3A_494 = vector.extract_strided_slice %bitcast3A_446 {offsets = [10], sizes = [1], strides = [1]} : vector<16xf32> to vector<1xf32>
    %squeeze3A_495 = vector.extract %slice3A_494[0] : f32 from vector<1xf32>
    %broadcast_in_dim3A_496 = vector.broadcast %squeeze3A_495 : f32 to vector<16xf32>
    %slice3A_497 = vector.extract_strided_slice %bitcast3A_446 {offsets = [11], sizes = [1], strides = [1]} : vector<16xf32> to vector<1xf32>
    %squeeze3A_498 = vector.extract %slice3A_497[0] : f32 from vector<1xf32>
    %broadcast_in_dim3A_499 = vector.broadcast %squeeze3A_498 : f32 to vector<16xf32>
    %slice3A_500 = vector.extract_strided_slice %bitcast3A_446 {offsets = [12], sizes = [1], strides = [1]} : vector<16xf32> to vector<1xf32>
    %squeeze3A_501 = vector.extract %slice3A_500[0] : f32 from vector<1xf32>
    %broadcast_in_dim3A_502 = vector.broadcast %squeeze3A_501 : f32 to vector<16xf32>
    %slice3A_503 = vector.extract_strided_slice %bitcast3A_446 {offsets = [13], sizes = [1], strides = [1]} : vector<16xf32> to vector<1xf32>
    %squeeze3A_504 = vector.extract %slice3A_503[0] : f32 from vector<1xf32>
    %broadcast_in_dim3A_505 = vector.broadcast %squeeze3A_504 : f32 to vector<16xf32>
    %slice3A_506 = vector.extract_strided_slice %bitcast3A_446 {offsets = [14], sizes = [1], strides = [1]} : vector<16xf32> to vector<1xf32>
    %squeeze3A_507 = vector.extract %slice3A_506[0] : f32 from vector<1xf32>
    %broadcast_in_dim3A_508 = vector.broadcast %squeeze3A_507 : f32 to vector<16xf32>
    %slice3A_509 = vector.extract_strided_slice %bitcast3A_446 {offsets = [15], sizes = [1], strides = [1]} : vector<16xf32> to vector<1xf32>
    %squeeze3A_510 = vector.extract %slice3A_509[0] : f32 from vector<1xf32>
    %broadcast_in_dim3A_511 = vector.broadcast %squeeze3A_510 : f32 to vector<16xf32>
    %slice3A_512 = vector.extract_strided_slice %bitcast3A_463 {offsets = [8], sizes = [1], strides = [1]} : vector<16xf32> to vector<1xf32>
    %squeeze3A_513 = vector.extract %slice3A_512[0] : f32 from vector<1xf32>
    %broadcast_in_dim3A_514 = vector.broadcast %squeeze3A_513 : f32 to vector<16xf32>
    %slice3A_515 = vector.extract_strided_slice %bitcast3A_463 {offsets = [9], sizes = [1], strides = [1]} : vector<16xf32> to vector<1xf32>
    %squeeze3A_516 = vector.extract %slice3A_515[0] : f32 from vector<1xf32>
    %broadcast_in_dim3A_517 = vector.broadcast %squeeze3A_516 : f32 to vector<16xf32>
    %slice3A_518 = vector.extract_strided_slice %bitcast3A_463 {offsets = [10], sizes = [1], strides = [1]} : vector<16xf32> to vector<1xf32>
    %squeeze3A_519 = vector.extract %slice3A_518[0] : f32 from vector<1xf32>
    %broadcast_in_dim3A_520 = vector.broadcast %squeeze3A_519 : f32 to vector<16xf32>
    %slice3A_521 = vector.extract_strided_slice %bitcast3A_463 {offsets = [11], sizes = [1], strides = [1]} : vector<16xf32> to vector<1xf32>
    %squeeze3A_522 = vector.extract %slice3A_521[0] : f32 from vector<1xf32>
    %broadcast_in_dim3A_523 = vector.broadcast %squeeze3A_522 : f32 to vector<16xf32>
    %slice3A_524 = vector.extract_strided_slice %bitcast3A_463 {offsets = [12], sizes = [1], strides = [1]} : vector<16xf32> to vector<1xf32>
    %squeeze3A_525 = vector.extract %slice3A_524[0] : f32 from vector<1xf32>
    %broadcast_in_dim3A_526 = vector.broadcast %squeeze3A_525 : f32 to vector<16xf32>
    %slice3A_527 = vector.extract_strided_slice %bitcast3A_463 {offsets = [13], sizes = [1], strides = [1]} : vector<16xf32> to vector<1xf32>
    %squeeze3A_528 = vector.extract %slice3A_527[0] : f32 from vector<1xf32>
    %broadcast_in_dim3A_529 = vector.broadcast %squeeze3A_528 : f32 to vector<16xf32>
    %slice3A_530 = vector.extract_strided_slice %bitcast3A_463 {offsets = [14], sizes = [1], strides = [1]} : vector<16xf32> to vector<1xf32>
    %squeeze3A_531 = vector.extract %slice3A_530[0] : f32 from vector<1xf32>
    %broadcast_in_dim3A_532 = vector.broadcast %squeeze3A_531 : f32 to vector<16xf32>
    %slice3A_533 = vector.extract_strided_slice %bitcast3A_463 {offsets = [15], sizes = [1], strides = [1]} : vector<16xf32> to vector<1xf32>
    %squeeze3A_534 = vector.extract %slice3A_533[0] : f32 from vector<1xf32>
    %broadcast_in_dim3A_535 = vector.broadcast %squeeze3A_534 : f32 to vector<16xf32>
    %get3A_536 = arith.constant 120 : index
    %get3A_537 = tpu.vector_load %arg16[%get3A_536] {strides = array<i32>} : memref<224xf32, #tpu.memory_space<vmem>>, vector<16xf32>,
    %bitcast3A_538 = vector.bitcast %get3A_537 : vector<16xf32> to vector<16xi32>
    %add3A_539 = arith.constant 32767 : i32
    %add3A_540 = vector.broadcast %add3A_539 : i32 to vector<16xi32>
    %add3A_541 = arith.addi %bitcast3A_538, %add3A_540 : vector<16xi32>
    %shift_right_arithmetic3A_542 = arith.constant 16 : i32
    %shift_right_arithmetic3A_543 = vector.broadcast %shift_right_arithmetic3A_542 : i32 to vector<16xi32>
    %shift_right_arithmetic3A_544 = arith.shrsi %bitcast3A_538, %shift_right_arithmetic3A_543 : vector<16xi32>
    %and3A_545 = arith.constant 1 : i32
    %and3A_546 = vector.broadcast %and3A_545 : i32 to vector<16xi32>
    %and3A_547 = arith.andi %shift_right_arithmetic3A_544, %and3A_546 : vector<16xi32>
    %add3A_548 = arith.addi %add3A_541, %and3A_547 : vector<16xi32>
    %and3A_549 = arith.constant -65536 : i32
    %and3A_550 = vector.broadcast %and3A_549 : i32 to vector<16xi32>
    %and3A_551 = arith.andi %add3A_548, %and3A_550 : vector<16xi32>
    %bitcast3A_552 = vector.bitcast %and3A_551 : vector<16xi32> to vector<16xf32>
    %get3A_553 = arith.constant 128 : index
    %get3A_554 = tpu.vector_load %arg16[%get3A_553] {strides = array<i32>} : memref<224xf32, #tpu.memory_space<vmem>>, vector<16xf32>,
    %bitcast3A_555 = vector.bitcast %get3A_554 : vector<16xf32> to vector<16xi32>
    %add3A_556 = arith.constant 32767 : i32
    %add3A_557 = vector.broadcast %add3A_556 : i32 to vector<16xi32>
    %add3A_558 = arith.addi %bitcast3A_555, %add3A_557 : vector<16xi32>
    %shift_right_arithmetic3A_559 = arith.constant 16 : i32
    %shift_right_arithmetic3A_560 = vector.broadcast %shift_right_arithmetic3A_559 : i32 to vector<16xi32>
    %shift_right_arithmetic3A_561 = arith.shrsi %bitcast3A_555, %shift_right_arithmetic3A_560 : vector<16xi32>
    %and3A_562 = arith.constant 1 : i32
    %and3A_563 = vector.broadcast %and3A_562 : i32 to vector<16xi32>
    %and3A_564 = arith.andi %shift_right_arithmetic3A_561, %and3A_563 : vector<16xi32>
    %add3A_565 = arith.addi %add3A_558, %and3A_564 : vector<16xi32>
    %and3A_566 = arith.constant -65536 : i32
    %and3A_567 = vector.broadcast %and3A_566 : i32 to vector<16xi32>
    %and3A_568 = arith.andi %add3A_565, %and3A_567 : vector<16xi32>
    %bitcast3A_569 = vector.bitcast %and3A_568 : vector<16xi32> to vector<16xf32>
    %slice3A_570 = vector.extract_strided_slice %bitcast3A_552 {offsets = [0], sizes = [1], strides = [1]} : vector<16xf32> to vector<1xf32>
    %squeeze3A_571 = vector.extract %slice3A_570[0] : f32 from vector<1xf32>
    %broadcast_in_dim3A_572 = vector.broadcast %squeeze3A_571 : f32 to vector<16xf32>
    %slice3A_573 = vector.extract_strided_slice %bitcast3A_552 {offsets = [1], sizes = [1], strides = [1]} : vector<16xf32> to vector<1xf32>
    %squeeze3A_574 = vector.extract %slice3A_573[0] : f32 from vector<1xf32>
    %broadcast_in_dim3A_575 = vector.broadcast %squeeze3A_574 : f32 to vector<16xf32>
    %slice3A_576 = vector.extract_strided_slice %bitcast3A_552 {offsets = [2], sizes = [1], strides = [1]} : vector<16xf32> to vector<1xf32>
    %squeeze3A_577 = vector.extract %slice3A_576[0] : f32 from vector<1xf32>
    %broadcast_in_dim3A_578 = vector.broadcast %squeeze3A_577 : f32 to vector<16xf32>
    %slice3A_579 = vector.extract_strided_slice %bitcast3A_552 {offsets = [3], sizes = [1], strides = [1]} : vector<16xf32> to vector<1xf32>
    %squeeze3A_580 = vector.extract %slice3A_579[0] : f32 from vector<1xf32>
    %broadcast_in_dim3A_581 = vector.broadcast %squeeze3A_580 : f32 to vector<16xf32>
    %slice3A_582 = vector.extract_strided_slice %bitcast3A_552 {offsets = [4], sizes = [1], strides = [1]} : vector<16xf32> to vector<1xf32>
    %squeeze3A_583 = vector.extract %slice3A_582[0] : f32 from vector<1xf32>
    %broadcast_in_dim3A_584 = vector.broadcast %squeeze3A_583 : f32 to vector<16xf32>
    %slice3A_585 = vector.extract_strided_slice %bitcast3A_552 {offsets = [5], sizes = [1], strides = [1]} : vector<16xf32> to vector<1xf32>
    %squeeze3A_586 = vector.extract %slice3A_585[0] : f32 from vector<1xf32>
    %broadcast_in_dim3A_587 = vector.broadcast %squeeze3A_586 : f32 to vector<16xf32>
    %slice3A_588 = vector.extract_strided_slice %bitcast3A_552 {offsets = [6], sizes = [1], strides = [1]} : vector<16xf32> to vector<1xf32>
    %squeeze3A_589 = vector.extract %slice3A_588[0] : f32 from vector<1xf32>
    %broadcast_in_dim3A_590 = vector.broadcast %squeeze3A_589 : f32 to vector<16xf32>
    %slice3A_591 = vector.extract_strided_slice %bitcast3A_552 {offsets = [7], sizes = [1], strides = [1]} : vector<16xf32> to vector<1xf32>
    %squeeze3A_592 = vector.extract %slice3A_591[0] : f32 from vector<1xf32>
    %broadcast_in_dim3A_593 = vector.broadcast %squeeze3A_592 : f32 to vector<16xf32>
    %slice3A_594 = vector.extract_strided_slice %bitcast3A_552 {offsets = [8], sizes = [1], strides = [1]} : vector<16xf32> to vector<1xf32>
    %squeeze3A_595 = vector.extract %slice3A_594[0] : f32 from vector<1xf32>
    %broadcast_in_dim3A_596 = vector.broadcast %squeeze3A_595 : f32 to vector<16xf32>
    %slice3A_597 = vector.extract_strided_slice %bitcast3A_552 {offsets = [9], sizes = [1], strides = [1]} : vector<16xf32> to vector<1xf32>
    %squeeze3A_598 = vector.extract %slice3A_597[0] : f32 from vector<1xf32>
    %broadcast_in_dim3A_599 = vector.broadcast %squeeze3A_598 : f32 to vector<16xf32>
    %slice3A_600 = vector.extract_strided_slice %bitcast3A_552 {offsets = [10], sizes = [1], strides = [1]} : vector<16xf32> to vector<1xf32>
    %squeeze3A_601 = vector.extract %slice3A_600[0] : f32 from vector<1xf32>
    %broadcast_in_dim3A_602 = vector.broadcast %squeeze3A_601 : f32 to vector<16xf32>
    %slice3A_603 = vector.extract_strided_slice %bitcast3A_552 {offsets = [11], sizes = [1], strides = [1]} : vector<16xf32> to vector<1xf32>
    %squeeze3A_604 = vector.extract %slice3A_603[0] : f32 from vector<1xf32>
    %broadcast_in_dim3A_605 = vector.broadcast %squeeze3A_604 : f32 to vector<16xf32>
    %slice3A_606 = vector.extract_strided_slice %bitcast3A_552 {offsets = [12], sizes = [1], strides = [1]} : vector<16xf32> to vector<1xf32>
    %squeeze3A_607 = vector.extract %slice3A_606[0] : f32 from vector<1xf32>
    %broadcast_in_dim3A_608 = vector.broadcast %squeeze3A_607 : f32 to vector<16xf32>
    %slice3A_609 = vector.extract_strided_slice %bitcast3A_552 {offsets = [13], sizes = [1], strides = [1]} : vector<16xf32> to vector<1xf32>
    %squeeze3A_610 = vector.extract %slice3A_609[0] : f32 from vector<1xf32>
    %broadcast_in_dim3A_611 = vector.broadcast %squeeze3A_610 : f32 to vector<16xf32>
    %slice3A_612 = vector.extract_strided_slice %bitcast3A_552 {offsets = [14], sizes = [1], strides = [1]} : vector<16xf32> to vector<1xf32>
    %squeeze3A_613 = vector.extract %slice3A_612[0] : f32 from vector<1xf32>
    %broadcast_in_dim3A_614 = vector.broadcast %squeeze3A_613 : f32 to vector<16xf32>
    %slice3A_615 = vector.extract_strided_slice %bitcast3A_552 {offsets = [15], sizes = [1], strides = [1]} : vector<16xf32> to vector<1xf32>
    %squeeze3A_616 = vector.extract %slice3A_615[0] : f32 from vector<1xf32>
    %broadcast_in_dim3A_617 = vector.broadcast %squeeze3A_616 : f32 to vector<16xf32>
    %slice3A_618 = vector.extract_strided_slice %bitcast3A_569 {offsets = [8], sizes = [1], strides = [1]} : vector<16xf32> to vector<1xf32>
    %squeeze3A_619 = vector.extract %slice3A_618[0] : f32 from vector<1xf32>
    %broadcast_in_dim3A_620 = vector.broadcast %squeeze3A_619 : f32 to vector<16xf32>
    %slice3A_621 = vector.extract_strided_slice %bitcast3A_569 {offsets = [9], sizes = [1], strides = [1]} : vector<16xf32> to vector<1xf32>
    %squeeze3A_622 = vector.extract %slice3A_621[0] : f32 from vector<1xf32>
    %broadcast_in_dim3A_623 = vector.broadcast %squeeze3A_622 : f32 to vector<16xf32>
    %slice3A_624 = vector.extract_strided_slice %bitcast3A_569 {offsets = [10], sizes = [1], strides = [1]} : vector<16xf32> to vector<1xf32>
    %squeeze3A_625 = vector.extract %slice3A_624[0] : f32 from vector<1xf32>
    %broadcast_in_dim3A_626 = vector.broadcast %squeeze3A_625 : f32 to vector<16xf32>
    %slice3A_627 = vector.extract_strided_slice %bitcast3A_569 {offsets = [11], sizes = [1], strides = [1]} : vector<16xf32> to vector<1xf32>
    %squeeze3A_628 = vector.extract %slice3A_627[0] : f32 from vector<1xf32>
    %broadcast_in_dim3A_629 = vector.broadcast %squeeze3A_628 : f32 to vector<16xf32>
    %slice3A_630 = vector.extract_strided_slice %bitcast3A_569 {offsets = [12], sizes = [1], strides = [1]} : vector<16xf32> to vector<1xf32>
    %squeeze3A_631 = vector.extract %slice3A_630[0] : f32 from vector<1xf32>
    %broadcast_in_dim3A_632 = vector.broadcast %squeeze3A_631 : f32 to vector<16xf32>
    %slice3A_633 = vector.extract_strided_slice %bitcast3A_569 {offsets = [13], sizes = [1], strides = [1]} : vector<16xf32> to vector<1xf32>
    %squeeze3A_634 = vector.extract %slice3A_633[0] : f32 from vector<1xf32>
    %broadcast_in_dim3A_635 = vector.broadcast %squeeze3A_634 : f32 to vector<16xf32>
    %slice3A_636 = vector.extract_strided_slice %bitcast3A_569 {offsets = [14], sizes = [1], strides = [1]} : vector<16xf32> to vector<1xf32>
    %squeeze3A_637 = vector.extract %slice3A_636[0] : f32 from vector<1xf32>
    %broadcast_in_dim3A_638 = vector.broadcast %squeeze3A_637 : f32 to vector<16xf32>
    %slice3A_639 = vector.extract_strided_slice %bitcast3A_569 {offsets = [15], sizes = [1], strides = [1]} : vector<16xf32> to vector<1xf32>
    %squeeze3A_640 = vector.extract %slice3A_639[0] : f32 from vector<1xf32>
    %broadcast_in_dim3A_641 = vector.broadcast %squeeze3A_640 : f32 to vector<16xf32>
    %get3A_642 = arith.constant 144 : index
    %get3A_643 = tpu.vector_load %arg16[%get3A_642] {strides = array<i32>} : memref<224xf32, #tpu.memory_space<vmem>>, vector<16xf32>,
    %bitcast3A_644 = vector.bitcast %get3A_643 : vector<16xf32> to vector<16xi32>
    %add3A_645 = arith.constant 32767 : i32
    %add3A_646 = vector.broadcast %add3A_645 : i32 to vector<16xi32>
    %add3A_647 = arith.addi %bitcast3A_644, %add3A_646 : vector<16xi32>
    %shift_right_arithmetic3A_648 = arith.constant 16 : i32
    %shift_right_arithmetic3A_649 = vector.broadcast %shift_right_arithmetic3A_648 : i32 to vector<16xi32>
    %shift_right_arithmetic3A_650 = arith.shrsi %bitcast3A_644, %shift_right_arithmetic3A_649 : vector<16xi32>
    %and3A_651 = arith.constant 1 : i32
    %and3A_652 = vector.broadcast %and3A_651 : i32 to vector<16xi32>
    %and3A_653 = arith.andi %shift_right_arithmetic3A_650, %and3A_652 : vector<16xi32>
    %add3A_654 = arith.addi %add3A_647, %and3A_653 : vector<16xi32>
    %and3A_655 = arith.constant -65536 : i32
    %and3A_656 = vector.broadcast %and3A_655 : i32 to vector<16xi32>
    %and3A_657 = arith.andi %add3A_654, %and3A_656 : vector<16xi32>
    %bitcast3A_658 = vector.bitcast %and3A_657 : vector<16xi32> to vector<16xf32>
    %get3A_659 = arith.constant 152 : index
    %get3A_660 = tpu.vector_load %arg16[%get3A_659] {strides = array<i32>} : memref<224xf32, #tpu.memory_space<vmem>>, vector<16xf32>,
    %bitcast3A_661 = vector.bitcast %get3A_660 : vector<16xf32> to vector<16xi32>
    %add3A_662 = arith.constant 32767 : i32
    %add3A_663 = vector.broadcast %add3A_662 : i32 to vector<16xi32>
    %add3A_664 = arith.addi %bitcast3A_661, %add3A_663 : vector<16xi32>
    %shift_right_arithmetic3A_665 = arith.constant 16 : i32
    %shift_right_arithmetic3A_666 = vector.broadcast %shift_right_arithmetic3A_665 : i32 to vector<16xi32>
    %shift_right_arithmetic3A_667 = arith.shrsi %bitcast3A_661, %shift_right_arithmetic3A_666 : vector<16xi32>
    %and3A_668 = arith.constant 1 : i32
    %and3A_669 = vector.broadcast %and3A_668 : i32 to vector<16xi32>
    %and3A_670 = arith.andi %shift_right_arithmetic3A_667, %and3A_669 : vector<16xi32>
    %add3A_671 = arith.addi %add3A_664, %and3A_670 : vector<16xi32>
    %and3A_672 = arith.constant -65536 : i32
    %and3A_673 = vector.broadcast %and3A_672 : i32 to vector<16xi32>
    %and3A_674 = arith.andi %add3A_671, %and3A_673 : vector<16xi32>
    %bitcast3A_675 = vector.bitcast %and3A_674 : vector<16xi32> to vector<16xf32>
    %slice3A_676 = vector.extract_strided_slice %bitcast3A_658 {offsets = [0], sizes = [1], strides = [1]} : vector<16xf32> to vector<1xf32>
    %squeeze3A_677 = vector.extract %slice3A_676[0] : f32 from vector<1xf32>
    %broadcast_in_dim3A_678 = vector.broadcast %squeeze3A_677 : f32 to vector<16xf32>
    %slice3A_679 = vector.extract_strided_slice %bitcast3A_658 {offsets = [1], sizes = [1], strides = [1]} : vector<16xf32> to vector<1xf32>
    %squeeze3A_680 = vector.extract %slice3A_679[0] : f32 from vector<1xf32>
    %broadcast_in_dim3A_681 = vector.broadcast %squeeze3A_680 : f32 to vector<16xf32>
    %slice3A_682 = vector.extract_strided_slice %bitcast3A_658 {offsets = [2], sizes = [1], strides = [1]} : vector<16xf32> to vector<1xf32>
    %squeeze3A_683 = vector.extract %slice3A_682[0] : f32 from vector<1xf32>
    %broadcast_in_dim3A_684 = vector.broadcast %squeeze3A_683 : f32 to vector<16xf32>
    %slice3A_685 = vector.extract_strided_slice %bitcast3A_658 {offsets = [3], sizes = [1], strides = [1]} : vector<16xf32> to vector<1xf32>
    %squeeze3A_686 = vector.extract %slice3A_685[0] : f32 from vector<1xf32>
    %broadcast_in_dim3A_687 = vector.broadcast %squeeze3A_686 : f32 to vector<16xf32>
    %slice3A_688 = vector.extract_strided_slice %bitcast3A_658 {offsets = [4], sizes = [1], strides = [1]} : vector<16xf32> to vector<1xf32>
    %squeeze3A_689 = vector.extract %slice3A_688[0] : f32 from vector<1xf32>
    %broadcast_in_dim3A_690 = vector.broadcast %squeeze3A_689 : f32 to vector<16xf32>
    %slice3A_691 = vector.extract_strided_slice %bitcast3A_658 {offsets = [5], sizes = [1], strides = [1]} : vector<16xf32> to vector<1xf32>
    %squeeze3A_692 = vector.extract %slice3A_691[0] : f32 from vector<1xf32>
    %broadcast_in_dim3A_693 = vector.broadcast %squeeze3A_692 : f32 to vector<16xf32>
    %slice3A_694 = vector.extract_strided_slice %bitcast3A_658 {offsets = [6], sizes = [1], strides = [1]} : vector<16xf32> to vector<1xf32>
    %squeeze3A_695 = vector.extract %slice3A_694[0] : f32 from vector<1xf32>
    %broadcast_in_dim3A_696 = vector.broadcast %squeeze3A_695 : f32 to vector<16xf32>
    %slice3A_697 = vector.extract_strided_slice %bitcast3A_658 {offsets = [7], sizes = [1], strides = [1]} : vector<16xf32> to vector<1xf32>
    %squeeze3A_698 = vector.extract %slice3A_697[0] : f32 from vector<1xf32>
    %broadcast_in_dim3A_699 = vector.broadcast %squeeze3A_698 : f32 to vector<16xf32>
    %slice3A_700 = vector.extract_strided_slice %bitcast3A_658 {offsets = [8], sizes = [1], strides = [1]} : vector<16xf32> to vector<1xf32>
    %squeeze3A_701 = vector.extract %slice3A_700[0] : f32 from vector<1xf32>
    %broadcast_in_dim3A_702 = vector.broadcast %squeeze3A_701 : f32 to vector<16xf32>
    %slice3A_703 = vector.extract_strided_slice %bitcast3A_658 {offsets = [9], sizes = [1], strides = [1]} : vector<16xf32> to vector<1xf32>
    %squeeze3A_704 = vector.extract %slice3A_703[0] : f32 from vector<1xf32>
    %broadcast_in_dim3A_705 = vector.broadcast %squeeze3A_704 : f32 to vector<16xf32>
    %slice3A_706 = vector.extract_strided_slice %bitcast3A_658 {offsets = [10], sizes = [1], strides = [1]} : vector<16xf32> to vector<1xf32>
    %squeeze3A_707 = vector.extract %slice3A_706[0] : f32 from vector<1xf32>
    %broadcast_in_dim3A_708 = vector.broadcast %squeeze3A_707 : f32 to vector<16xf32>
    %slice3A_709 = vector.extract_strided_slice %bitcast3A_658 {offsets = [11], sizes = [1], strides = [1]} : vector<16xf32> to vector<1xf32>
    %squeeze3A_710 = vector.extract %slice3A_709[0] : f32 from vector<1xf32>
    %broadcast_in_dim3A_711 = vector.broadcast %squeeze3A_710 : f32 to vector<16xf32>
    %slice3A_712 = vector.extract_strided_slice %bitcast3A_658 {offsets = [12], sizes = [1], strides = [1]} : vector<16xf32> to vector<1xf32>
    %squeeze3A_713 = vector.extract %slice3A_712[0] : f32 from vector<1xf32>
    %broadcast_in_dim3A_714 = vector.broadcast %squeeze3A_713 : f32 to vector<16xf32>
    %slice3A_715 = vector.extract_strided_slice %bitcast3A_658 {offsets = [13], sizes = [1], strides = [1]} : vector<16xf32> to vector<1xf32>
    %squeeze3A_716 = vector.extract %slice3A_715[0] : f32 from vector<1xf32>
    %broadcast_in_dim3A_717 = vector.broadcast %squeeze3A_716 : f32 to vector<16xf32>
    %slice3A_718 = vector.extract_strided_slice %bitcast3A_658 {offsets = [14], sizes = [1], strides = [1]} : vector<16xf32> to vector<1xf32>
    %squeeze3A_719 = vector.extract %slice3A_718[0] : f32 from vector<1xf32>
    %broadcast_in_dim3A_720 = vector.broadcast %squeeze3A_719 : f32 to vector<16xf32>
    %slice3A_721 = vector.extract_strided_slice %bitcast3A_658 {offsets = [15], sizes = [1], strides = [1]} : vector<16xf32> to vector<1xf32>
    %squeeze3A_722 = vector.extract %slice3A_721[0] : f32 from vector<1xf32>
    %broadcast_in_dim3A_723 = vector.broadcast %squeeze3A_722 : f32 to vector<16xf32>
    %slice3A_724 = vector.extract_strided_slice %bitcast3A_675 {offsets = [8], sizes = [1], strides = [1]} : vector<16xf32> to vector<1xf32>
    %squeeze3A_725 = vector.extract %slice3A_724[0] : f32 from vector<1xf32>
    %broadcast_in_dim3A_726 = vector.broadcast %squeeze3A_725 : f32 to vector<16xf32>
    %slice3A_727 = vector.extract_strided_slice %bitcast3A_675 {offsets = [9], sizes = [1], strides = [1]} : vector<16xf32> to vector<1xf32>
    %squeeze3A_728 = vector.extract %slice3A_727[0] : f32 from vector<1xf32>
    %broadcast_in_dim3A_729 = vector.broadcast %squeeze3A_728 : f32 to vector<16xf32>
    %slice3A_730 = vector.extract_strided_slice %bitcast3A_675 {offsets = [10], sizes = [1], strides = [1]} : vector<16xf32> to vector<1xf32>
    %squeeze3A_731 = vector.extract %slice3A_730[0] : f32 from vector<1xf32>
    %broadcast_in_dim3A_732 = vector.broadcast %squeeze3A_731 : f32 to vector<16xf32>
    %slice3A_733 = vector.extract_strided_slice %bitcast3A_675 {offsets = [11], sizes = [1], strides = [1]} : vector<16xf32> to vector<1xf32>
    %squeeze3A_734 = vector.extract %slice3A_733[0] : f32 from vector<1xf32>
    %broadcast_in_dim3A_735 = vector.broadcast %squeeze3A_734 : f32 to vector<16xf32>
    %slice3A_736 = vector.extract_strided_slice %bitcast3A_675 {offsets = [12], sizes = [1], strides = [1]} : vector<16xf32> to vector<1xf32>
    %squeeze3A_737 = vector.extract %slice3A_736[0] : f32 from vector<1xf32>
    %broadcast_in_dim3A_738 = vector.broadcast %squeeze3A_737 : f32 to vector<16xf32>
    %slice3A_739 = vector.extract_strided_slice %bitcast3A_675 {offsets = [13], sizes = [1], strides = [1]} : vector<16xf32> to vector<1xf32>
    %squeeze3A_740 = vector.extract %slice3A_739[0] : f32 from vector<1xf32>
    %broadcast_in_dim3A_741 = vector.broadcast %squeeze3A_740 : f32 to vector<16xf32>
    %slice3A_742 = vector.extract_strided_slice %bitcast3A_675 {offsets = [14], sizes = [1], strides = [1]} : vector<16xf32> to vector<1xf32>
    %squeeze3A_743 = vector.extract %slice3A_742[0] : f32 from vector<1xf32>
    %broadcast_in_dim3A_744 = vector.broadcast %squeeze3A_743 : f32 to vector<16xf32>
    %slice3A_745 = vector.extract_strided_slice %bitcast3A_675 {offsets = [15], sizes = [1], strides = [1]} : vector<16xf32> to vector<1xf32>
    %squeeze3A_746 = vector.extract %slice3A_745[0] : f32 from vector<1xf32>
    %broadcast_in_dim3A_747 = vector.broadcast %squeeze3A_746 : f32 to vector<16xf32>
    %get3A_748 = arith.constant 168 : index
    %get3A_749 = tpu.vector_load %arg16[%get3A_748] {strides = array<i32>} : memref<224xf32, #tpu.memory_space<vmem>>, vector<16xf32>,
    %bitcast3A_750 = vector.bitcast %get3A_749 : vector<16xf32> to vector<16xi32>
    %add3A_751 = arith.constant 32767 : i32
    %add3A_752 = vector.broadcast %add3A_751 : i32 to vector<16xi32>
    %add3A_753 = arith.addi %bitcast3A_750, %add3A_752 : vector<16xi32>
    %shift_right_arithmetic3A_754 = arith.constant 16 : i32
    %shift_right_arithmetic3A_755 = vector.broadcast %shift_right_arithmetic3A_754 : i32 to vector<16xi32>
    %shift_right_arithmetic3A_756 = arith.shrsi %bitcast3A_750, %shift_right_arithmetic3A_755 : vector<16xi32>
    %and3A_757 = arith.constant 1 : i32
    %and3A_758 = vector.broadcast %and3A_757 : i32 to vector<16xi32>
    %and3A_759 = arith.andi %shift_right_arithmetic3A_756, %and3A_758 : vector<16xi32>
    %add3A_760 = arith.addi %add3A_753, %and3A_759 : vector<16xi32>
    %and3A_761 = arith.constant -65536 : i32
    %and3A_762 = vector.broadcast %and3A_761 : i32 to vector<16xi32>
    %and3A_763 = arith.andi %add3A_760, %and3A_762 : vector<16xi32>
    %bitcast3A_764 = vector.bitcast %and3A_763 : vector<16xi32> to vector<16xf32>
    %get3A_765 = arith.constant 176 : index
    %get3A_766 = tpu.vector_load %arg16[%get3A_765] {strides = array<i32>} : memref<224xf32, #tpu.memory_space<vmem>>, vector<16xf32>,
    %bitcast3A_767 = vector.bitcast %get3A_766 : vector<16xf32> to vector<16xi32>
    %add3A_768 = arith.constant 32767 : i32
    %add3A_769 = vector.broadcast %add3A_768 : i32 to vector<16xi32>
    %add3A_770 = arith.addi %bitcast3A_767, %add3A_769 : vector<16xi32>
    %shift_right_arithmetic3A_771 = arith.constant 16 : i32
    %shift_right_arithmetic3A_772 = vector.broadcast %shift_right_arithmetic3A_771 : i32 to vector<16xi32>
    %shift_right_arithmetic3A_773 = arith.shrsi %bitcast3A_767, %shift_right_arithmetic3A_772 : vector<16xi32>
    %and3A_774 = arith.constant 1 : i32
    %and3A_775 = vector.broadcast %and3A_774 : i32 to vector<16xi32>
    %and3A_776 = arith.andi %shift_right_arithmetic3A_773, %and3A_775 : vector<16xi32>
    %add3A_777 = arith.addi %add3A_770, %and3A_776 : vector<16xi32>
    %and3A_778 = arith.constant -65536 : i32
    %and3A_779 = vector.broadcast %and3A_778 : i32 to vector<16xi32>
    %and3A_780 = arith.andi %add3A_777, %and3A_779 : vector<16xi32>
    %bitcast3A_781 = vector.bitcast %and3A_780 : vector<16xi32> to vector<16xf32>
    %slice3A_782 = vector.extract_strided_slice %bitcast3A_764 {offsets = [0], sizes = [1], strides = [1]} : vector<16xf32> to vector<1xf32>
    %squeeze3A_783 = vector.extract %slice3A_782[0] : f32 from vector<1xf32>
    %broadcast_in_dim3A_784 = vector.broadcast %squeeze3A_783 : f32 to vector<16xf32>
    %slice3A_785 = vector.extract_strided_slice %bitcast3A_764 {offsets = [1], sizes = [1], strides = [1]} : vector<16xf32> to vector<1xf32>
    %squeeze3A_786 = vector.extract %slice3A_785[0] : f32 from vector<1xf32>
    %broadcast_in_dim3A_787 = vector.broadcast %squeeze3A_786 : f32 to vector<16xf32>
    %slice3A_788 = vector.extract_strided_slice %bitcast3A_764 {offsets = [2], sizes = [1], strides = [1]} : vector<16xf32> to vector<1xf32>
    %squeeze3A_789 = vector.extract %slice3A_788[0] : f32 from vector<1xf32>
    %broadcast_in_dim3A_790 = vector.broadcast %squeeze3A_789 : f32 to vector<16xf32>
    %slice3A_791 = vector.extract_strided_slice %bitcast3A_764 {offsets = [3], sizes = [1], strides = [1]} : vector<16xf32> to vector<1xf32>
    %squeeze3A_792 = vector.extract %slice3A_791[0] : f32 from vector<1xf32>
    %broadcast_in_dim3A_793 = vector.broadcast %squeeze3A_792 : f32 to vector<16xf32>
    %slice3A_794 = vector.extract_strided_slice %bitcast3A_764 {offsets = [4], sizes = [1], strides = [1]} : vector<16xf32> to vector<1xf32>
    %squeeze3A_795 = vector.extract %slice3A_794[0] : f32 from vector<1xf32>
    %broadcast_in_dim3A_796 = vector.broadcast %squeeze3A_795 : f32 to vector<16xf32>
    %slice3A_797 = vector.extract_strided_slice %bitcast3A_764 {offsets = [5], sizes = [1], strides = [1]} : vector<16xf32> to vector<1xf32>
    %squeeze3A_798 = vector.extract %slice3A_797[0] : f32 from vector<1xf32>
    %broadcast_in_dim3A_799 = vector.broadcast %squeeze3A_798 : f32 to vector<16xf32>
    %slice3A_800 = vector.extract_strided_slice %bitcast3A_764 {offsets = [6], sizes = [1], strides = [1]} : vector<16xf32> to vector<1xf32>
    %squeeze3A_801 = vector.extract %slice3A_800[0] : f32 from vector<1xf32>
    %broadcast_in_dim3A_802 = vector.broadcast %squeeze3A_801 : f32 to vector<16xf32>
    %slice3A_803 = vector.extract_strided_slice %bitcast3A_764 {offsets = [7], sizes = [1], strides = [1]} : vector<16xf32> to vector<1xf32>
    %squeeze3A_804 = vector.extract %slice3A_803[0] : f32 from vector<1xf32>
    %broadcast_in_dim3A_805 = vector.broadcast %squeeze3A_804 : f32 to vector<16xf32>
    %slice3A_806 = vector.extract_strided_slice %bitcast3A_764 {offsets = [8], sizes = [1], strides = [1]} : vector<16xf32> to vector<1xf32>
    %squeeze3A_807 = vector.extract %slice3A_806[0] : f32 from vector<1xf32>
    %broadcast_in_dim3A_808 = vector.broadcast %squeeze3A_807 : f32 to vector<16xf32>
    %slice3A_809 = vector.extract_strided_slice %bitcast3A_764 {offsets = [9], sizes = [1], strides = [1]} : vector<16xf32> to vector<1xf32>
    %squeeze3A_810 = vector.extract %slice3A_809[0] : f32 from vector<1xf32>
    %broadcast_in_dim3A_811 = vector.broadcast %squeeze3A_810 : f32 to vector<16xf32>
    %slice3A_812 = vector.extract_strided_slice %bitcast3A_764 {offsets = [10], sizes = [1], strides = [1]} : vector<16xf32> to vector<1xf32>
    %squeeze3A_813 = vector.extract %slice3A_812[0] : f32 from vector<1xf32>
    %broadcast_in_dim3A_814 = vector.broadcast %squeeze3A_813 : f32 to vector<16xf32>
    %slice3A_815 = vector.extract_strided_slice %bitcast3A_764 {offsets = [11], sizes = [1], strides = [1]} : vector<16xf32> to vector<1xf32>
    %squeeze3A_816 = vector.extract %slice3A_815[0] : f32 from vector<1xf32>
    %broadcast_in_dim3A_817 = vector.broadcast %squeeze3A_816 : f32 to vector<16xf32>
    %slice3A_818 = vector.extract_strided_slice %bitcast3A_764 {offsets = [12], sizes = [1], strides = [1]} : vector<16xf32> to vector<1xf32>
    %squeeze3A_819 = vector.extract %slice3A_818[0] : f32 from vector<1xf32>
    %broadcast_in_dim3A_820 = vector.broadcast %squeeze3A_819 : f32 to vector<16xf32>
    %slice3A_821 = vector.extract_strided_slice %bitcast3A_764 {offsets = [13], sizes = [1], strides = [1]} : vector<16xf32> to vector<1xf32>
    %squeeze3A_822 = vector.extract %slice3A_821[0] : f32 from vector<1xf32>
    %broadcast_in_dim3A_823 = vector.broadcast %squeeze3A_822 : f32 to vector<16xf32>
    %slice3A_824 = vector.extract_strided_slice %bitcast3A_764 {offsets = [14], sizes = [1], strides = [1]} : vector<16xf32> to vector<1xf32>
    %squeeze3A_825 = vector.extract %slice3A_824[0] : f32 from vector<1xf32>
    %broadcast_in_dim3A_826 = vector.broadcast %squeeze3A_825 : f32 to vector<16xf32>
    %slice3A_827 = vector.extract_strided_slice %bitcast3A_764 {offsets = [15], sizes = [1], strides = [1]} : vector<16xf32> to vector<1xf32>
    %squeeze3A_828 = vector.extract %slice3A_827[0] : f32 from vector<1xf32>
    %broadcast_in_dim3A_829 = vector.broadcast %squeeze3A_828 : f32 to vector<16xf32>
    %slice3A_830 = vector.extract_strided_slice %bitcast3A_781 {offsets = [8], sizes = [1], strides = [1]} : vector<16xf32> to vector<1xf32>
    %squeeze3A_831 = vector.extract %slice3A_830[0] : f32 from vector<1xf32>
    %broadcast_in_dim3A_832 = vector.broadcast %squeeze3A_831 : f32 to vector<16xf32>
    %slice3A_833 = vector.extract_strided_slice %bitcast3A_781 {offsets = [9], sizes = [1], strides = [1]} : vector<16xf32> to vector<1xf32>
    %squeeze3A_834 = vector.extract %slice3A_833[0] : f32 from vector<1xf32>
    %broadcast_in_dim3A_835 = vector.broadcast %squeeze3A_834 : f32 to vector<16xf32>
    %slice3A_836 = vector.extract_strided_slice %bitcast3A_781 {offsets = [10], sizes = [1], strides = [1]} : vector<16xf32> to vector<1xf32>
    %squeeze3A_837 = vector.extract %slice3A_836[0] : f32 from vector<1xf32>
    %broadcast_in_dim3A_838 = vector.broadcast %squeeze3A_837 : f32 to vector<16xf32>
    %slice3A_839 = vector.extract_strided_slice %bitcast3A_781 {offsets = [11], sizes = [1], strides = [1]} : vector<16xf32> to vector<1xf32>
    %squeeze3A_840 = vector.extract %slice3A_839[0] : f32 from vector<1xf32>
    %broadcast_in_dim3A_841 = vector.broadcast %squeeze3A_840 : f32 to vector<16xf32>
    %slice3A_842 = vector.extract_strided_slice %bitcast3A_781 {offsets = [12], sizes = [1], strides = [1]} : vector<16xf32> to vector<1xf32>
    %squeeze3A_843 = vector.extract %slice3A_842[0] : f32 from vector<1xf32>
    %broadcast_in_dim3A_844 = vector.broadcast %squeeze3A_843 : f32 to vector<16xf32>
    %slice3A_845 = vector.extract_strided_slice %bitcast3A_781 {offsets = [13], sizes = [1], strides = [1]} : vector<16xf32> to vector<1xf32>
    %squeeze3A_846 = vector.extract %slice3A_845[0] : f32 from vector<1xf32>
    %broadcast_in_dim3A_847 = vector.broadcast %squeeze3A_846 : f32 to vector<16xf32>
    %slice3A_848 = vector.extract_strided_slice %bitcast3A_781 {offsets = [14], sizes = [1], strides = [1]} : vector<16xf32> to vector<1xf32>
    %squeeze3A_849 = vector.extract %slice3A_848[0] : f32 from vector<1xf32>
    %broadcast_in_dim3A_850 = vector.broadcast %squeeze3A_849 : f32 to vector<16xf32>
    %slice3A_851 = vector.extract_strided_slice %bitcast3A_781 {offsets = [15], sizes = [1], strides = [1]} : vector<16xf32> to vector<1xf32>
    %squeeze3A_852 = vector.extract %slice3A_851[0] : f32 from vector<1xf32>
    %broadcast_in_dim3A_853 = vector.broadcast %squeeze3A_852 : f32 to vector<16xf32>
    %get3A_854 = arith.constant 192 : index
    %get3A_855 = tpu.vector_load %arg16[%get3A_854] {strides = array<i32>} : memref<224xf32, #tpu.memory_space<vmem>>, vector<16xf32>,
    %slice3A_856 = vector.extract_strided_slice %get3A_855 {offsets = [0], sizes = [1], strides = [1]} : vector<16xf32> to vector<1xf32>
    %squeeze3A_857 = vector.extract %slice3A_856[0] : f32 from vector<1xf32>
    %broadcast_in_dim3A_858 = vector.broadcast %squeeze3A_857 : f32 to vector<16xf32>
    %get3A_859 = arith.constant 192 : index
    %get3A_860 = tpu.vector_load %arg16[%get3A_859] {strides = array<i32>} : memref<224xf32, #tpu.memory_space<vmem>>, vector<16xf32>,
    %slice3A_861 = vector.extract_strided_slice %get3A_860 {offsets = [1], sizes = [1], strides = [1]} : vector<16xf32> to vector<1xf32>
    %squeeze3A_862 = vector.extract %slice3A_861[0] : f32 from vector<1xf32>
    %broadcast_in_dim3A_863 = vector.broadcast %squeeze3A_862 : f32 to vector<16xf32>
    %get3A_864 = arith.constant 208 : index
    %get3A_865 = tpu.vector_load %arg16[%get3A_864] {strides = array<i32>} : memref<224xf32, #tpu.memory_space<vmem>>, vector<16xf32>,
    %bitcast3A_866 = vector.bitcast %get3A_865 : vector<16xf32> to vector<16xi32>
    %add3A_867 = arith.constant 32767 : i32
    %add3A_868 = vector.broadcast %add3A_867 : i32 to vector<16xi32>
    %add3A_869 = arith.addi %bitcast3A_866, %add3A_868 : vector<16xi32>
    %shift_right_arithmetic3A_870 = arith.constant 16 : i32
    %shift_right_arithmetic3A_871 = vector.broadcast %shift_right_arithmetic3A_870 : i32 to vector<16xi32>
    %shift_right_arithmetic3A_872 = arith.shrsi %bitcast3A_866, %shift_right_arithmetic3A_871 : vector<16xi32>
    %and3A_873 = arith.constant 1 : i32
    %and3A_874 = vector.broadcast %and3A_873 : i32 to vector<16xi32>
    %and3A_875 = arith.andi %shift_right_arithmetic3A_872, %and3A_874 : vector<16xi32>
    %add3A_876 = arith.addi %add3A_869, %and3A_875 : vector<16xi32>
    %and3A_877 = arith.constant -65536 : i32
    %and3A_878 = vector.broadcast %and3A_877 : i32 to vector<16xi32>
    %and3A_879 = arith.andi %add3A_876, %and3A_878 : vector<16xi32>
    %bitcast3A_880 = vector.bitcast %and3A_879 : vector<16xi32> to vector<16xf32>
    %slice3A_881 = vector.extract_strided_slice %bitcast3A_880 {offsets = [8], sizes = [1], strides = [1]} : vector<16xf32> to vector<1xf32>
    %squeeze3A_882 = vector.extract %slice3A_881[0] : f32 from vector<1xf32>
    %broadcast_in_dim3A_883 = vector.broadcast %squeeze3A_882 : f32 to vector<16xf32>
    %slice3A_884 = vector.extract_strided_slice %bitcast3A_880 {offsets = [9], sizes = [1], strides = [1]} : vector<16xf32> to vector<1xf32>
    %squeeze3A_885 = vector.extract %slice3A_884[0] : f32 from vector<1xf32>
    %broadcast_in_dim3A_886 = vector.broadcast %squeeze3A_885 : f32 to vector<16xf32>
    %slice3A_887 = vector.extract_strided_slice %bitcast3A_880 {offsets = [10], sizes = [1], strides = [1]} : vector<16xf32> to vector<1xf32>
    %squeeze3A_888 = vector.extract %slice3A_887[0] : f32 from vector<1xf32>
    %broadcast_in_dim3A_889 = vector.broadcast %squeeze3A_888 : f32 to vector<16xf32>
    %slice3A_890 = vector.extract_strided_slice %bitcast3A_880 {offsets = [11], sizes = [1], strides = [1]} : vector<16xf32> to vector<1xf32>
    %squeeze3A_891 = vector.extract %slice3A_890[0] : f32 from vector<1xf32>
    %broadcast_in_dim3A_892 = vector.broadcast %squeeze3A_891 : f32 to vector<16xf32>
    %slice3A_893 = vector.extract_strided_slice %bitcast3A_880 {offsets = [12], sizes = [1], strides = [1]} : vector<16xf32> to vector<1xf32>
    %squeeze3A_894 = vector.extract %slice3A_893[0] : f32 from vector<1xf32>
    %broadcast_in_dim3A_895 = vector.broadcast %squeeze3A_894 : f32 to vector<16xf32>
    %slice3A_896 = vector.extract_strided_slice %bitcast3A_880 {offsets = [13], sizes = [1], strides = [1]} : vector<16xf32> to vector<1xf32>
    %squeeze3A_897 = vector.extract %slice3A_896[0] : f32 from vector<1xf32>
    %broadcast_in_dim3A_898 = vector.broadcast %squeeze3A_897 : f32 to vector<16xf32>
    %slice3A_899 = vector.extract_strided_slice %bitcast3A_880 {offsets = [14], sizes = [1], strides = [1]} : vector<16xf32> to vector<1xf32>
    %squeeze3A_900 = vector.extract %slice3A_899[0] : f32 from vector<1xf32>
    %broadcast_in_dim3A_901 = vector.broadcast %squeeze3A_900 : f32 to vector<16xf32>
    %slice3A_902 = vector.extract_strided_slice %bitcast3A_880 {offsets = [15], sizes = [1], strides = [1]} : vector<16xf32> to vector<1xf32>
    %squeeze3A_903 = vector.extract %slice3A_902[0] : f32 from vector<1xf32>
    %broadcast_in_dim3A_904 = vector.broadcast %squeeze3A_903 : f32 to vector<16xf32>
    %scan3A = arith.constant 0 : i32
    %scan3A_905 = arith.constant 0 : i32
    %scan3A_906 = arith.constant 4 : i32
    %scan3A_907 = arith.addi %scan3A_905, %scan3A_906 : i32
    %scan3A_908 = arith.constant 1 : i32
    scf.for %scan3A_924 = %scan3A_905 to %scan3A_907 step %scan3A_908  : i32 {
      %mul3A_925 = arith.constant 16 : i32
      %mul3A_926 = arith.muli %scan3A_924, %mul3A_925 : i32
      %add3A_927 = vector.broadcast %mul3A_926 : i32 to vector<16xi32>
      %add3A_928 = arith.addi %add3A_927, %iota3A : vector<16xi32>
      %mul3A_929 = arith.constant 8 : i32
      %mul3A_930 = vector.broadcast %mul3A_929 : i32 to vector<16xi32>
      %mul3A_931 = arith.muli %add3A_928, %mul3A_930 : vector<16xi32>
      %add3A_932 = arith.constant 0 : i32
      %add3A_933 = vector.broadcast %add3A_932 : i32 to vector<16xi32>
      %add3A_934 = arith.addi %mul3A_931, %add3A_933 : vector<16xi32>
      %gather3A = tpu.vector_load_idx %arg11[%add3A_934] : memref<512xf32, #tpu.memory_space<vmem>>[vector<16xi32>], vector<16xf32>,
      %bitcast3A_935 = vector.bitcast %gather3A : vector<16xf32> to vector<16xi32>
      %add3A_936 = arith.constant 32767 : i32
      %add3A_937 = vector.broadcast %add3A_936 : i32 to vector<16xi32>
      %add3A_938 = arith.addi %bitcast3A_935, %add3A_937 : vector<16xi32>
      %shift_right_arithmetic3A_939 = arith.constant 16 : i32
      %shift_right_arithmetic3A_940 = vector.broadcast %shift_right_arithmetic3A_939 : i32 to vector<16xi32>
      %shift_right_arithmetic3A_941 = arith.shrsi %bitcast3A_935, %shift_right_arithmetic3A_940 : vector<16xi32>
      %and3A_942 = arith.constant 1 : i32
      %and3A_943 = vector.broadcast %and3A_942 : i32 to vector<16xi32>
      %and3A_944 = arith.andi %shift_right_arithmetic3A_941, %and3A_943 : vector<16xi32>
      %add3A_945 = arith.addi %add3A_938, %and3A_944 : vector<16xi32>
      %and3A_946 = arith.constant -65536 : i32
      %and3A_947 = vector.broadcast %and3A_946 : i32 to vector<16xi32>
      %and3A_948 = arith.andi %add3A_945, %and3A_947 : vector<16xi32>
      %bitcast3A_949 = vector.bitcast %and3A_948 : vector<16xi32> to vector<16xf32>
      %mul3A_950 = arith.constant 8 : i32
      %mul3A_951 = vector.broadcast %mul3A_950 : i32 to vector<16xi32>
      %mul3A_952 = arith.muli %add3A_928, %mul3A_951 : vector<16xi32>
      %add3A_953 = arith.constant 1 : i32
      %add3A_954 = vector.broadcast %add3A_953 : i32 to vector<16xi32>
      %add3A_955 = arith.addi %mul3A_952, %add3A_954 : vector<16xi32>
      %gather3A_956 = tpu.vector_load_idx %arg11[%add3A_955] : memref<512xf32, #tpu.memory_space<vmem>>[vector<16xi32>], vector<16xf32>,
      %bitcast3A_957 = vector.bitcast %gather3A_956 : vector<16xf32> to vector<16xi32>
      %add3A_958 = arith.constant 32767 : i32
      %add3A_959 = vector.broadcast %add3A_958 : i32 to vector<16xi32>
      %add3A_960 = arith.addi %bitcast3A_957, %add3A_959 : vector<16xi32>
      %shift_right_arithmetic3A_961 = arith.constant 16 : i32
      %shift_right_arithmetic3A_962 = vector.broadcast %shift_right_arithmetic3A_961 : i32 to vector<16xi32>
      %shift_right_arithmetic3A_963 = arith.shrsi %bitcast3A_957, %shift_right_arithmetic3A_962 : vector<16xi32>
      %and3A_964 = arith.constant 1 : i32
      %and3A_965 = vector.broadcast %and3A_964 : i32 to vector<16xi32>
      %and3A_966 = arith.andi %shift_right_arithmetic3A_963, %and3A_965 : vector<16xi32>
      %add3A_967 = arith.addi %add3A_960, %and3A_966 : vector<16xi32>
      %and3A_968 = arith.constant -65536 : i32
      %and3A_969 = vector.broadcast %and3A_968 : i32 to vector<16xi32>
      %and3A_970 = arith.andi %add3A_967, %and3A_969 : vector<16xi32>
      %bitcast3A_971 = vector.bitcast %and3A_970 : vector<16xi32> to vector<16xf32>
      %mul3A_972 = arith.constant 8 : i32
      %mul3A_973 = vector.broadcast %mul3A_972 : i32 to vector<16xi32>
      %mul3A_974 = arith.muli %add3A_928, %mul3A_973 : vector<16xi32>
      %add3A_975 = arith.constant 2 : i32
      %add3A_976 = vector.broadcast %add3A_975 : i32 to vector<16xi32>
      %add3A_977 = arith.addi %mul3A_974, %add3A_976 : vector<16xi32>
      %gather3A_978 = tpu.vector_load_idx %arg11[%add3A_977] : memref<512xf32, #tpu.memory_space<vmem>>[vector<16xi32>], vector<16xf32>,
      %bitcast3A_979 = vector.bitcast %gather3A_978 : vector<16xf32> to vector<16xi32>
      %add3A_980 = arith.constant 32767 : i32
      %add3A_981 = vector.broadcast %add3A_980 : i32 to vector<16xi32>
      %add3A_982 = arith.addi %bitcast3A_979, %add3A_981 : vector<16xi32>
      %shift_right_arithmetic3A_983 = arith.constant 16 : i32
      %shift_right_arithmetic3A_984 = vector.broadcast %shift_right_arithmetic3A_983 : i32 to vector<16xi32>
      %shift_right_arithmetic3A_985 = arith.shrsi %bitcast3A_979, %shift_right_arithmetic3A_984 : vector<16xi32>
      %and3A_986 = arith.constant 1 : i32
      %and3A_987 = vector.broadcast %and3A_986 : i32 to vector<16xi32>
      %and3A_988 = arith.andi %shift_right_arithmetic3A_985, %and3A_987 : vector<16xi32>
      %add3A_989 = arith.addi %add3A_982, %and3A_988 : vector<16xi32>
      %and3A_990 = arith.constant -65536 : i32
      %and3A_991 = vector.broadcast %and3A_990 : i32 to vector<16xi32>
      %and3A_992 = arith.andi %add3A_989, %and3A_991 : vector<16xi32>
      %bitcast3A_993 = vector.bitcast %and3A_992 : vector<16xi32> to vector<16xf32>
      %mul3A_994 = arith.constant 8 : i32
      %mul3A_995 = vector.broadcast %mul3A_994 : i32 to vector<16xi32>
      %mul3A_996 = arith.muli %add3A_928, %mul3A_995 : vector<16xi32>
      %add3A_997 = arith.constant 3 : i32
      %add3A_998 = vector.broadcast %add3A_997 : i32 to vector<16xi32>
      %add3A_999 = arith.addi %mul3A_996, %add3A_998 : vector<16xi32>
      %gather3A_1000 = tpu.vector_load_idx %arg11[%add3A_999] : memref<512xf32, #tpu.memory_space<vmem>>[vector<16xi32>], vector<16xf32>,
      %bitcast3A_1001 = vector.bitcast %gather3A_1000 : vector<16xf32> to vector<16xi32>
      %add3A_1002 = arith.constant 32767 : i32
      %add3A_1003 = vector.broadcast %add3A_1002 : i32 to vector<16xi32>
      %add3A_1004 = arith.addi %bitcast3A_1001, %add3A_1003 : vector<16xi32>
      %shift_right_arithmetic3A_1005 = arith.constant 16 : i32
      %shift_right_arithmetic3A_1006 = vector.broadcast %shift_right_arithmetic3A_1005 : i32 to vector<16xi32>
      %shift_right_arithmetic3A_1007 = arith.shrsi %bitcast3A_1001, %shift_right_arithmetic3A_1006 : vector<16xi32>
      %and3A_1008 = arith.constant 1 : i32
      %and3A_1009 = vector.broadcast %and3A_1008 : i32 to vector<16xi32>
      %and3A_1010 = arith.andi %shift_right_arithmetic3A_1007, %and3A_1009 : vector<16xi32>
      %add3A_1011 = arith.addi %add3A_1004, %and3A_1010 : vector<16xi32>
      %and3A_1012 = arith.constant -65536 : i32
      %and3A_1013 = vector.broadcast %and3A_1012 : i32 to vector<16xi32>
      %and3A_1014 = arith.andi %add3A_1011, %and3A_1013 : vector<16xi32>
      %bitcast3A_1015 = vector.bitcast %and3A_1014 : vector<16xi32> to vector<16xf32>
      %mul3A_1016 = arith.constant 8 : i32
      %mul3A_1017 = vector.broadcast %mul3A_1016 : i32 to vector<16xi32>
      %mul3A_1018 = arith.muli %add3A_928, %mul3A_1017 : vector<16xi32>
      %add3A_1019 = arith.constant 4 : i32
      %add3A_1020 = vector.broadcast %add3A_1019 : i32 to vector<16xi32>
      %add3A_1021 = arith.addi %mul3A_1018, %add3A_1020 : vector<16xi32>
      %gather3A_1022 = tpu.vector_load_idx %arg11[%add3A_1021] : memref<512xf32, #tpu.memory_space<vmem>>[vector<16xi32>], vector<16xf32>,
      %bitcast3A_1023 = vector.bitcast %gather3A_1022 : vector<16xf32> to vector<16xi32>
      %add3A_1024 = arith.constant 32767 : i32
      %add3A_1025 = vector.broadcast %add3A_1024 : i32 to vector<16xi32>
      %add3A_1026 = arith.addi %bitcast3A_1023, %add3A_1025 : vector<16xi32>
      %shift_right_arithmetic3A_1027 = arith.constant 16 : i32
      %shift_right_arithmetic3A_1028 = vector.broadcast %shift_right_arithmetic3A_1027 : i32 to vector<16xi32>
      %shift_right_arithmetic3A_1029 = arith.shrsi %bitcast3A_1023, %shift_right_arithmetic3A_1028 : vector<16xi32>
      %and3A_1030 = arith.constant 1 : i32
      %and3A_1031 = vector.broadcast %and3A_1030 : i32 to vector<16xi32>
      %and3A_1032 = arith.andi %shift_right_arithmetic3A_1029, %and3A_1031 : vector<16xi32>
      %add3A_1033 = arith.addi %add3A_1026, %and3A_1032 : vector<16xi32>
      %and3A_1034 = arith.constant -65536 : i32
      %and3A_1035 = vector.broadcast %and3A_1034 : i32 to vector<16xi32>
      %and3A_1036 = arith.andi %add3A_1033, %and3A_1035 : vector<16xi32>
      %bitcast3A_1037 = vector.bitcast %and3A_1036 : vector<16xi32> to vector<16xf32>
      %mul3A_1038 = arith.constant 8 : i32
      %mul3A_1039 = vector.broadcast %mul3A_1038 : i32 to vector<16xi32>
      %mul3A_1040 = arith.muli %add3A_928, %mul3A_1039 : vector<16xi32>
      %add3A_1041 = arith.constant 5 : i32
      %add3A_1042 = vector.broadcast %add3A_1041 : i32 to vector<16xi32>
      %add3A_1043 = arith.addi %mul3A_1040, %add3A_1042 : vector<16xi32>
      %gather3A_1044 = tpu.vector_load_idx %arg11[%add3A_1043] : memref<512xf32, #tpu.memory_space<vmem>>[vector<16xi32>], vector<16xf32>,
      %bitcast3A_1045 = vector.bitcast %gather3A_1044 : vector<16xf32> to vector<16xi32>
      %add3A_1046 = arith.constant 32767 : i32
      %add3A_1047 = vector.broadcast %add3A_1046 : i32 to vector<16xi32>
      %add3A_1048 = arith.addi %bitcast3A_1045, %add3A_1047 : vector<16xi32>
      %shift_right_arithmetic3A_1049 = arith.constant 16 : i32
      %shift_right_arithmetic3A_1050 = vector.broadcast %shift_right_arithmetic3A_1049 : i32 to vector<16xi32>
      %shift_right_arithmetic3A_1051 = arith.shrsi %bitcast3A_1045, %shift_right_arithmetic3A_1050 : vector<16xi32>
      %and3A_1052 = arith.constant 1 : i32
      %and3A_1053 = vector.broadcast %and3A_1052 : i32 to vector<16xi32>
      %and3A_1054 = arith.andi %shift_right_arithmetic3A_1051, %and3A_1053 : vector<16xi32>
      %add3A_1055 = arith.addi %add3A_1048, %and3A_1054 : vector<16xi32>
      %and3A_1056 = arith.constant -65536 : i32
      %and3A_1057 = vector.broadcast %and3A_1056 : i32 to vector<16xi32>
      %and3A_1058 = arith.andi %add3A_1055, %and3A_1057 : vector<16xi32>
      %bitcast3A_1059 = vector.bitcast %and3A_1058 : vector<16xi32> to vector<16xf32>
      %mul3A_1060 = arith.constant 8 : i32
      %mul3A_1061 = vector.broadcast %mul3A_1060 : i32 to vector<16xi32>
      %mul3A_1062 = arith.muli %add3A_928, %mul3A_1061 : vector<16xi32>
      %add3A_1063 = arith.constant 6 : i32
      %add3A_1064 = vector.broadcast %add3A_1063 : i32 to vector<16xi32>
      %add3A_1065 = arith.addi %mul3A_1062, %add3A_1064 : vector<16xi32>
      %gather3A_1066 = tpu.vector_load_idx %arg11[%add3A_1065] : memref<512xf32, #tpu.memory_space<vmem>>[vector<16xi32>], vector<16xf32>,
      %bitcast3A_1067 = vector.bitcast %gather3A_1066 : vector<16xf32> to vector<16xi32>
      %add3A_1068 = arith.constant 32767 : i32
      %add3A_1069 = vector.broadcast %add3A_1068 : i32 to vector<16xi32>
      %add3A_1070 = arith.addi %bitcast3A_1067, %add3A_1069 : vector<16xi32>
      %shift_right_arithmetic3A_1071 = arith.constant 16 : i32
      %shift_right_arithmetic3A_1072 = vector.broadcast %shift_right_arithmetic3A_1071 : i32 to vector<16xi32>
      %shift_right_arithmetic3A_1073 = arith.shrsi %bitcast3A_1067, %shift_right_arithmetic3A_1072 : vector<16xi32>
      %and3A_1074 = arith.constant 1 : i32
      %and3A_1075 = vector.broadcast %and3A_1074 : i32 to vector<16xi32>
      %and3A_1076 = arith.andi %shift_right_arithmetic3A_1073, %and3A_1075 : vector<16xi32>
      %add3A_1077 = arith.addi %add3A_1070, %and3A_1076 : vector<16xi32>
      %and3A_1078 = arith.constant -65536 : i32
      %and3A_1079 = vector.broadcast %and3A_1078 : i32 to vector<16xi32>
      %and3A_1080 = arith.andi %add3A_1077, %and3A_1079 : vector<16xi32>
      %bitcast3A_1081 = vector.bitcast %and3A_1080 : vector<16xi32> to vector<16xf32>
      %mul3A_1082 = arith.constant 8 : i32
      %mul3A_1083 = vector.broadcast %mul3A_1082 : i32 to vector<16xi32>
      %mul3A_1084 = arith.muli %add3A_928, %mul3A_1083 : vector<16xi32>
      %add3A_1085 = arith.constant 7 : i32
      %add3A_1086 = vector.broadcast %add3A_1085 : i32 to vector<16xi32>
      %add3A_1087 = arith.addi %mul3A_1084, %add3A_1086 : vector<16xi32>
      %gather3A_1088 = tpu.vector_load_idx %arg11[%add3A_1087] : memref<512xf32, #tpu.memory_space<vmem>>[vector<16xi32>], vector<16xf32>,
      %bitcast3A_1089 = vector.bitcast %gather3A_1088 : vector<16xf32> to vector<16xi32>
      %add3A_1090 = arith.constant 32767 : i32
      %add3A_1091 = vector.broadcast %add3A_1090 : i32 to vector<16xi32>
      %add3A_1092 = arith.addi %bitcast3A_1089, %add3A_1091 : vector<16xi32>
      %shift_right_arithmetic3A_1093 = arith.constant 16 : i32
      %shift_right_arithmetic3A_1094 = vector.broadcast %shift_right_arithmetic3A_1093 : i32 to vector<16xi32>
      %shift_right_arithmetic3A_1095 = arith.shrsi %bitcast3A_1089, %shift_right_arithmetic3A_1094 : vector<16xi32>
      %and3A_1096 = arith.constant 1 : i32
      %and3A_1097 = vector.broadcast %and3A_1096 : i32 to vector<16xi32>
      %and3A_1098 = arith.andi %shift_right_arithmetic3A_1095, %and3A_1097 : vector<16xi32>
      %add3A_1099 = arith.addi %add3A_1092, %and3A_1098 : vector<16xi32>
      %and3A_1100 = arith.constant -65536 : i32
      %and3A_1101 = vector.broadcast %and3A_1100 : i32 to vector<16xi32>
      %and3A_1102 = arith.andi %add3A_1099, %and3A_1101 : vector<16xi32>
      %bitcast3A_1103 = vector.bitcast %and3A_1102 : vector<16xi32> to vector<16xf32>
      %mul3A_1104 = arith.mulf %bitcast3A_949, %broadcast_in_dim3A : vector<16xf32>
      %mul3A_1105 = arith.mulf %bitcast3A_971, %broadcast_in_dim3A_148 : vector<16xf32>
      %add3A_1106 = arith.addf %mul3A_1104, %mul3A_1105 : vector<16xf32>
      %mul3A_1107 = arith.mulf %bitcast3A_993, %broadcast_in_dim3A_254 : vector<16xf32>
      %add3A_1108 = arith.addf %add3A_1106, %mul3A_1107 : vector<16xf32>
      %mul3A_1109 = arith.mulf %bitcast3A_1015, %broadcast_in_dim3A_360 : vector<16xf32>
      %add3A_1110 = arith.addf %add3A_1108, %mul3A_1109 : vector<16xf32>
      %mul3A_1111 = arith.mulf %bitcast3A_1037, %broadcast_in_dim3A_466 : vector<16xf32>
      %add3A_1112 = arith.addf %add3A_1110, %mul3A_1111 : vector<16xf32>
      %mul3A_1113 = arith.mulf %bitcast3A_1059, %broadcast_in_dim3A_572 : vector<16xf32>
      %add3A_1114 = arith.addf %add3A_1112, %mul3A_1113 : vector<16xf32>
      %mul3A_1115 = arith.mulf %bitcast3A_1081, %broadcast_in_dim3A_678 : vector<16xf32>
      %add3A_1116 = arith.addf %add3A_1114, %mul3A_1115 : vector<16xf32>
      %mul3A_1117 = arith.mulf %bitcast3A_1103, %broadcast_in_dim3A_784 : vector<16xf32>
      %add3A_1118 = arith.addf %add3A_1116, %mul3A_1117 : vector<16xf32>
      %add3A_1119 = arith.addf %add3A_1118, %broadcast_in_dim3A_858 : vector<16xf32>
      %mul3A_1120 = arith.constant 24 : i32
      %mul3A_1121 = vector.broadcast %mul3A_1120 : i32 to vector<16xi32>
      %mul3A_1122 = arith.muli %add3A_928, %mul3A_1121 : vector<16xi32>
      %add3A_1123 = arith.constant 0 : i32
      %add3A_1124 = vector.broadcast %add3A_1123 : i32 to vector<16xi32>
      %add3A_1125 = arith.addi %mul3A_1122, %add3A_1124 : vector<16xi32>
      tpu.vector_store_idx %arg12[%add3A_1125], %add3A_1119 : memref<1536xf32, #tpu.memory_space<vmem>>[vector<16xi32>], vector<16xf32>,
      %mul3A_1126 = arith.mulf %bitcast3A_949, %broadcast_in_dim3A_45 : vector<16xf32>
      %mul3A_1127 = arith.mulf %bitcast3A_971, %broadcast_in_dim3A_151 : vector<16xf32>
      %add3A_1128 = arith.addf %mul3A_1126, %mul3A_1127 : vector<16xf32>
      %mul3A_1129 = arith.mulf %bitcast3A_993, %broadcast_in_dim3A_257 : vector<16xf32>
      %add3A_1130 = arith.addf %add3A_1128, %mul3A_1129 : vector<16xf32>
      %mul3A_1131 = arith.mulf %bitcast3A_1015, %broadcast_in_dim3A_363 : vector<16xf32>
      %add3A_1132 = arith.addf %add3A_1130, %mul3A_1131 : vector<16xf32>
      %mul3A_1133 = arith.mulf %bitcast3A_1037, %broadcast_in_dim3A_469 : vector<16xf32>
      %add3A_1134 = arith.addf %add3A_1132, %mul3A_1133 : vector<16xf32>
      %mul3A_1135 = arith.mulf %bitcast3A_1059, %broadcast_in_dim3A_575 : vector<16xf32>
      %add3A_1136 = arith.addf %add3A_1134, %mul3A_1135 : vector<16xf32>
      %mul3A_1137 = arith.mulf %bitcast3A_1081, %broadcast_in_dim3A_681 : vector<16xf32>
      %add3A_1138 = arith.addf %add3A_1136, %mul3A_1137 : vector<16xf32>
      %mul3A_1139 = arith.mulf %bitcast3A_1103, %broadcast_in_dim3A_787 : vector<16xf32>
      %add3A_1140 = arith.addf %add3A_1138, %mul3A_1139 : vector<16xf32>
      %add3A_1141 = arith.addf %add3A_1140, %broadcast_in_dim3A_863 : vector<16xf32>
      %mul3A_1142 = arith.constant 24 : i32
      %mul3A_1143 = vector.broadcast %mul3A_1142 : i32 to vector<16xi32>
      %mul3A_1144 = arith.muli %add3A_928, %mul3A_1143 : vector<16xi32>
      %add3A_1145 = arith.constant 1 : i32
      %add3A_1146 = vector.broadcast %add3A_1145 : i32 to vector<16xi32>
      %add3A_1147 = arith.addi %mul3A_1144, %add3A_1146 : vector<16xi32>
      tpu.vector_store_idx %arg12[%add3A_1147], %add3A_1141 : memref<1536xf32, #tpu.memory_space<vmem>>[vector<16xi32>], vector<16xf32>,
      %mul3A_1148 = arith.mulf %bitcast3A_949, %broadcast_in_dim3A_48 : vector<16xf32>
      %mul3A_1149 = arith.mulf %bitcast3A_971, %broadcast_in_dim3A_154 : vector<16xf32>
      %add3A_1150 = arith.addf %mul3A_1148, %mul3A_1149 : vector<16xf32>
      %mul3A_1151 = arith.mulf %bitcast3A_993, %broadcast_in_dim3A_260 : vector<16xf32>
      %add3A_1152 = arith.addf %add3A_1150, %mul3A_1151 : vector<16xf32>
      %mul3A_1153 = arith.mulf %bitcast3A_1015, %broadcast_in_dim3A_366 : vector<16xf32>
      %add3A_1154 = arith.addf %add3A_1152, %mul3A_1153 : vector<16xf32>
      %mul3A_1155 = arith.mulf %bitcast3A_1037, %broadcast_in_dim3A_472 : vector<16xf32>
      %add3A_1156 = arith.addf %add3A_1154, %mul3A_1155 : vector<16xf32>
      %mul3A_1157 = arith.mulf %bitcast3A_1059, %broadcast_in_dim3A_578 : vector<16xf32>
      %add3A_1158 = arith.addf %add3A_1156, %mul3A_1157 : vector<16xf32>
      %mul3A_1159 = arith.mulf %bitcast3A_1081, %broadcast_in_dim3A_684 : vector<16xf32>
      %add3A_1160 = arith.addf %add3A_1158, %mul3A_1159 : vector<16xf32>
      %mul3A_1161 = arith.mulf %bitcast3A_1103, %broadcast_in_dim3A_790 : vector<16xf32>
      %add3A_1162 = arith.addf %add3A_1160, %mul3A_1161 : vector<16xf32>
      %mul3A_1163 = arith.constant 24 : i32
      %mul3A_1164 = vector.broadcast %mul3A_1163 : i32 to vector<16xi32>
      %mul3A_1165 = arith.muli %add3A_928, %mul3A_1164 : vector<16xi32>
      %add3A_1166 = arith.constant 2 : i32
      %add3A_1167 = vector.broadcast %add3A_1166 : i32 to vector<16xi32>
      %add3A_1168 = arith.addi %mul3A_1165, %add3A_1167 : vector<16xi32>
      tpu.vector_store_idx %arg12[%add3A_1168], %add3A_1162 : memref<1536xf32, #tpu.memory_space<vmem>>[vector<16xi32>], vector<16xf32>,
      %mul3A_1169 = arith.mulf %bitcast3A_949, %broadcast_in_dim3A_51 : vector<16xf32>
      %mul3A_1170 = arith.mulf %bitcast3A_971, %broadcast_in_dim3A_157 : vector<16xf32>
      %add3A_1171 = arith.addf %mul3A_1169, %mul3A_1170 : vector<16xf32>
      %mul3A_1172 = arith.mulf %bitcast3A_993, %broadcast_in_dim3A_263 : vector<16xf32>
      %add3A_1173 = arith.addf %add3A_1171, %mul3A_1172 : vector<16xf32>
      %mul3A_1174 = arith.mulf %bitcast3A_1015, %broadcast_in_dim3A_369 : vector<16xf32>
      %add3A_1175 = arith.addf %add3A_1173, %mul3A_1174 : vector<16xf32>
      %mul3A_1176 = arith.mulf %bitcast3A_1037, %broadcast_in_dim3A_475 : vector<16xf32>
      %add3A_1177 = arith.addf %add3A_1175, %mul3A_1176 : vector<16xf32>
      %mul3A_1178 = arith.mulf %bitcast3A_1059, %broadcast_in_dim3A_581 : vector<16xf32>
      %add3A_1179 = arith.addf %add3A_1177, %mul3A_1178 : vector<16xf32>
      %mul3A_1180 = arith.mulf %bitcast3A_1081, %broadcast_in_dim3A_687 : vector<16xf32>
      %add3A_1181 = arith.addf %add3A_1179, %mul3A_1180 : vector<16xf32>
      %mul3A_1182 = arith.mulf %bitcast3A_1103, %broadcast_in_dim3A_793 : vector<16xf32>
      %add3A_1183 = arith.addf %add3A_1181, %mul3A_1182 : vector<16xf32>
      %mul3A_1184 = arith.constant 24 : i32
      %mul3A_1185 = vector.broadcast %mul3A_1184 : i32 to vector<16xi32>
      %mul3A_1186 = arith.muli %add3A_928, %mul3A_1185 : vector<16xi32>
      %add3A_1187 = arith.constant 3 : i32
      %add3A_1188 = vector.broadcast %add3A_1187 : i32 to vector<16xi32>
      %add3A_1189 = arith.addi %mul3A_1186, %add3A_1188 : vector<16xi32>
      tpu.vector_store_idx %arg12[%add3A_1189], %add3A_1183 : memref<1536xf32, #tpu.memory_space<vmem>>[vector<16xi32>], vector<16xf32>,
      %mul3A_1190 = arith.mulf %bitcast3A_949, %broadcast_in_dim3A_54 : vector<16xf32>
      %mul3A_1191 = arith.mulf %bitcast3A_971, %broadcast_in_dim3A_160 : vector<16xf32>
      %add3A_1192 = arith.addf %mul3A_1190, %mul3A_1191 : vector<16xf32>
      %mul3A_1193 = arith.mulf %bitcast3A_993, %broadcast_in_dim3A_266 : vector<16xf32>
      %add3A_1194 = arith.addf %add3A_1192, %mul3A_1193 : vector<16xf32>
      %mul3A_1195 = arith.mulf %bitcast3A_1015, %broadcast_in_dim3A_372 : vector<16xf32>
      %add3A_1196 = arith.addf %add3A_1194, %mul3A_1195 : vector<16xf32>
      %mul3A_1197 = arith.mulf %bitcast3A_1037, %broadcast_in_dim3A_478 : vector<16xf32>
      %add3A_1198 = arith.addf %add3A_1196, %mul3A_1197 : vector<16xf32>
      %mul3A_1199 = arith.mulf %bitcast3A_1059, %broadcast_in_dim3A_584 : vector<16xf32>
      %add3A_1200 = arith.addf %add3A_1198, %mul3A_1199 : vector<16xf32>
      %mul3A_1201 = arith.mulf %bitcast3A_1081, %broadcast_in_dim3A_690 : vector<16xf32>
      %add3A_1202 = arith.addf %add3A_1200, %mul3A_1201 : vector<16xf32>
      %mul3A_1203 = arith.mulf %bitcast3A_1103, %broadcast_in_dim3A_796 : vector<16xf32>
      %add3A_1204 = arith.addf %add3A_1202, %mul3A_1203 : vector<16xf32>
      %mul3A_1205 = arith.constant 24 : i32
      %mul3A_1206 = vector.broadcast %mul3A_1205 : i32 to vector<16xi32>
      %mul3A_1207 = arith.muli %add3A_928, %mul3A_1206 : vector<16xi32>
      %add3A_1208 = arith.constant 4 : i32
      %add3A_1209 = vector.broadcast %add3A_1208 : i32 to vector<16xi32>
      %add3A_1210 = arith.addi %mul3A_1207, %add3A_1209 : vector<16xi32>
      tpu.vector_store_idx %arg12[%add3A_1210], %add3A_1204 : memref<1536xf32, #tpu.memory_space<vmem>>[vector<16xi32>], vector<16xf32>,
      %mul3A_1211 = arith.mulf %bitcast3A_949, %broadcast_in_dim3A_57 : vector<16xf32>
      %mul3A_1212 = arith.mulf %bitcast3A_971, %broadcast_in_dim3A_163 : vector<16xf32>
      %add3A_1213 = arith.addf %mul3A_1211, %mul3A_1212 : vector<16xf32>
      %mul3A_1214 = arith.mulf %bitcast3A_993, %broadcast_in_dim3A_269 : vector<16xf32>
      %add3A_1215 = arith.addf %add3A_1213, %mul3A_1214 : vector<16xf32>
      %mul3A_1216 = arith.mulf %bitcast3A_1015, %broadcast_in_dim3A_375 : vector<16xf32>
      %add3A_1217 = arith.addf %add3A_1215, %mul3A_1216 : vector<16xf32>
      %mul3A_1218 = arith.mulf %bitcast3A_1037, %broadcast_in_dim3A_481 : vector<16xf32>
      %add3A_1219 = arith.addf %add3A_1217, %mul3A_1218 : vector<16xf32>
      %mul3A_1220 = arith.mulf %bitcast3A_1059, %broadcast_in_dim3A_587 : vector<16xf32>
      %add3A_1221 = arith.addf %add3A_1219, %mul3A_1220 : vector<16xf32>
      %mul3A_1222 = arith.mulf %bitcast3A_1081, %broadcast_in_dim3A_693 : vector<16xf32>
      %add3A_1223 = arith.addf %add3A_1221, %mul3A_1222 : vector<16xf32>
      %mul3A_1224 = arith.mulf %bitcast3A_1103, %broadcast_in_dim3A_799 : vector<16xf32>
      %add3A_1225 = arith.addf %add3A_1223, %mul3A_1224 : vector<16xf32>
      %mul3A_1226 = arith.constant 24 : i32
      %mul3A_1227 = vector.broadcast %mul3A_1226 : i32 to vector<16xi32>
      %mul3A_1228 = arith.muli %add3A_928, %mul3A_1227 : vector<16xi32>
      %add3A_1229 = arith.constant 5 : i32
      %add3A_1230 = vector.broadcast %add3A_1229 : i32 to vector<16xi32>
      %add3A_1231 = arith.addi %mul3A_1228, %add3A_1230 : vector<16xi32>
      tpu.vector_store_idx %arg12[%add3A_1231], %add3A_1225 : memref<1536xf32, #tpu.memory_space<vmem>>[vector<16xi32>], vector<16xf32>,
      %mul3A_1232 = arith.mulf %bitcast3A_949, %broadcast_in_dim3A_60 : vector<16xf32>
      %mul3A_1233 = arith.mulf %bitcast3A_971, %broadcast_in_dim3A_166 : vector<16xf32>
      %add3A_1234 = arith.addf %mul3A_1232, %mul3A_1233 : vector<16xf32>
      %mul3A_1235 = arith.mulf %bitcast3A_993, %broadcast_in_dim3A_272 : vector<16xf32>
      %add3A_1236 = arith.addf %add3A_1234, %mul3A_1235 : vector<16xf32>
      %mul3A_1237 = arith.mulf %bitcast3A_1015, %broadcast_in_dim3A_378 : vector<16xf32>
      %add3A_1238 = arith.addf %add3A_1236, %mul3A_1237 : vector<16xf32>
      %mul3A_1239 = arith.mulf %bitcast3A_1037, %broadcast_in_dim3A_484 : vector<16xf32>
      %add3A_1240 = arith.addf %add3A_1238, %mul3A_1239 : vector<16xf32>
      %mul3A_1241 = arith.mulf %bitcast3A_1059, %broadcast_in_dim3A_590 : vector<16xf32>
      %add3A_1242 = arith.addf %add3A_1240, %mul3A_1241 : vector<16xf32>
      %mul3A_1243 = arith.mulf %bitcast3A_1081, %broadcast_in_dim3A_696 : vector<16xf32>
      %add3A_1244 = arith.addf %add3A_1242, %mul3A_1243 : vector<16xf32>
      %mul3A_1245 = arith.mulf %bitcast3A_1103, %broadcast_in_dim3A_802 : vector<16xf32>
      %add3A_1246 = arith.addf %add3A_1244, %mul3A_1245 : vector<16xf32>
      %mul3A_1247 = arith.constant 24 : i32
      %mul3A_1248 = vector.broadcast %mul3A_1247 : i32 to vector<16xi32>
      %mul3A_1249 = arith.muli %add3A_928, %mul3A_1248 : vector<16xi32>
      %add3A_1250 = arith.constant 6 : i32
      %add3A_1251 = vector.broadcast %add3A_1250 : i32 to vector<16xi32>
      %add3A_1252 = arith.addi %mul3A_1249, %add3A_1251 : vector<16xi32>
      tpu.vector_store_idx %arg12[%add3A_1252], %add3A_1246 : memref<1536xf32, #tpu.memory_space<vmem>>[vector<16xi32>], vector<16xf32>,
      %mul3A_1253 = arith.mulf %bitcast3A_949, %broadcast_in_dim3A_63 : vector<16xf32>
      %mul3A_1254 = arith.mulf %bitcast3A_971, %broadcast_in_dim3A_169 : vector<16xf32>
      %add3A_1255 = arith.addf %mul3A_1253, %mul3A_1254 : vector<16xf32>
      %mul3A_1256 = arith.mulf %bitcast3A_993, %broadcast_in_dim3A_275 : vector<16xf32>
      %add3A_1257 = arith.addf %add3A_1255, %mul3A_1256 : vector<16xf32>
      %mul3A_1258 = arith.mulf %bitcast3A_1015, %broadcast_in_dim3A_381 : vector<16xf32>
      %add3A_1259 = arith.addf %add3A_1257, %mul3A_1258 : vector<16xf32>
      %mul3A_1260 = arith.mulf %bitcast3A_1037, %broadcast_in_dim3A_487 : vector<16xf32>
      %add3A_1261 = arith.addf %add3A_1259, %mul3A_1260 : vector<16xf32>
      %mul3A_1262 = arith.mulf %bitcast3A_1059, %broadcast_in_dim3A_593 : vector<16xf32>
      %add3A_1263 = arith.addf %add3A_1261, %mul3A_1262 : vector<16xf32>
      %mul3A_1264 = arith.mulf %bitcast3A_1081, %broadcast_in_dim3A_699 : vector<16xf32>
      %add3A_1265 = arith.addf %add3A_1263, %mul3A_1264 : vector<16xf32>
      %mul3A_1266 = arith.mulf %bitcast3A_1103, %broadcast_in_dim3A_805 : vector<16xf32>
      %add3A_1267 = arith.addf %add3A_1265, %mul3A_1266 : vector<16xf32>
      %mul3A_1268 = arith.constant 24 : i32
      %mul3A_1269 = vector.broadcast %mul3A_1268 : i32 to vector<16xi32>
      %mul3A_1270 = arith.muli %add3A_928, %mul3A_1269 : vector<16xi32>
      %add3A_1271 = arith.constant 7 : i32
      %add3A_1272 = vector.broadcast %add3A_1271 : i32 to vector<16xi32>
      %add3A_1273 = arith.addi %mul3A_1270, %add3A_1272 : vector<16xi32>
      tpu.vector_store_idx %arg12[%add3A_1273], %add3A_1267 : memref<1536xf32, #tpu.memory_space<vmem>>[vector<16xi32>], vector<16xf32>,
      %mul3A_1274 = arith.mulf %bitcast3A_949, %broadcast_in_dim3A_66 : vector<16xf32>
      %mul3A_1275 = arith.mulf %bitcast3A_971, %broadcast_in_dim3A_172 : vector<16xf32>
      %add3A_1276 = arith.addf %mul3A_1274, %mul3A_1275 : vector<16xf32>
      %mul3A_1277 = arith.mulf %bitcast3A_993, %broadcast_in_dim3A_278 : vector<16xf32>
      %add3A_1278 = arith.addf %add3A_1276, %mul3A_1277 : vector<16xf32>
      %mul3A_1279 = arith.mulf %bitcast3A_1015, %broadcast_in_dim3A_384 : vector<16xf32>
      %add3A_1280 = arith.addf %add3A_1278, %mul3A_1279 : vector<16xf32>
      %mul3A_1281 = arith.mulf %bitcast3A_1037, %broadcast_in_dim3A_490 : vector<16xf32>
      %add3A_1282 = arith.addf %add3A_1280, %mul3A_1281 : vector<16xf32>
      %mul3A_1283 = arith.mulf %bitcast3A_1059, %broadcast_in_dim3A_596 : vector<16xf32>
      %add3A_1284 = arith.addf %add3A_1282, %mul3A_1283 : vector<16xf32>
      %mul3A_1285 = arith.mulf %bitcast3A_1081, %broadcast_in_dim3A_702 : vector<16xf32>
      %add3A_1286 = arith.addf %add3A_1284, %mul3A_1285 : vector<16xf32>
      %mul3A_1287 = arith.mulf %bitcast3A_1103, %broadcast_in_dim3A_808 : vector<16xf32>
      %add3A_1288 = arith.addf %add3A_1286, %mul3A_1287 : vector<16xf32>
      %mul3A_1289 = arith.constant 24 : i32
      %mul3A_1290 = vector.broadcast %mul3A_1289 : i32 to vector<16xi32>
      %mul3A_1291 = arith.muli %add3A_928, %mul3A_1290 : vector<16xi32>
      %add3A_1292 = arith.constant 8 : i32
      %add3A_1293 = vector.broadcast %add3A_1292 : i32 to vector<16xi32>
      %add3A_1294 = arith.addi %mul3A_1291, %add3A_1293 : vector<16xi32>
      tpu.vector_store_idx %arg12[%add3A_1294], %add3A_1288 : memref<1536xf32, #tpu.memory_space<vmem>>[vector<16xi32>], vector<16xf32>,
      %mul3A_1295 = arith.mulf %bitcast3A_949, %broadcast_in_dim3A_69 : vector<16xf32>
      %mul3A_1296 = arith.mulf %bitcast3A_971, %broadcast_in_dim3A_175 : vector<16xf32>
      %add3A_1297 = arith.addf %mul3A_1295, %mul3A_1296 : vector<16xf32>
      %mul3A_1298 = arith.mulf %bitcast3A_993, %broadcast_in_dim3A_281 : vector<16xf32>
      %add3A_1299 = arith.addf %add3A_1297, %mul3A_1298 : vector<16xf32>
      %mul3A_1300 = arith.mulf %bitcast3A_1015, %broadcast_in_dim3A_387 : vector<16xf32>
      %add3A_1301 = arith.addf %add3A_1299, %mul3A_1300 : vector<16xf32>
      %mul3A_1302 = arith.mulf %bitcast3A_1037, %broadcast_in_dim3A_493 : vector<16xf32>
      %add3A_1303 = arith.addf %add3A_1301, %mul3A_1302 : vector<16xf32>
      %mul3A_1304 = arith.mulf %bitcast3A_1059, %broadcast_in_dim3A_599 : vector<16xf32>
      %add3A_1305 = arith.addf %add3A_1303, %mul3A_1304 : vector<16xf32>
      %mul3A_1306 = arith.mulf %bitcast3A_1081, %broadcast_in_dim3A_705 : vector<16xf32>
      %add3A_1307 = arith.addf %add3A_1305, %mul3A_1306 : vector<16xf32>
      %mul3A_1308 = arith.mulf %bitcast3A_1103, %broadcast_in_dim3A_811 : vector<16xf32>
      %add3A_1309 = arith.addf %add3A_1307, %mul3A_1308 : vector<16xf32>
      %mul3A_1310 = arith.constant 24 : i32
      %mul3A_1311 = vector.broadcast %mul3A_1310 : i32 to vector<16xi32>
      %mul3A_1312 = arith.muli %add3A_928, %mul3A_1311 : vector<16xi32>
      %add3A_1313 = arith.constant 9 : i32
      %add3A_1314 = vector.broadcast %add3A_1313 : i32 to vector<16xi32>
      %add3A_1315 = arith.addi %mul3A_1312, %add3A_1314 : vector<16xi32>
      tpu.vector_store_idx %arg12[%add3A_1315], %add3A_1309 : memref<1536xf32, #tpu.memory_space<vmem>>[vector<16xi32>], vector<16xf32>,
      %mul3A_1316 = arith.mulf %bitcast3A_949, %broadcast_in_dim3A_72 : vector<16xf32>
      %mul3A_1317 = arith.mulf %bitcast3A_971, %broadcast_in_dim3A_178 : vector<16xf32>
      %add3A_1318 = arith.addf %mul3A_1316, %mul3A_1317 : vector<16xf32>
      %mul3A_1319 = arith.mulf %bitcast3A_993, %broadcast_in_dim3A_284 : vector<16xf32>
      %add3A_1320 = arith.addf %add3A_1318, %mul3A_1319 : vector<16xf32>
      %mul3A_1321 = arith.mulf %bitcast3A_1015, %broadcast_in_dim3A_390 : vector<16xf32>
      %add3A_1322 = arith.addf %add3A_1320, %mul3A_1321 : vector<16xf32>
      %mul3A_1323 = arith.mulf %bitcast3A_1037, %broadcast_in_dim3A_496 : vector<16xf32>
      %add3A_1324 = arith.addf %add3A_1322, %mul3A_1323 : vector<16xf32>
      %mul3A_1325 = arith.mulf %bitcast3A_1059, %broadcast_in_dim3A_602 : vector<16xf32>
      %add3A_1326 = arith.addf %add3A_1324, %mul3A_1325 : vector<16xf32>
      %mul3A_1327 = arith.mulf %bitcast3A_1081, %broadcast_in_dim3A_708 : vector<16xf32>
      %add3A_1328 = arith.addf %add3A_1326, %mul3A_1327 : vector<16xf32>
      %mul3A_1329 = arith.mulf %bitcast3A_1103, %broadcast_in_dim3A_814 : vector<16xf32>
      %add3A_1330 = arith.addf %add3A_1328, %mul3A_1329 : vector<16xf32>
      %mul3A_1331 = arith.constant 24 : i32
      %mul3A_1332 = vector.broadcast %mul3A_1331 : i32 to vector<16xi32>
      %mul3A_1333 = arith.muli %add3A_928, %mul3A_1332 : vector<16xi32>
      %add3A_1334 = arith.constant 10 : i32
      %add3A_1335 = vector.broadcast %add3A_1334 : i32 to vector<16xi32>
      %add3A_1336 = arith.addi %mul3A_1333, %add3A_1335 : vector<16xi32>
      tpu.vector_store_idx %arg12[%add3A_1336], %add3A_1330 : memref<1536xf32, #tpu.memory_space<vmem>>[vector<16xi32>], vector<16xf32>,
      %mul3A_1337 = arith.mulf %bitcast3A_949, %broadcast_in_dim3A_75 : vector<16xf32>
      %mul3A_1338 = arith.mulf %bitcast3A_971, %broadcast_in_dim3A_181 : vector<16xf32>
      %add3A_1339 = arith.addf %mul3A_1337, %mul3A_1338 : vector<16xf32>
      %mul3A_1340 = arith.mulf %bitcast3A_993, %broadcast_in_dim3A_287 : vector<16xf32>
      %add3A_1341 = arith.addf %add3A_1339, %mul3A_1340 : vector<16xf32>
      %mul3A_1342 = arith.mulf %bitcast3A_1015, %broadcast_in_dim3A_393 : vector<16xf32>
      %add3A_1343 = arith.addf %add3A_1341, %mul3A_1342 : vector<16xf32>
      %mul3A_1344 = arith.mulf %bitcast3A_1037, %broadcast_in_dim3A_499 : vector<16xf32>
      %add3A_1345 = arith.addf %add3A_1343, %mul3A_1344 : vector<16xf32>
      %mul3A_1346 = arith.mulf %bitcast3A_1059, %broadcast_in_dim3A_605 : vector<16xf32>
      %add3A_1347 = arith.addf %add3A_1345, %mul3A_1346 : vector<16xf32>
      %mul3A_1348 = arith.mulf %bitcast3A_1081, %broadcast_in_dim3A_711 : vector<16xf32>
      %add3A_1349 = arith.addf %add3A_1347, %mul3A_1348 : vector<16xf32>
      %mul3A_1350 = arith.mulf %bitcast3A_1103, %broadcast_in_dim3A_817 : vector<16xf32>
      %add3A_1351 = arith.addf %add3A_1349, %mul3A_1350 : vector<16xf32>
      %mul3A_1352 = arith.constant 24 : i32
      %mul3A_1353 = vector.broadcast %mul3A_1352 : i32 to vector<16xi32>
      %mul3A_1354 = arith.muli %add3A_928, %mul3A_1353 : vector<16xi32>
      %add3A_1355 = arith.constant 11 : i32
      %add3A_1356 = vector.broadcast %add3A_1355 : i32 to vector<16xi32>
      %add3A_1357 = arith.addi %mul3A_1354, %add3A_1356 : vector<16xi32>
      tpu.vector_store_idx %arg12[%add3A_1357], %add3A_1351 : memref<1536xf32, #tpu.memory_space<vmem>>[vector<16xi32>], vector<16xf32>,
      %mul3A_1358 = arith.mulf %bitcast3A_949, %broadcast_in_dim3A_78 : vector<16xf32>
      %mul3A_1359 = arith.mulf %bitcast3A_971, %broadcast_in_dim3A_184 : vector<16xf32>
      %add3A_1360 = arith.addf %mul3A_1358, %mul3A_1359 : vector<16xf32>
      %mul3A_1361 = arith.mulf %bitcast3A_993, %broadcast_in_dim3A_290 : vector<16xf32>
      %add3A_1362 = arith.addf %add3A_1360, %mul3A_1361 : vector<16xf32>
      %mul3A_1363 = arith.mulf %bitcast3A_1015, %broadcast_in_dim3A_396 : vector<16xf32>
      %add3A_1364 = arith.addf %add3A_1362, %mul3A_1363 : vector<16xf32>
      %mul3A_1365 = arith.mulf %bitcast3A_1037, %broadcast_in_dim3A_502 : vector<16xf32>
      %add3A_1366 = arith.addf %add3A_1364, %mul3A_1365 : vector<16xf32>
      %mul3A_1367 = arith.mulf %bitcast3A_1059, %broadcast_in_dim3A_608 : vector<16xf32>
      %add3A_1368 = arith.addf %add3A_1366, %mul3A_1367 : vector<16xf32>
      %mul3A_1369 = arith.mulf %bitcast3A_1081, %broadcast_in_dim3A_714 : vector<16xf32>
      %add3A_1370 = arith.addf %add3A_1368, %mul3A_1369 : vector<16xf32>
      %mul3A_1371 = arith.mulf %bitcast3A_1103, %broadcast_in_dim3A_820 : vector<16xf32>
      %add3A_1372 = arith.addf %add3A_1370, %mul3A_1371 : vector<16xf32>
      %mul3A_1373 = arith.constant 24 : i32
      %mul3A_1374 = vector.broadcast %mul3A_1373 : i32 to vector<16xi32>
      %mul3A_1375 = arith.muli %add3A_928, %mul3A_1374 : vector<16xi32>
      %add3A_1376 = arith.constant 12 : i32
      %add3A_1377 = vector.broadcast %add3A_1376 : i32 to vector<16xi32>
      %add3A_1378 = arith.addi %mul3A_1375, %add3A_1377 : vector<16xi32>
      tpu.vector_store_idx %arg12[%add3A_1378], %add3A_1372 : memref<1536xf32, #tpu.memory_space<vmem>>[vector<16xi32>], vector<16xf32>,
      %mul3A_1379 = arith.mulf %bitcast3A_949, %broadcast_in_dim3A_81 : vector<16xf32>
      %mul3A_1380 = arith.mulf %bitcast3A_971, %broadcast_in_dim3A_187 : vector<16xf32>
      %add3A_1381 = arith.addf %mul3A_1379, %mul3A_1380 : vector<16xf32>
      %mul3A_1382 = arith.mulf %bitcast3A_993, %broadcast_in_dim3A_293 : vector<16xf32>
      %add3A_1383 = arith.addf %add3A_1381, %mul3A_1382 : vector<16xf32>
      %mul3A_1384 = arith.mulf %bitcast3A_1015, %broadcast_in_dim3A_399 : vector<16xf32>
      %add3A_1385 = arith.addf %add3A_1383, %mul3A_1384 : vector<16xf32>
      %mul3A_1386 = arith.mulf %bitcast3A_1037, %broadcast_in_dim3A_505 : vector<16xf32>
      %add3A_1387 = arith.addf %add3A_1385, %mul3A_1386 : vector<16xf32>
      %mul3A_1388 = arith.mulf %bitcast3A_1059, %broadcast_in_dim3A_611 : vector<16xf32>
      %add3A_1389 = arith.addf %add3A_1387, %mul3A_1388 : vector<16xf32>
      %mul3A_1390 = arith.mulf %bitcast3A_1081, %broadcast_in_dim3A_717 : vector<16xf32>
      %add3A_1391 = arith.addf %add3A_1389, %mul3A_1390 : vector<16xf32>
      %mul3A_1392 = arith.mulf %bitcast3A_1103, %broadcast_in_dim3A_823 : vector<16xf32>
      %add3A_1393 = arith.addf %add3A_1391, %mul3A_1392 : vector<16xf32>
      %mul3A_1394 = arith.constant 24 : i32
      %mul3A_1395 = vector.broadcast %mul3A_1394 : i32 to vector<16xi32>
      %mul3A_1396 = arith.muli %add3A_928, %mul3A_1395 : vector<16xi32>
      %add3A_1397 = arith.constant 13 : i32
      %add3A_1398 = vector.broadcast %add3A_1397 : i32 to vector<16xi32>
      %add3A_1399 = arith.addi %mul3A_1396, %add3A_1398 : vector<16xi32>
      tpu.vector_store_idx %arg12[%add3A_1399], %add3A_1393 : memref<1536xf32, #tpu.memory_space<vmem>>[vector<16xi32>], vector<16xf32>,
      %mul3A_1400 = arith.mulf %bitcast3A_949, %broadcast_in_dim3A_84 : vector<16xf32>
      %mul3A_1401 = arith.mulf %bitcast3A_971, %broadcast_in_dim3A_190 : vector<16xf32>
      %add3A_1402 = arith.addf %mul3A_1400, %mul3A_1401 : vector<16xf32>
      %mul3A_1403 = arith.mulf %bitcast3A_993, %broadcast_in_dim3A_296 : vector<16xf32>
      %add3A_1404 = arith.addf %add3A_1402, %mul3A_1403 : vector<16xf32>
      %mul3A_1405 = arith.mulf %bitcast3A_1015, %broadcast_in_dim3A_402 : vector<16xf32>
      %add3A_1406 = arith.addf %add3A_1404, %mul3A_1405 : vector<16xf32>
      %mul3A_1407 = arith.mulf %bitcast3A_1037, %broadcast_in_dim3A_508 : vector<16xf32>
      %add3A_1408 = arith.addf %add3A_1406, %mul3A_1407 : vector<16xf32>
      %mul3A_1409 = arith.mulf %bitcast3A_1059, %broadcast_in_dim3A_614 : vector<16xf32>
      %add3A_1410 = arith.addf %add3A_1408, %mul3A_1409 : vector<16xf32>
      %mul3A_1411 = arith.mulf %bitcast3A_1081, %broadcast_in_dim3A_720 : vector<16xf32>
      %add3A_1412 = arith.addf %add3A_1410, %mul3A_1411 : vector<16xf32>
      %mul3A_1413 = arith.mulf %bitcast3A_1103, %broadcast_in_dim3A_826 : vector<16xf32>
      %add3A_1414 = arith.addf %add3A_1412, %mul3A_1413 : vector<16xf32>
      %mul3A_1415 = arith.constant 24 : i32
      %mul3A_1416 = vector.broadcast %mul3A_1415 : i32 to vector<16xi32>
      %mul3A_1417 = arith.muli %add3A_928, %mul3A_1416 : vector<16xi32>
      %add3A_1418 = arith.constant 14 : i32
      %add3A_1419 = vector.broadcast %add3A_1418 : i32 to vector<16xi32>
      %add3A_1420 = arith.addi %mul3A_1417, %add3A_1419 : vector<16xi32>
      tpu.vector_store_idx %arg12[%add3A_1420], %add3A_1414 : memref<1536xf32, #tpu.memory_space<vmem>>[vector<16xi32>], vector<16xf32>,
      %mul3A_1421 = arith.mulf %bitcast3A_949, %broadcast_in_dim3A_87 : vector<16xf32>
      %mul3A_1422 = arith.mulf %bitcast3A_971, %broadcast_in_dim3A_193 : vector<16xf32>
      %add3A_1423 = arith.addf %mul3A_1421, %mul3A_1422 : vector<16xf32>
      %mul3A_1424 = arith.mulf %bitcast3A_993, %broadcast_in_dim3A_299 : vector<16xf32>
      %add3A_1425 = arith.addf %add3A_1423, %mul3A_1424 : vector<16xf32>
      %mul3A_1426 = arith.mulf %bitcast3A_1015, %broadcast_in_dim3A_405 : vector<16xf32>
      %add3A_1427 = arith.addf %add3A_1425, %mul3A_1426 : vector<16xf32>
      %mul3A_1428 = arith.mulf %bitcast3A_1037, %broadcast_in_dim3A_511 : vector<16xf32>
      %add3A_1429 = arith.addf %add3A_1427, %mul3A_1428 : vector<16xf32>
      %mul3A_1430 = arith.mulf %bitcast3A_1059, %broadcast_in_dim3A_617 : vector<16xf32>
      %add3A_1431 = arith.addf %add3A_1429, %mul3A_1430 : vector<16xf32>
      %mul3A_1432 = arith.mulf %bitcast3A_1081, %broadcast_in_dim3A_723 : vector<16xf32>
      %add3A_1433 = arith.addf %add3A_1431, %mul3A_1432 : vector<16xf32>
      %mul3A_1434 = arith.mulf %bitcast3A_1103, %broadcast_in_dim3A_829 : vector<16xf32>
      %add3A_1435 = arith.addf %add3A_1433, %mul3A_1434 : vector<16xf32>
      %mul3A_1436 = arith.constant 24 : i32
      %mul3A_1437 = vector.broadcast %mul3A_1436 : i32 to vector<16xi32>
      %mul3A_1438 = arith.muli %add3A_928, %mul3A_1437 : vector<16xi32>
      %add3A_1439 = arith.constant 15 : i32
      %add3A_1440 = vector.broadcast %add3A_1439 : i32 to vector<16xi32>
      %add3A_1441 = arith.addi %mul3A_1438, %add3A_1440 : vector<16xi32>
      tpu.vector_store_idx %arg12[%add3A_1441], %add3A_1435 : memref<1536xf32, #tpu.memory_space<vmem>>[vector<16xi32>], vector<16xf32>,
      %mul3A_1442 = arith.mulf %bitcast3A_949, %broadcast_in_dim3A_90 : vector<16xf32>
      %mul3A_1443 = arith.mulf %bitcast3A_971, %broadcast_in_dim3A_196 : vector<16xf32>
      %add3A_1444 = arith.addf %mul3A_1442, %mul3A_1443 : vector<16xf32>
      %mul3A_1445 = arith.mulf %bitcast3A_993, %broadcast_in_dim3A_302 : vector<16xf32>
      %add3A_1446 = arith.addf %add3A_1444, %mul3A_1445 : vector<16xf32>
      %mul3A_1447 = arith.mulf %bitcast3A_1015, %broadcast_in_dim3A_408 : vector<16xf32>
      %add3A_1448 = arith.addf %add3A_1446, %mul3A_1447 : vector<16xf32>
      %mul3A_1449 = arith.mulf %bitcast3A_1037, %broadcast_in_dim3A_514 : vector<16xf32>
      %add3A_1450 = arith.addf %add3A_1448, %mul3A_1449 : vector<16xf32>
      %mul3A_1451 = arith.mulf %bitcast3A_1059, %broadcast_in_dim3A_620 : vector<16xf32>
      %add3A_1452 = arith.addf %add3A_1450, %mul3A_1451 : vector<16xf32>
      %mul3A_1453 = arith.mulf %bitcast3A_1081, %broadcast_in_dim3A_726 : vector<16xf32>
      %add3A_1454 = arith.addf %add3A_1452, %mul3A_1453 : vector<16xf32>
      %mul3A_1455 = arith.mulf %bitcast3A_1103, %broadcast_in_dim3A_832 : vector<16xf32>
      %add3A_1456 = arith.addf %add3A_1454, %mul3A_1455 : vector<16xf32>
      %mul3A_1457 = arith.constant 24 : i32
      %mul3A_1458 = vector.broadcast %mul3A_1457 : i32 to vector<16xi32>
      %mul3A_1459 = arith.muli %add3A_928, %mul3A_1458 : vector<16xi32>
      %add3A_1460 = arith.constant 16 : i32
      %add3A_1461 = vector.broadcast %add3A_1460 : i32 to vector<16xi32>
      %add3A_1462 = arith.addi %mul3A_1459, %add3A_1461 : vector<16xi32>
      tpu.vector_store_idx %arg12[%add3A_1462], %add3A_1456 : memref<1536xf32, #tpu.memory_space<vmem>>[vector<16xi32>], vector<16xf32>,
      %mul3A_1463 = arith.mulf %bitcast3A_949, %broadcast_in_dim3A_93 : vector<16xf32>
      %mul3A_1464 = arith.mulf %bitcast3A_971, %broadcast_in_dim3A_199 : vector<16xf32>
      %add3A_1465 = arith.addf %mul3A_1463, %mul3A_1464 : vector<16xf32>
      %mul3A_1466 = arith.mulf %bitcast3A_993, %broadcast_in_dim3A_305 : vector<16xf32>
      %add3A_1467 = arith.addf %add3A_1465, %mul3A_1466 : vector<16xf32>
      %mul3A_1468 = arith.mulf %bitcast3A_1015, %broadcast_in_dim3A_411 : vector<16xf32>
      %add3A_1469 = arith.addf %add3A_1467, %mul3A_1468 : vector<16xf32>
      %mul3A_1470 = arith.mulf %bitcast3A_1037, %broadcast_in_dim3A_517 : vector<16xf32>
      %add3A_1471 = arith.addf %add3A_1469, %mul3A_1470 : vector<16xf32>
      %mul3A_1472 = arith.mulf %bitcast3A_1059, %broadcast_in_dim3A_623 : vector<16xf32>
      %add3A_1473 = arith.addf %add3A_1471, %mul3A_1472 : vector<16xf32>
      %mul3A_1474 = arith.mulf %bitcast3A_1081, %broadcast_in_dim3A_729 : vector<16xf32>
      %add3A_1475 = arith.addf %add3A_1473, %mul3A_1474 : vector<16xf32>
      %mul3A_1476 = arith.mulf %bitcast3A_1103, %broadcast_in_dim3A_835 : vector<16xf32>
      %add3A_1477 = arith.addf %add3A_1475, %mul3A_1476 : vector<16xf32>
      %mul3A_1478 = arith.constant 24 : i32
      %mul3A_1479 = vector.broadcast %mul3A_1478 : i32 to vector<16xi32>
      %mul3A_1480 = arith.muli %add3A_928, %mul3A_1479 : vector<16xi32>
      %add3A_1481 = arith.constant 17 : i32
      %add3A_1482 = vector.broadcast %add3A_1481 : i32 to vector<16xi32>
      %add3A_1483 = arith.addi %mul3A_1480, %add3A_1482 : vector<16xi32>
      tpu.vector_store_idx %arg12[%add3A_1483], %add3A_1477 : memref<1536xf32, #tpu.memory_space<vmem>>[vector<16xi32>], vector<16xf32>,
      %mul3A_1484 = arith.mulf %bitcast3A_949, %broadcast_in_dim3A_96 : vector<16xf32>
      %mul3A_1485 = arith.mulf %bitcast3A_971, %broadcast_in_dim3A_202 : vector<16xf32>
      %add3A_1486 = arith.addf %mul3A_1484, %mul3A_1485 : vector<16xf32>
      %mul3A_1487 = arith.mulf %bitcast3A_993, %broadcast_in_dim3A_308 : vector<16xf32>
      %add3A_1488 = arith.addf %add3A_1486, %mul3A_1487 : vector<16xf32>
      %mul3A_1489 = arith.mulf %bitcast3A_1015, %broadcast_in_dim3A_414 : vector<16xf32>
      %add3A_1490 = arith.addf %add3A_1488, %mul3A_1489 : vector<16xf32>
      %mul3A_1491 = arith.mulf %bitcast3A_1037, %broadcast_in_dim3A_520 : vector<16xf32>
      %add3A_1492 = arith.addf %add3A_1490, %mul3A_1491 : vector<16xf32>
      %mul3A_1493 = arith.mulf %bitcast3A_1059, %broadcast_in_dim3A_626 : vector<16xf32>
      %add3A_1494 = arith.addf %add3A_1492, %mul3A_1493 : vector<16xf32>
      %mul3A_1495 = arith.mulf %bitcast3A_1081, %broadcast_in_dim3A_732 : vector<16xf32>
      %add3A_1496 = arith.addf %add3A_1494, %mul3A_1495 : vector<16xf32>
      %mul3A_1497 = arith.mulf %bitcast3A_1103, %broadcast_in_dim3A_838 : vector<16xf32>
      %add3A_1498 = arith.addf %add3A_1496, %mul3A_1497 : vector<16xf32>
      %mul3A_1499 = arith.constant 24 : i32
      %mul3A_1500 = vector.broadcast %mul3A_1499 : i32 to vector<16xi32>
      %mul3A_1501 = arith.muli %add3A_928, %mul3A_1500 : vector<16xi32>
      %add3A_1502 = arith.constant 18 : i32
      %add3A_1503 = vector.broadcast %add3A_1502 : i32 to vector<16xi32>
      %add3A_1504 = arith.addi %mul3A_1501, %add3A_1503 : vector<16xi32>
      tpu.vector_store_idx %arg12[%add3A_1504], %add3A_1498 : memref<1536xf32, #tpu.memory_space<vmem>>[vector<16xi32>], vector<16xf32>,
      %mul3A_1505 = arith.mulf %bitcast3A_949, %broadcast_in_dim3A_99 : vector<16xf32>
      %mul3A_1506 = arith.mulf %bitcast3A_971, %broadcast_in_dim3A_205 : vector<16xf32>
      %add3A_1507 = arith.addf %mul3A_1505, %mul3A_1506 : vector<16xf32>
      %mul3A_1508 = arith.mulf %bitcast3A_993, %broadcast_in_dim3A_311 : vector<16xf32>
      %add3A_1509 = arith.addf %add3A_1507, %mul3A_1508 : vector<16xf32>
      %mul3A_1510 = arith.mulf %bitcast3A_1015, %broadcast_in_dim3A_417 : vector<16xf32>
      %add3A_1511 = arith.addf %add3A_1509, %mul3A_1510 : vector<16xf32>
      %mul3A_1512 = arith.mulf %bitcast3A_1037, %broadcast_in_dim3A_523 : vector<16xf32>
      %add3A_1513 = arith.addf %add3A_1511, %mul3A_1512 : vector<16xf32>
      %mul3A_1514 = arith.mulf %bitcast3A_1059, %broadcast_in_dim3A_629 : vector<16xf32>
      %add3A_1515 = arith.addf %add3A_1513, %mul3A_1514 : vector<16xf32>
      %mul3A_1516 = arith.mulf %bitcast3A_1081, %broadcast_in_dim3A_735 : vector<16xf32>
      %add3A_1517 = arith.addf %add3A_1515, %mul3A_1516 : vector<16xf32>
      %mul3A_1518 = arith.mulf %bitcast3A_1103, %broadcast_in_dim3A_841 : vector<16xf32>
      %add3A_1519 = arith.addf %add3A_1517, %mul3A_1518 : vector<16xf32>
      %mul3A_1520 = arith.constant 24 : i32
      %mul3A_1521 = vector.broadcast %mul3A_1520 : i32 to vector<16xi32>
      %mul3A_1522 = arith.muli %add3A_928, %mul3A_1521 : vector<16xi32>
      %add3A_1523 = arith.constant 19 : i32
      %add3A_1524 = vector.broadcast %add3A_1523 : i32 to vector<16xi32>
      %add3A_1525 = arith.addi %mul3A_1522, %add3A_1524 : vector<16xi32>
      tpu.vector_store_idx %arg12[%add3A_1525], %add3A_1519 : memref<1536xf32, #tpu.memory_space<vmem>>[vector<16xi32>], vector<16xf32>,
      %mul3A_1526 = arith.mulf %bitcast3A_949, %broadcast_in_dim3A_102 : vector<16xf32>
      %mul3A_1527 = arith.mulf %bitcast3A_971, %broadcast_in_dim3A_208 : vector<16xf32>
      %add3A_1528 = arith.addf %mul3A_1526, %mul3A_1527 : vector<16xf32>
      %mul3A_1529 = arith.mulf %bitcast3A_993, %broadcast_in_dim3A_314 : vector<16xf32>
      %add3A_1530 = arith.addf %add3A_1528, %mul3A_1529 : vector<16xf32>
      %mul3A_1531 = arith.mulf %bitcast3A_1015, %broadcast_in_dim3A_420 : vector<16xf32>
      %add3A_1532 = arith.addf %add3A_1530, %mul3A_1531 : vector<16xf32>
      %mul3A_1533 = arith.mulf %bitcast3A_1037, %broadcast_in_dim3A_526 : vector<16xf32>
      %add3A_1534 = arith.addf %add3A_1532, %mul3A_1533 : vector<16xf32>
      %mul3A_1535 = arith.mulf %bitcast3A_1059, %broadcast_in_dim3A_632 : vector<16xf32>
      %add3A_1536 = arith.addf %add3A_1534, %mul3A_1535 : vector<16xf32>
      %mul3A_1537 = arith.mulf %bitcast3A_1081, %broadcast_in_dim3A_738 : vector<16xf32>
      %add3A_1538 = arith.addf %add3A_1536, %mul3A_1537 : vector<16xf32>
      %mul3A_1539 = arith.mulf %bitcast3A_1103, %broadcast_in_dim3A_844 : vector<16xf32>
      %add3A_1540 = arith.addf %add3A_1538, %mul3A_1539 : vector<16xf32>
      %mul3A_1541 = arith.constant 24 : i32
      %mul3A_1542 = vector.broadcast %mul3A_1541 : i32 to vector<16xi32>
      %mul3A_1543 = arith.muli %add3A_928, %mul3A_1542 : vector<16xi32>
      %add3A_1544 = arith.constant 20 : i32
      %add3A_1545 = vector.broadcast %add3A_1544 : i32 to vector<16xi32>
      %add3A_1546 = arith.addi %mul3A_1543, %add3A_1545 : vector<16xi32>
      tpu.vector_store_idx %arg12[%add3A_1546], %add3A_1540 : memref<1536xf32, #tpu.memory_space<vmem>>[vector<16xi32>], vector<16xf32>,
      %mul3A_1547 = arith.mulf %bitcast3A_949, %broadcast_in_dim3A_105 : vector<16xf32>
      %mul3A_1548 = arith.mulf %bitcast3A_971, %broadcast_in_dim3A_211 : vector<16xf32>
      %add3A_1549 = arith.addf %mul3A_1547, %mul3A_1548 : vector<16xf32>
      %mul3A_1550 = arith.mulf %bitcast3A_993, %broadcast_in_dim3A_317 : vector<16xf32>
      %add3A_1551 = arith.addf %add3A_1549, %mul3A_1550 : vector<16xf32>
      %mul3A_1552 = arith.mulf %bitcast3A_1015, %broadcast_in_dim3A_423 : vector<16xf32>
      %add3A_1553 = arith.addf %add3A_1551, %mul3A_1552 : vector<16xf32>
      %mul3A_1554 = arith.mulf %bitcast3A_1037, %broadcast_in_dim3A_529 : vector<16xf32>
      %add3A_1555 = arith.addf %add3A_1553, %mul3A_1554 : vector<16xf32>
      %mul3A_1556 = arith.mulf %bitcast3A_1059, %broadcast_in_dim3A_635 : vector<16xf32>
      %add3A_1557 = arith.addf %add3A_1555, %mul3A_1556 : vector<16xf32>
      %mul3A_1558 = arith.mulf %bitcast3A_1081, %broadcast_in_dim3A_741 : vector<16xf32>
      %add3A_1559 = arith.addf %add3A_1557, %mul3A_1558 : vector<16xf32>
      %mul3A_1560 = arith.mulf %bitcast3A_1103, %broadcast_in_dim3A_847 : vector<16xf32>
      %add3A_1561 = arith.addf %add3A_1559, %mul3A_1560 : vector<16xf32>
      %mul3A_1562 = arith.constant 24 : i32
      %mul3A_1563 = vector.broadcast %mul3A_1562 : i32 to vector<16xi32>
      %mul3A_1564 = arith.muli %add3A_928, %mul3A_1563 : vector<16xi32>
      %add3A_1565 = arith.constant 21 : i32
      %add3A_1566 = vector.broadcast %add3A_1565 : i32 to vector<16xi32>
      %add3A_1567 = arith.addi %mul3A_1564, %add3A_1566 : vector<16xi32>
      tpu.vector_store_idx %arg12[%add3A_1567], %add3A_1561 : memref<1536xf32, #tpu.memory_space<vmem>>[vector<16xi32>], vector<16xf32>,
      %mul3A_1568 = arith.mulf %bitcast3A_949, %broadcast_in_dim3A_108 : vector<16xf32>
      %mul3A_1569 = arith.mulf %bitcast3A_971, %broadcast_in_dim3A_214 : vector<16xf32>
      %add3A_1570 = arith.addf %mul3A_1568, %mul3A_1569 : vector<16xf32>
      %mul3A_1571 = arith.mulf %bitcast3A_993, %broadcast_in_dim3A_320 : vector<16xf32>
      %add3A_1572 = arith.addf %add3A_1570, %mul3A_1571 : vector<16xf32>
      %mul3A_1573 = arith.mulf %bitcast3A_1015, %broadcast_in_dim3A_426 : vector<16xf32>
      %add3A_1574 = arith.addf %add3A_1572, %mul3A_1573 : vector<16xf32>
      %mul3A_1575 = arith.mulf %bitcast3A_1037, %broadcast_in_dim3A_532 : vector<16xf32>
      %add3A_1576 = arith.addf %add3A_1574, %mul3A_1575 : vector<16xf32>
      %mul3A_1577 = arith.mulf %bitcast3A_1059, %broadcast_in_dim3A_638 : vector<16xf32>
      %add3A_1578 = arith.addf %add3A_1576, %mul3A_1577 : vector<16xf32>
      %mul3A_1579 = arith.mulf %bitcast3A_1081, %broadcast_in_dim3A_744 : vector<16xf32>
      %add3A_1580 = arith.addf %add3A_1578, %mul3A_1579 : vector<16xf32>
      %mul3A_1581 = arith.mulf %bitcast3A_1103, %broadcast_in_dim3A_850 : vector<16xf32>
      %add3A_1582 = arith.addf %add3A_1580, %mul3A_1581 : vector<16xf32>
      %mul3A_1583 = arith.constant 24 : i32
      %mul3A_1584 = vector.broadcast %mul3A_1583 : i32 to vector<16xi32>
      %mul3A_1585 = arith.muli %add3A_928, %mul3A_1584 : vector<16xi32>
      %add3A_1586 = arith.constant 22 : i32
      %add3A_1587 = vector.broadcast %add3A_1586 : i32 to vector<16xi32>
      %add3A_1588 = arith.addi %mul3A_1585, %add3A_1587 : vector<16xi32>
      tpu.vector_store_idx %arg12[%add3A_1588], %add3A_1582 : memref<1536xf32, #tpu.memory_space<vmem>>[vector<16xi32>], vector<16xf32>,
      %mul3A_1589 = arith.mulf %bitcast3A_949, %broadcast_in_dim3A_111 : vector<16xf32>
      %mul3A_1590 = arith.mulf %bitcast3A_971, %broadcast_in_dim3A_217 : vector<16xf32>
      %add3A_1591 = arith.addf %mul3A_1589, %mul3A_1590 : vector<16xf32>
      %mul3A_1592 = arith.mulf %bitcast3A_993, %broadcast_in_dim3A_323 : vector<16xf32>
      %add3A_1593 = arith.addf %add3A_1591, %mul3A_1592 : vector<16xf32>
      %mul3A_1594 = arith.mulf %bitcast3A_1015, %broadcast_in_dim3A_429 : vector<16xf32>
      %add3A_1595 = arith.addf %add3A_1593, %mul3A_1594 : vector<16xf32>
      %mul3A_1596 = arith.mulf %bitcast3A_1037, %broadcast_in_dim3A_535 : vector<16xf32>
      %add3A_1597 = arith.addf %add3A_1595, %mul3A_1596 : vector<16xf32>
      %mul3A_1598 = arith.mulf %bitcast3A_1059, %broadcast_in_dim3A_641 : vector<16xf32>
      %add3A_1599 = arith.addf %add3A_1597, %mul3A_1598 : vector<16xf32>
      %mul3A_1600 = arith.mulf %bitcast3A_1081, %broadcast_in_dim3A_747 : vector<16xf32>
      %add3A_1601 = arith.addf %add3A_1599, %mul3A_1600 : vector<16xf32>
      %mul3A_1602 = arith.mulf %bitcast3A_1103, %broadcast_in_dim3A_853 : vector<16xf32>
      %add3A_1603 = arith.addf %add3A_1601, %mul3A_1602 : vector<16xf32>
      %mul3A_1604 = arith.constant 24 : i32
      %mul3A_1605 = vector.broadcast %mul3A_1604 : i32 to vector<16xi32>
      %mul3A_1606 = arith.muli %add3A_928, %mul3A_1605 : vector<16xi32>
      %add3A_1607 = arith.constant 23 : i32
      %add3A_1608 = vector.broadcast %add3A_1607 : i32 to vector<16xi32>
      %add3A_1609 = arith.addi %mul3A_1606, %add3A_1608 : vector<16xi32>
      tpu.vector_store_idx %arg12[%add3A_1609], %add3A_1603 : memref<1536xf32, #tpu.memory_space<vmem>>[vector<16xi32>], vector<16xf32>,
    }
    %scan3A_909 = arith.constant 4 : i32
    %mul3A_910 = arith.constant 64 : i32
    %mul3A_911 = arith.muli %arg1, %mul3A_910 : i32
    %mul3A_912 = arith.constant 24 : i32
    %mul3A_913 = arith.muli %mul3A_911, %mul3A_912 : i32
    "tpu.region"() ({
      %run_scoped3A = tpu.sem_alloc : memref<!tpu.dma_semaphore, #tpu.memory_space<semaphore_mem>>
      %dma_start3A = tpu.memref_slice %arg20[%mul3A_913] : memref<24576xf32, #tpu.memory_space<vmem_shared>> -> memref<1536xf32, #tpu.memory_space<vmem_shared>>
      %dma_start3A_924 = tpu.memref_slice %arg20[%mul3A_913] : memref<24576xf32, #tpu.memory_space<vmem_shared>> -> memref<1536xf32, #tpu.memory_space<vmem_shared>>
      tpu.enqueue_dma source(%arg12 : memref<1536xf32, #tpu.memory_space<vmem>>) target(%dma_start3A_924 : memref<1536xf32, #tpu.memory_space<vmem_shared>>) target_semaphore(%run_scoped3A : memref<!tpu.dma_semaphore, #tpu.memory_space<semaphore_mem>>)
      %dma_wait3A = tpu.memref_slice %arg20[%mul3A_913] : memref<24576xf32, #tpu.memory_space<vmem_shared>> -> memref<1536xf32, #tpu.memory_space<vmem_shared>>
      %dma_wait3A_925 = tpu.memref_slice %arg20[%mul3A_913] : memref<24576xf32, #tpu.memory_space<vmem_shared>> -> memref<1536xf32, #tpu.memory_space<vmem_shared>>
      tpu.wait_dma2 semaphore(%run_scoped3A : memref<!tpu.dma_semaphore, #tpu.memory_space<semaphore_mem>>) src(%arg12 : memref<1536xf32, #tpu.memory_space<vmem>>) dst(%dma_wait3A_925 : memref<1536xf32, #tpu.memory_space<vmem_shared>>)
      tpu.yield
    }) : () -> ()
    %barrier3A = arith.constant 0 : index
    tpu.barrier barrier_id(%barrier3A)
    "tpu.region"() ({
      %run_scoped3A = tpu.sem_alloc : memref<!tpu.dma_semaphore, #tpu.memory_space<semaphore_mem>>
      tpu.enqueue_dma source(%arg20 : memref<24576xf32, #tpu.memory_space<vmem_shared>>) target(%arg10 : memref<24576xf32, #tpu.memory_space<vmem>>) target_semaphore(%run_scoped3A : memref<!tpu.dma_semaphore, #tpu.memory_space<semaphore_mem>>)
      tpu.wait_dma2 semaphore(%run_scoped3A : memref<!tpu.dma_semaphore, #tpu.memory_space<semaphore_mem>>) src(%arg20 : memref<24576xf32, #tpu.memory_space<vmem_shared>>) dst(%arg10 : memref<24576xf32, #tpu.memory_space<vmem>>)
      tpu.yield
    }) : () -> ()
    %scan3A_914 = arith.constant 0 : i32
    %scan3A_915 = arith.constant 0 : i32
    %scan3A_916 = arith.constant 32 : i32
    %scan3A_917 = arith.addi %scan3A_915, %scan3A_916 : i32
    %scan3A_918 = arith.constant 1 : i32
    scf.for %scan3A_924 = %scan3A_915 to %scan3A_917 step %scan3A_918  : i32 {
      %mul3A_925 = arith.constant 16 : i32
      %mul3A_926 = arith.muli %scan3A_924, %mul3A_925 : i32
      %add3A_927 = vector.broadcast %mul3A_926 : i32 to vector<16xi32>
      %add3A_928 = arith.addi %add3A_927, %iota3A : vector<16xi32>
      %mul3A_929 = arith.constant 2 : i32
      %mul3A_930 = vector.broadcast %mul3A_929 : i32 to vector<16xi32>
      %mul3A_931 = arith.muli %add3A_928, %mul3A_930 : vector<16xi32>
      %mul3A_932 = arith.constant 4 : i32
      %mul3A_933 = vector.broadcast %mul3A_932 : i32 to vector<16xi32>
      %mul3A_934 = arith.muli %add3A_928, %mul3A_933 : vector<16xi32>
      %add3A_935 = arith.constant 0 : i32
      %add3A_936 = vector.broadcast %add3A_935 : i32 to vector<16xi32>
      %add3A_937 = arith.addi %mul3A_934, %add3A_936 : vector<16xi32>
      %gather3A = tpu.vector_load_idx %arg15[%add3A_937] : memref<2048xf32, #tpu.memory_space<vmem>>[vector<16xi32>], vector<16xf32>,
      %bitcast3A_938 = vector.bitcast %gather3A : vector<16xf32> to vector<16xi32>
      %add3A_939 = arith.constant 32767 : i32
      %add3A_940 = vector.broadcast %add3A_939 : i32 to vector<16xi32>
      %add3A_941 = arith.addi %bitcast3A_938, %add3A_940 : vector<16xi32>
      %shift_right_arithmetic3A_942 = arith.constant 16 : i32
      %shift_right_arithmetic3A_943 = vector.broadcast %shift_right_arithmetic3A_942 : i32 to vector<16xi32>
      %shift_right_arithmetic3A_944 = arith.shrsi %bitcast3A_938, %shift_right_arithmetic3A_943 : vector<16xi32>
      %and3A_945 = arith.constant 1 : i32
      %and3A_946 = vector.broadcast %and3A_945 : i32 to vector<16xi32>
      %and3A_947 = arith.andi %shift_right_arithmetic3A_944, %and3A_946 : vector<16xi32>
      %add3A_948 = arith.addi %add3A_941, %and3A_947 : vector<16xi32>
      %and3A_949 = arith.constant -65536 : i32
      %and3A_950 = vector.broadcast %and3A_949 : i32 to vector<16xi32>
      %and3A_951 = arith.andi %add3A_948, %and3A_950 : vector<16xi32>
      %bitcast3A_952 = vector.bitcast %and3A_951 : vector<16xi32> to vector<16xf32>
      %mul3A_953 = arith.constant 4 : i32
      %mul3A_954 = vector.broadcast %mul3A_953 : i32 to vector<16xi32>
      %mul3A_955 = arith.muli %add3A_928, %mul3A_954 : vector<16xi32>
      %add3A_956 = arith.constant 1 : i32
      %add3A_957 = vector.broadcast %add3A_956 : i32 to vector<16xi32>
      %add3A_958 = arith.addi %mul3A_955, %add3A_957 : vector<16xi32>
      %gather3A_959 = tpu.vector_load_idx %arg15[%add3A_958] : memref<2048xf32, #tpu.memory_space<vmem>>[vector<16xi32>], vector<16xf32>,
      %bitcast3A_960 = vector.bitcast %gather3A_959 : vector<16xf32> to vector<16xi32>
      %add3A_961 = arith.constant 32767 : i32
      %add3A_962 = vector.broadcast %add3A_961 : i32 to vector<16xi32>
      %add3A_963 = arith.addi %bitcast3A_960, %add3A_962 : vector<16xi32>
      %shift_right_arithmetic3A_964 = arith.constant 16 : i32
      %shift_right_arithmetic3A_965 = vector.broadcast %shift_right_arithmetic3A_964 : i32 to vector<16xi32>
      %shift_right_arithmetic3A_966 = arith.shrsi %bitcast3A_960, %shift_right_arithmetic3A_965 : vector<16xi32>
      %and3A_967 = arith.constant 1 : i32
      %and3A_968 = vector.broadcast %and3A_967 : i32 to vector<16xi32>
      %and3A_969 = arith.andi %shift_right_arithmetic3A_966, %and3A_968 : vector<16xi32>
      %add3A_970 = arith.addi %add3A_963, %and3A_969 : vector<16xi32>
      %and3A_971 = arith.constant -65536 : i32
      %and3A_972 = vector.broadcast %and3A_971 : i32 to vector<16xi32>
      %and3A_973 = arith.andi %add3A_970, %and3A_972 : vector<16xi32>
      %bitcast3A_974 = vector.bitcast %and3A_973 : vector<16xi32> to vector<16xf32>
      %mul3A_975 = arith.constant 4 : i32
      %mul3A_976 = vector.broadcast %mul3A_975 : i32 to vector<16xi32>
      %mul3A_977 = arith.muli %add3A_928, %mul3A_976 : vector<16xi32>
      %add3A_978 = arith.constant 2 : i32
      %add3A_979 = vector.broadcast %add3A_978 : i32 to vector<16xi32>
      %add3A_980 = arith.addi %mul3A_977, %add3A_979 : vector<16xi32>
      %gather3A_981 = tpu.vector_load_idx %arg15[%add3A_980] : memref<2048xf32, #tpu.memory_space<vmem>>[vector<16xi32>], vector<16xf32>,
      %bitcast3A_982 = vector.bitcast %gather3A_981 : vector<16xf32> to vector<16xi32>
      %add3A_983 = arith.constant 32767 : i32
      %add3A_984 = vector.broadcast %add3A_983 : i32 to vector<16xi32>
      %add3A_985 = arith.addi %bitcast3A_982, %add3A_984 : vector<16xi32>
      %shift_right_arithmetic3A_986 = arith.constant 16 : i32
      %shift_right_arithmetic3A_987 = vector.broadcast %shift_right_arithmetic3A_986 : i32 to vector<16xi32>
      %shift_right_arithmetic3A_988 = arith.shrsi %bitcast3A_982, %shift_right_arithmetic3A_987 : vector<16xi32>
      %and3A_989 = arith.constant 1 : i32
      %and3A_990 = vector.broadcast %and3A_989 : i32 to vector<16xi32>
      %and3A_991 = arith.andi %shift_right_arithmetic3A_988, %and3A_990 : vector<16xi32>
      %add3A_992 = arith.addi %add3A_985, %and3A_991 : vector<16xi32>
      %and3A_993 = arith.constant -65536 : i32
      %and3A_994 = vector.broadcast %and3A_993 : i32 to vector<16xi32>
      %and3A_995 = arith.andi %add3A_992, %and3A_994 : vector<16xi32>
      %bitcast3A_996 = vector.bitcast %and3A_995 : vector<16xi32> to vector<16xf32>
      %mul3A_997 = arith.constant 4 : i32
      %mul3A_998 = vector.broadcast %mul3A_997 : i32 to vector<16xi32>
      %mul3A_999 = arith.muli %add3A_928, %mul3A_998 : vector<16xi32>
      %add3A_1000 = arith.constant 3 : i32
      %add3A_1001 = vector.broadcast %add3A_1000 : i32 to vector<16xi32>
      %add3A_1002 = arith.addi %mul3A_999, %add3A_1001 : vector<16xi32>
      %gather3A_1003 = tpu.vector_load_idx %arg15[%add3A_1002] : memref<2048xf32, #tpu.memory_space<vmem>>[vector<16xi32>], vector<16xf32>,
      %bitcast3A_1004 = vector.bitcast %gather3A_1003 : vector<16xf32> to vector<16xi32>
      %add3A_1005 = arith.constant 32767 : i32
      %add3A_1006 = vector.broadcast %add3A_1005 : i32 to vector<16xi32>
      %add3A_1007 = arith.addi %bitcast3A_1004, %add3A_1006 : vector<16xi32>
      %shift_right_arithmetic3A_1008 = arith.constant 16 : i32
      %shift_right_arithmetic3A_1009 = vector.broadcast %shift_right_arithmetic3A_1008 : i32 to vector<16xi32>
      %shift_right_arithmetic3A_1010 = arith.shrsi %bitcast3A_1004, %shift_right_arithmetic3A_1009 : vector<16xi32>
      %and3A_1011 = arith.constant 1 : i32
      %and3A_1012 = vector.broadcast %and3A_1011 : i32 to vector<16xi32>
      %and3A_1013 = arith.andi %shift_right_arithmetic3A_1010, %and3A_1012 : vector<16xi32>
      %add3A_1014 = arith.addi %add3A_1007, %and3A_1013 : vector<16xi32>
      %and3A_1015 = arith.constant -65536 : i32
      %and3A_1016 = vector.broadcast %and3A_1015 : i32 to vector<16xi32>
      %and3A_1017 = arith.andi %add3A_1014, %and3A_1016 : vector<16xi32>
      %bitcast3A_1018 = vector.bitcast %and3A_1017 : vector<16xi32> to vector<16xf32>
      %mul3A_1019 = arith.mulf %bitcast3A_952, %broadcast_in_dim3A_883 : vector<16xf32>
      %mul3A_1020 = arith.mulf %bitcast3A_952, %broadcast_in_dim3A_895 : vector<16xf32>
      %mul3A_1021 = arith.mulf %bitcast3A_974, %broadcast_in_dim3A_886 : vector<16xf32>
      %add3A_1022 = arith.addf %mul3A_1019, %mul3A_1021 : vector<16xf32>
      %mul3A_1023 = arith.mulf %bitcast3A_974, %broadcast_in_dim3A_898 : vector<16xf32>
      %add3A_1024 = arith.addf %mul3A_1020, %mul3A_1023 : vector<16xf32>
      %mul3A_1025 = arith.mulf %bitcast3A_996, %broadcast_in_dim3A_889 : vector<16xf32>
      %add3A_1026 = arith.addf %add3A_1022, %mul3A_1025 : vector<16xf32>
      %mul3A_1027 = arith.mulf %bitcast3A_996, %broadcast_in_dim3A_901 : vector<16xf32>
      %add3A_1028 = arith.addf %add3A_1024, %mul3A_1027 : vector<16xf32>
      %mul3A_1029 = arith.mulf %bitcast3A_1018, %broadcast_in_dim3A_892 : vector<16xf32>
      %add3A_1030 = arith.addf %add3A_1026, %mul3A_1029 : vector<16xf32>
      %mul3A_1031 = arith.mulf %bitcast3A_1018, %broadcast_in_dim3A_904 : vector<16xf32>
      %add3A_1032 = arith.addf %add3A_1028, %mul3A_1031 : vector<16xf32>
      %mul3A_1033 = arith.constant 8 : i32
      %mul3A_1034 = vector.broadcast %mul3A_1033 : i32 to vector<16xi32>
      %mul3A_1035 = arith.muli %add3A_928, %mul3A_1034 : vector<16xi32>
      %add3A_1036 = arith.constant 0 : i32
      %add3A_1037 = vector.broadcast %add3A_1036 : i32 to vector<16xi32>
      %add3A_1038 = arith.addi %mul3A_1035, %add3A_1037 : vector<16xi32>
      %gather3A_1039 = tpu.vector_load_idx %arg13[%add3A_1038] : memref<4096xi32, #tpu.memory_space<vmem>>[vector<16xi32>], vector<16xi32>,
      %mul3A_1040 = arith.constant 24 : i32
      %mul3A_1041 = vector.broadcast %mul3A_1040 : i32 to vector<16xi32>
      %mul3A_1042 = arith.muli %gather3A_1039, %mul3A_1041 : vector<16xi32>
      %add3A_1043 = arith.constant 0 : i32
      %add3A_1044 = vector.broadcast %add3A_1043 : i32 to vector<16xi32>
      %add3A_1045 = arith.addi %mul3A_1042, %add3A_1044 : vector<16xi32>
      %gather3A_1046 = tpu.vector_load_idx %arg10[%add3A_1045] : memref<24576xf32, #tpu.memory_space<vmem>>[vector<16xi32>], vector<16xf32>,
      %add3A_1047 = arith.addf %add3A_1030, %gather3A_1046 : vector<16xf32>
      %add3A_1048 = arith.constant 1 : i32
      %add3A_1049 = vector.broadcast %add3A_1048 : i32 to vector<16xi32>
      %add3A_1050 = arith.addi %add3A_1045, %add3A_1049 : vector<16xi32>
      %gather3A_1051 = tpu.vector_load_idx %arg10[%add3A_1050] : memref<24576xf32, #tpu.memory_space<vmem>>[vector<16xi32>], vector<16xf32>,
      %add3A_1052 = arith.addf %add3A_1032, %gather3A_1051 : vector<16xf32>
      %mul3A_1053 = arith.constant 8 : i32
      %mul3A_1054 = vector.broadcast %mul3A_1053 : i32 to vector<16xi32>
      %mul3A_1055 = arith.muli %add3A_928, %mul3A_1054 : vector<16xi32>
      %add3A_1056 = arith.constant 1 : i32
      %add3A_1057 = vector.broadcast %add3A_1056 : i32 to vector<16xi32>
      %add3A_1058 = arith.addi %mul3A_1055, %add3A_1057 : vector<16xi32>
      %gather3A_1059 = tpu.vector_load_idx %arg13[%add3A_1058] : memref<4096xi32, #tpu.memory_space<vmem>>[vector<16xi32>], vector<16xi32>,
      %mul3A_1060 = arith.constant 24 : i32
      %mul3A_1061 = vector.broadcast %mul3A_1060 : i32 to vector<16xi32>
      %mul3A_1062 = arith.muli %gather3A_1059, %mul3A_1061 : vector<16xi32>
      %add3A_1063 = arith.constant 2 : i32
      %add3A_1064 = vector.broadcast %add3A_1063 : i32 to vector<16xi32>
      %add3A_1065 = arith.addi %mul3A_1062, %add3A_1064 : vector<16xi32>
      %gather3A_1066 = tpu.vector_load_idx %arg10[%add3A_1065] : memref<24576xf32, #tpu.memory_space<vmem>>[vector<16xi32>], vector<16xf32>,
      %add3A_1067 = arith.addf %add3A_1047, %gather3A_1066 : vector<16xf32>
      %add3A_1068 = arith.constant 1 : i32
      %add3A_1069 = vector.broadcast %add3A_1068 : i32 to vector<16xi32>
      %add3A_1070 = arith.addi %add3A_1065, %add3A_1069 : vector<16xi32>
      %gather3A_1071 = tpu.vector_load_idx %arg10[%add3A_1070] : memref<24576xf32, #tpu.memory_space<vmem>>[vector<16xi32>], vector<16xf32>,
      %add3A_1072 = arith.addf %add3A_1052, %gather3A_1071 : vector<16xf32>
      %mul3A_1073 = arith.constant 8 : i32
      %mul3A_1074 = vector.broadcast %mul3A_1073 : i32 to vector<16xi32>
      %mul3A_1075 = arith.muli %add3A_928, %mul3A_1074 : vector<16xi32>
      %add3A_1076 = arith.constant 2 : i32
      %add3A_1077 = vector.broadcast %add3A_1076 : i32 to vector<16xi32>
      %add3A_1078 = arith.addi %mul3A_1075, %add3A_1077 : vector<16xi32>
      %gather3A_1079 = tpu.vector_load_idx %arg13[%add3A_1078] : memref<4096xi32, #tpu.memory_space<vmem>>[vector<16xi32>], vector<16xi32>,
      %mul3A_1080 = arith.constant 24 : i32
      %mul3A_1081 = vector.broadcast %mul3A_1080 : i32 to vector<16xi32>
      %mul3A_1082 = arith.muli %gather3A_1079, %mul3A_1081 : vector<16xi32>
      %add3A_1083 = arith.constant 4 : i32
      %add3A_1084 = vector.broadcast %add3A_1083 : i32 to vector<16xi32>
      %add3A_1085 = arith.addi %mul3A_1082, %add3A_1084 : vector<16xi32>
      %gather3A_1086 = tpu.vector_load_idx %arg10[%add3A_1085] : memref<24576xf32, #tpu.memory_space<vmem>>[vector<16xi32>], vector<16xf32>,
      %add3A_1087 = arith.addf %add3A_1067, %gather3A_1086 : vector<16xf32>
      %add3A_1088 = arith.constant 1 : i32
      %add3A_1089 = vector.broadcast %add3A_1088 : i32 to vector<16xi32>
      %add3A_1090 = arith.addi %add3A_1085, %add3A_1089 : vector<16xi32>
      %gather3A_1091 = tpu.vector_load_idx %arg10[%add3A_1090] : memref<24576xf32, #tpu.memory_space<vmem>>[vector<16xi32>], vector<16xf32>,
      %add3A_1092 = arith.addf %add3A_1072, %gather3A_1091 : vector<16xf32>
      %mul3A_1093 = arith.constant 8 : i32
      %mul3A_1094 = vector.broadcast %mul3A_1093 : i32 to vector<16xi32>
      %mul3A_1095 = arith.muli %add3A_928, %mul3A_1094 : vector<16xi32>
      %add3A_1096 = arith.constant 3 : i32
      %add3A_1097 = vector.broadcast %add3A_1096 : i32 to vector<16xi32>
      %add3A_1098 = arith.addi %mul3A_1095, %add3A_1097 : vector<16xi32>
      %gather3A_1099 = tpu.vector_load_idx %arg13[%add3A_1098] : memref<4096xi32, #tpu.memory_space<vmem>>[vector<16xi32>], vector<16xi32>,
      %mul3A_1100 = arith.constant 24 : i32
      %mul3A_1101 = vector.broadcast %mul3A_1100 : i32 to vector<16xi32>
      %mul3A_1102 = arith.muli %gather3A_1099, %mul3A_1101 : vector<16xi32>
      %add3A_1103 = arith.constant 6 : i32
      %add3A_1104 = vector.broadcast %add3A_1103 : i32 to vector<16xi32>
      %add3A_1105 = arith.addi %mul3A_1102, %add3A_1104 : vector<16xi32>
      %gather3A_1106 = tpu.vector_load_idx %arg10[%add3A_1105] : memref<24576xf32, #tpu.memory_space<vmem>>[vector<16xi32>], vector<16xf32>,
      %add3A_1107 = arith.addf %add3A_1087, %gather3A_1106 : vector<16xf32>
      %add3A_1108 = arith.constant 1 : i32
      %add3A_1109 = vector.broadcast %add3A_1108 : i32 to vector<16xi32>
      %add3A_1110 = arith.addi %add3A_1105, %add3A_1109 : vector<16xi32>
      %gather3A_1111 = tpu.vector_load_idx %arg10[%add3A_1110] : memref<24576xf32, #tpu.memory_space<vmem>>[vector<16xi32>], vector<16xf32>,
      %add3A_1112 = arith.addf %add3A_1092, %gather3A_1111 : vector<16xf32>
      %mul3A_1113 = arith.constant 8 : i32
      %mul3A_1114 = vector.broadcast %mul3A_1113 : i32 to vector<16xi32>
      %mul3A_1115 = arith.muli %add3A_928, %mul3A_1114 : vector<16xi32>
      %add3A_1116 = arith.constant 4 : i32
      %add3A_1117 = vector.broadcast %add3A_1116 : i32 to vector<16xi32>
      %add3A_1118 = arith.addi %mul3A_1115, %add3A_1117 : vector<16xi32>
      %gather3A_1119 = tpu.vector_load_idx %arg13[%add3A_1118] : memref<4096xi32, #tpu.memory_space<vmem>>[vector<16xi32>], vector<16xi32>,
      %mul3A_1120 = arith.constant 24 : i32
      %mul3A_1121 = vector.broadcast %mul3A_1120 : i32 to vector<16xi32>
      %mul3A_1122 = arith.muli %gather3A_1119, %mul3A_1121 : vector<16xi32>
      %add3A_1123 = arith.constant 8 : i32
      %add3A_1124 = vector.broadcast %add3A_1123 : i32 to vector<16xi32>
      %add3A_1125 = arith.addi %mul3A_1122, %add3A_1124 : vector<16xi32>
      %gather3A_1126 = tpu.vector_load_idx %arg10[%add3A_1125] : memref<24576xf32, #tpu.memory_space<vmem>>[vector<16xi32>], vector<16xf32>,
      %add3A_1127 = arith.addf %add3A_1107, %gather3A_1126 : vector<16xf32>
      %add3A_1128 = arith.constant 1 : i32
      %add3A_1129 = vector.broadcast %add3A_1128 : i32 to vector<16xi32>
      %add3A_1130 = arith.addi %add3A_1125, %add3A_1129 : vector<16xi32>
      %gather3A_1131 = tpu.vector_load_idx %arg10[%add3A_1130] : memref<24576xf32, #tpu.memory_space<vmem>>[vector<16xi32>], vector<16xf32>,
      %add3A_1132 = arith.addf %add3A_1112, %gather3A_1131 : vector<16xf32>
      %mul3A_1133 = arith.constant 8 : i32
      %mul3A_1134 = vector.broadcast %mul3A_1133 : i32 to vector<16xi32>
      %mul3A_1135 = arith.muli %add3A_928, %mul3A_1134 : vector<16xi32>
      %add3A_1136 = arith.constant 5 : i32
      %add3A_1137 = vector.broadcast %add3A_1136 : i32 to vector<16xi32>
      %add3A_1138 = arith.addi %mul3A_1135, %add3A_1137 : vector<16xi32>
      %gather3A_1139 = tpu.vector_load_idx %arg13[%add3A_1138] : memref<4096xi32, #tpu.memory_space<vmem>>[vector<16xi32>], vector<16xi32>,
      %mul3A_1140 = arith.constant 24 : i32
      %mul3A_1141 = vector.broadcast %mul3A_1140 : i32 to vector<16xi32>
      %mul3A_1142 = arith.muli %gather3A_1139, %mul3A_1141 : vector<16xi32>
      %add3A_1143 = arith.constant 10 : i32
      %add3A_1144 = vector.broadcast %add3A_1143 : i32 to vector<16xi32>
      %add3A_1145 = arith.addi %mul3A_1142, %add3A_1144 : vector<16xi32>
      %gather3A_1146 = tpu.vector_load_idx %arg10[%add3A_1145] : memref<24576xf32, #tpu.memory_space<vmem>>[vector<16xi32>], vector<16xf32>,
      %add3A_1147 = arith.addf %add3A_1127, %gather3A_1146 : vector<16xf32>
      %add3A_1148 = arith.constant 1 : i32
      %add3A_1149 = vector.broadcast %add3A_1148 : i32 to vector<16xi32>
      %add3A_1150 = arith.addi %add3A_1145, %add3A_1149 : vector<16xi32>
      %gather3A_1151 = tpu.vector_load_idx %arg10[%add3A_1150] : memref<24576xf32, #tpu.memory_space<vmem>>[vector<16xi32>], vector<16xf32>,
      %add3A_1152 = arith.addf %add3A_1132, %gather3A_1151 : vector<16xf32>
      %mul3A_1153 = arith.constant 8 : i32
      %mul3A_1154 = vector.broadcast %mul3A_1153 : i32 to vector<16xi32>
      %mul3A_1155 = arith.muli %add3A_928, %mul3A_1154 : vector<16xi32>
      %add3A_1156 = arith.constant 6 : i32
      %add3A_1157 = vector.broadcast %add3A_1156 : i32 to vector<16xi32>
      %add3A_1158 = arith.addi %mul3A_1155, %add3A_1157 : vector<16xi32>
      %gather3A_1159 = tpu.vector_load_idx %arg13[%add3A_1158] : memref<4096xi32, #tpu.memory_space<vmem>>[vector<16xi32>], vector<16xi32>,
      %mul3A_1160 = arith.constant 24 : i32
      %mul3A_1161 = vector.broadcast %mul3A_1160 : i32 to vector<16xi32>
      %mul3A_1162 = arith.muli %gather3A_1159, %mul3A_1161 : vector<16xi32>
      %add3A_1163 = arith.constant 12 : i32
      %add3A_1164 = vector.broadcast %add3A_1163 : i32 to vector<16xi32>
      %add3A_1165 = arith.addi %mul3A_1162, %add3A_1164 : vector<16xi32>
      %gather3A_1166 = tpu.vector_load_idx %arg10[%add3A_1165] : memref<24576xf32, #tpu.memory_space<vmem>>[vector<16xi32>], vector<16xf32>,
      %add3A_1167 = arith.addf %add3A_1147, %gather3A_1166 : vector<16xf32>
      %add3A_1168 = arith.constant 1 : i32
      %add3A_1169 = vector.broadcast %add3A_1168 : i32 to vector<16xi32>
      %add3A_1170 = arith.addi %add3A_1165, %add3A_1169 : vector<16xi32>
      %gather3A_1171 = tpu.vector_load_idx %arg10[%add3A_1170] : memref<24576xf32, #tpu.memory_space<vmem>>[vector<16xi32>], vector<16xf32>,
      %add3A_1172 = arith.addf %add3A_1152, %gather3A_1171 : vector<16xf32>
      %mul3A_1173 = arith.constant 8 : i32
      %mul3A_1174 = vector.broadcast %mul3A_1173 : i32 to vector<16xi32>
      %mul3A_1175 = arith.muli %add3A_928, %mul3A_1174 : vector<16xi32>
      %add3A_1176 = arith.constant 7 : i32
      %add3A_1177 = vector.broadcast %add3A_1176 : i32 to vector<16xi32>
      %add3A_1178 = arith.addi %mul3A_1175, %add3A_1177 : vector<16xi32>
      %gather3A_1179 = tpu.vector_load_idx %arg13[%add3A_1178] : memref<4096xi32, #tpu.memory_space<vmem>>[vector<16xi32>], vector<16xi32>,
      %mul3A_1180 = arith.constant 24 : i32
      %mul3A_1181 = vector.broadcast %mul3A_1180 : i32 to vector<16xi32>
      %mul3A_1182 = arith.muli %gather3A_1179, %mul3A_1181 : vector<16xi32>
      %add3A_1183 = arith.constant 14 : i32
      %add3A_1184 = vector.broadcast %add3A_1183 : i32 to vector<16xi32>
      %add3A_1185 = arith.addi %mul3A_1182, %add3A_1184 : vector<16xi32>
      %gather3A_1186 = tpu.vector_load_idx %arg10[%add3A_1185] : memref<24576xf32, #tpu.memory_space<vmem>>[vector<16xi32>], vector<16xf32>,
      %add3A_1187 = arith.addf %add3A_1167, %gather3A_1186 : vector<16xf32>
      %add3A_1188 = arith.constant 1 : i32
      %add3A_1189 = vector.broadcast %add3A_1188 : i32 to vector<16xi32>
      %add3A_1190 = arith.addi %add3A_1185, %add3A_1189 : vector<16xi32>
      %gather3A_1191 = tpu.vector_load_idx %arg10[%add3A_1190] : memref<24576xf32, #tpu.memory_space<vmem>>[vector<16xi32>], vector<16xf32>,
      %add3A_1192 = arith.addf %add3A_1172, %gather3A_1191 : vector<16xf32>
      %mul3A_1193 = arith.constant 4 : i32
      %mul3A_1194 = vector.broadcast %mul3A_1193 : i32 to vector<16xi32>
      %mul3A_1195 = arith.muli %add3A_928, %mul3A_1194 : vector<16xi32>
      %add3A_1196 = arith.constant 0 : i32
      %add3A_1197 = vector.broadcast %add3A_1196 : i32 to vector<16xi32>
      %add3A_1198 = arith.addi %mul3A_1195, %add3A_1197 : vector<16xi32>
      %gather3A_1199 = tpu.vector_load_idx %arg14[%add3A_1198] : memref<2048xi32, #tpu.memory_space<vmem>>[vector<16xi32>], vector<16xi32>,
      %mul3A_1200 = arith.constant 24 : i32
      %mul3A_1201 = vector.broadcast %mul3A_1200 : i32 to vector<16xi32>
      %mul3A_1202 = arith.muli %gather3A_1199, %mul3A_1201 : vector<16xi32>
      %add3A_1203 = arith.constant 16 : i32
      %add3A_1204 = vector.broadcast %add3A_1203 : i32 to vector<16xi32>
      %add3A_1205 = arith.addi %mul3A_1202, %add3A_1204 : vector<16xi32>
      %gather3A_1206 = tpu.vector_load_idx %arg10[%add3A_1205] : memref<24576xf32, #tpu.memory_space<vmem>>[vector<16xi32>], vector<16xf32>,
      %add3A_1207 = arith.addf %add3A_1187, %gather3A_1206 : vector<16xf32>
      %add3A_1208 = arith.constant 1 : i32
      %add3A_1209 = vector.broadcast %add3A_1208 : i32 to vector<16xi32>
      %add3A_1210 = arith.addi %add3A_1205, %add3A_1209 : vector<16xi32>
      %gather3A_1211 = tpu.vector_load_idx %arg10[%add3A_1210] : memref<24576xf32, #tpu.memory_space<vmem>>[vector<16xi32>], vector<16xf32>,
      %add3A_1212 = arith.addf %add3A_1192, %gather3A_1211 : vector<16xf32>
      %mul3A_1213 = arith.constant 4 : i32
      %mul3A_1214 = vector.broadcast %mul3A_1213 : i32 to vector<16xi32>
      %mul3A_1215 = arith.muli %add3A_928, %mul3A_1214 : vector<16xi32>
      %add3A_1216 = arith.constant 1 : i32
      %add3A_1217 = vector.broadcast %add3A_1216 : i32 to vector<16xi32>
      %add3A_1218 = arith.addi %mul3A_1215, %add3A_1217 : vector<16xi32>
      %gather3A_1219 = tpu.vector_load_idx %arg14[%add3A_1218] : memref<2048xi32, #tpu.memory_space<vmem>>[vector<16xi32>], vector<16xi32>,
      %mul3A_1220 = arith.constant 24 : i32
      %mul3A_1221 = vector.broadcast %mul3A_1220 : i32 to vector<16xi32>
      %mul3A_1222 = arith.muli %gather3A_1219, %mul3A_1221 : vector<16xi32>
      %add3A_1223 = arith.constant 18 : i32
      %add3A_1224 = vector.broadcast %add3A_1223 : i32 to vector<16xi32>
      %add3A_1225 = arith.addi %mul3A_1222, %add3A_1224 : vector<16xi32>
      %gather3A_1226 = tpu.vector_load_idx %arg10[%add3A_1225] : memref<24576xf32, #tpu.memory_space<vmem>>[vector<16xi32>], vector<16xf32>,
      %add3A_1227 = arith.addf %add3A_1207, %gather3A_1226 : vector<16xf32>
      %add3A_1228 = arith.constant 1 : i32
      %add3A_1229 = vector.broadcast %add3A_1228 : i32 to vector<16xi32>
      %add3A_1230 = arith.addi %add3A_1225, %add3A_1229 : vector<16xi32>
      %gather3A_1231 = tpu.vector_load_idx %arg10[%add3A_1230] : memref<24576xf32, #tpu.memory_space<vmem>>[vector<16xi32>], vector<16xf32>,
      %add3A_1232 = arith.addf %add3A_1212, %gather3A_1231 : vector<16xf32>
      %mul3A_1233 = arith.constant 4 : i32
      %mul3A_1234 = vector.broadcast %mul3A_1233 : i32 to vector<16xi32>
      %mul3A_1235 = arith.muli %add3A_928, %mul3A_1234 : vector<16xi32>
      %add3A_1236 = arith.constant 2 : i32
      %add3A_1237 = vector.broadcast %add3A_1236 : i32 to vector<16xi32>
      %add3A_1238 = arith.addi %mul3A_1235, %add3A_1237 : vector<16xi32>
      %gather3A_1239 = tpu.vector_load_idx %arg14[%add3A_1238] : memref<2048xi32, #tpu.memory_space<vmem>>[vector<16xi32>], vector<16xi32>,
      %mul3A_1240 = arith.constant 24 : i32
      %mul3A_1241 = vector.broadcast %mul3A_1240 : i32 to vector<16xi32>
      %mul3A_1242 = arith.muli %gather3A_1239, %mul3A_1241 : vector<16xi32>
      %add3A_1243 = arith.constant 20 : i32
      %add3A_1244 = vector.broadcast %add3A_1243 : i32 to vector<16xi32>
      %add3A_1245 = arith.addi %mul3A_1242, %add3A_1244 : vector<16xi32>
      %gather3A_1246 = tpu.vector_load_idx %arg10[%add3A_1245] : memref<24576xf32, #tpu.memory_space<vmem>>[vector<16xi32>], vector<16xf32>,
      %add3A_1247 = arith.addf %add3A_1227, %gather3A_1246 : vector<16xf32>
      %add3A_1248 = arith.constant 1 : i32
      %add3A_1249 = vector.broadcast %add3A_1248 : i32 to vector<16xi32>
      %add3A_1250 = arith.addi %add3A_1245, %add3A_1249 : vector<16xi32>
      %gather3A_1251 = tpu.vector_load_idx %arg10[%add3A_1250] : memref<24576xf32, #tpu.memory_space<vmem>>[vector<16xi32>], vector<16xf32>,
      %add3A_1252 = arith.addf %add3A_1232, %gather3A_1251 : vector<16xf32>
      %mul3A_1253 = arith.constant 4 : i32
      %mul3A_1254 = vector.broadcast %mul3A_1253 : i32 to vector<16xi32>
      %mul3A_1255 = arith.muli %add3A_928, %mul3A_1254 : vector<16xi32>
      %add3A_1256 = arith.constant 3 : i32
      %add3A_1257 = vector.broadcast %add3A_1256 : i32 to vector<16xi32>
      %add3A_1258 = arith.addi %mul3A_1255, %add3A_1257 : vector<16xi32>
      %gather3A_1259 = tpu.vector_load_idx %arg14[%add3A_1258] : memref<2048xi32, #tpu.memory_space<vmem>>[vector<16xi32>], vector<16xi32>,
      %mul3A_1260 = arith.constant 24 : i32
      %mul3A_1261 = vector.broadcast %mul3A_1260 : i32 to vector<16xi32>
      %mul3A_1262 = arith.muli %gather3A_1259, %mul3A_1261 : vector<16xi32>
      %add3A_1263 = arith.constant 22 : i32
      %add3A_1264 = vector.broadcast %add3A_1263 : i32 to vector<16xi32>
      %add3A_1265 = arith.addi %mul3A_1262, %add3A_1264 : vector<16xi32>
      %gather3A_1266 = tpu.vector_load_idx %arg10[%add3A_1265] : memref<24576xf32, #tpu.memory_space<vmem>>[vector<16xi32>], vector<16xf32>,
      %add3A_1267 = arith.addf %add3A_1247, %gather3A_1266 : vector<16xf32>
      %add3A_1268 = arith.constant 1 : i32
      %add3A_1269 = vector.broadcast %add3A_1268 : i32 to vector<16xi32>
      %add3A_1270 = arith.addi %add3A_1265, %add3A_1269 : vector<16xi32>
      %gather3A_1271 = tpu.vector_load_idx %arg10[%add3A_1270] : memref<24576xf32, #tpu.memory_space<vmem>>[vector<16xi32>], vector<16xf32>,
      %add3A_1272 = arith.addf %add3A_1252, %gather3A_1271 : vector<16xf32>
      tpu.vector_store_idx %arg17[%mul3A_931], %add3A_1267 : memref<1024xf32, #tpu.memory_space<vmem>>[vector<16xi32>], vector<16xf32>,
      %add3A_1273 = arith.constant 1 : i32
      %add3A_1274 = vector.broadcast %add3A_1273 : i32 to vector<16xi32>
      %add3A_1275 = arith.addi %mul3A_931, %add3A_1274 : vector<16xi32>
      tpu.vector_store_idx %arg17[%add3A_1275], %add3A_1272 : memref<1024xf32, #tpu.memory_space<vmem>>[vector<16xi32>], vector<16xf32>,
      %max3A = arith.maximumf %add3A_1267, %add3A_1272 : vector<16xf32>
      %sub3A = arith.subf %add3A_1267, %max3A : vector<16xf32>
      %exp3A = math.exp %sub3A : vector<16xf32>
      %sub3A_1276 = arith.subf %add3A_1272, %max3A : vector<16xf32>
      %exp3A_1277 = math.exp %sub3A_1276 : vector<16xf32>
      %add3A_1278 = arith.addf %exp3A, %exp3A_1277 : vector<16xf32>
      %div3A = arith.constant 1.000000e+00 : f32
      %div3A_1279 = vector.broadcast %div3A : f32 to vector<16xf32>
      %div3A_1280 = arith.divf %div3A_1279, %add3A_1278 : vector<16xf32>
      %mul3A_1281 = arith.mulf %exp3A, %div3A_1280 : vector<16xf32>
      tpu.vector_store_idx %arg18[%mul3A_931], %mul3A_1281 : memref<1024xf32, #tpu.memory_space<vmem>>[vector<16xi32>], vector<16xf32>,
      %add3A_1282 = arith.constant 1 : i32
      %add3A_1283 = vector.broadcast %add3A_1282 : i32 to vector<16xi32>
      %add3A_1284 = arith.addi %mul3A_931, %add3A_1283 : vector<16xi32>
      %mul3A_1285 = arith.mulf %exp3A_1277, %div3A_1280 : vector<16xf32>
      tpu.vector_store_idx %arg18[%add3A_1284], %mul3A_1285 : memref<1024xf32, #tpu.memory_space<vmem>>[vector<16xi32>], vector<16xf32>,
      %gt3A = arith.cmpf ogt, %add3A_1272, %add3A_1267 : vector<16xf32>
      %jit3A = arith.constant 1 : i32
      %jit3A_1286 = arith.constant 0 : i32
      %broadcast_in_dim3A_1287 = vector.broadcast %jit3A : i32 to vector<16xi32>
      %broadcast_in_dim3A_1288 = vector.broadcast %jit3A_1286 : i32 to vector<16xi32>
      %select_n3A = arith.select %gt3A, %broadcast_in_dim3A_1287, %broadcast_in_dim3A_1288 : vector<16xi1>, vector<16xi32>
      tpu.vector_store_idx %arg19[%add3A_928], %select_n3A : memref<512xi32, #tpu.memory_space<vmem>>[vector<16xi32>], vector<16xi32>,
    }
    %scan3A_919 = arith.constant 32 : i32
    %mul3A_920 = arith.constant 2 : i32
    %mul3A_921 = arith.muli %mul3A_2, %mul3A_920 : i32
    "tpu.region"() ({
      %run_scoped3A = tpu.sem_alloc : memref<!tpu.dma_semaphore, #tpu.memory_space<semaphore_mem>>
      %dma_start3A = tpu.memref_slice %arg7[%mul3A_921] : memref<32768xf32, #tpu.memory_space<hbm>> -> memref<1024xf32, #tpu.memory_space<hbm>>
      %dma_start3A_924 = tpu.memref_slice %arg7[%mul3A_921] : memref<32768xf32, #tpu.memory_space<hbm>> -> memref<1024xf32, #tpu.memory_space<hbm>>
      tpu.enqueue_dma source(%arg17 : memref<1024xf32, #tpu.memory_space<vmem>>) target(%dma_start3A_924 : memref<1024xf32, #tpu.memory_space<hbm>>) target_semaphore(%run_scoped3A : memref<!tpu.dma_semaphore, #tpu.memory_space<semaphore_mem>>)
      %dma_wait3A = tpu.memref_slice %arg7[%mul3A_921] : memref<32768xf32, #tpu.memory_space<hbm>> -> memref<1024xf32, #tpu.memory_space<hbm>>
      %dma_wait3A_925 = tpu.memref_slice %arg7[%mul3A_921] : memref<32768xf32, #tpu.memory_space<hbm>> -> memref<1024xf32, #tpu.memory_space<hbm>>
      tpu.wait_dma2 semaphore(%run_scoped3A : memref<!tpu.dma_semaphore, #tpu.memory_space<semaphore_mem>>) src(%arg17 : memref<1024xf32, #tpu.memory_space<vmem>>) dst(%dma_wait3A_925 : memref<1024xf32, #tpu.memory_space<hbm>>)
      tpu.yield
    }) : () -> ()
    %mul3A_922 = arith.constant 2 : i32
    %mul3A_923 = arith.muli %mul3A_2, %mul3A_922 : i32
    "tpu.region"() ({
      %run_scoped3A = tpu.sem_alloc : memref<!tpu.dma_semaphore, #tpu.memory_space<semaphore_mem>>
      %dma_start3A = tpu.memref_slice %arg8[%mul3A_923] : memref<32768xf32, #tpu.memory_space<hbm>> -> memref<1024xf32, #tpu.memory_space<hbm>>
      %dma_start3A_924 = tpu.memref_slice %arg8[%mul3A_923] : memref<32768xf32, #tpu.memory_space<hbm>> -> memref<1024xf32, #tpu.memory_space<hbm>>
      tpu.enqueue_dma source(%arg18 : memref<1024xf32, #tpu.memory_space<vmem>>) target(%dma_start3A_924 : memref<1024xf32, #tpu.memory_space<hbm>>) target_semaphore(%run_scoped3A : memref<!tpu.dma_semaphore, #tpu.memory_space<semaphore_mem>>)
      %dma_wait3A = tpu.memref_slice %arg8[%mul3A_923] : memref<32768xf32, #tpu.memory_space<hbm>> -> memref<1024xf32, #tpu.memory_space<hbm>>
      %dma_wait3A_925 = tpu.memref_slice %arg8[%mul3A_923] : memref<32768xf32, #tpu.memory_space<hbm>> -> memref<1024xf32, #tpu.memory_space<hbm>>
      tpu.wait_dma2 semaphore(%run_scoped3A : memref<!tpu.dma_semaphore, #tpu.memory_space<semaphore_mem>>) src(%arg18 : memref<1024xf32, #tpu.memory_space<vmem>>) dst(%dma_wait3A_925 : memref<1024xf32, #tpu.memory_space<hbm>>)
      tpu.yield
    }) : () -> ()
    "tpu.region"() ({
      %run_scoped3A = tpu.sem_alloc : memref<!tpu.dma_semaphore, #tpu.memory_space<semaphore_mem>>
      %dma_start3A = tpu.memref_slice %arg9[%mul3A_2] : memref<16384xi32, #tpu.memory_space<hbm>> -> memref<512xi32, #tpu.memory_space<hbm>>
      %dma_start3A_924 = tpu.memref_slice %arg9[%mul3A_2] : memref<16384xi32, #tpu.memory_space<hbm>> -> memref<512xi32, #tpu.memory_space<hbm>>
      tpu.enqueue_dma source(%arg19 : memref<512xi32, #tpu.memory_space<vmem>>) target(%dma_start3A_924 : memref<512xi32, #tpu.memory_space<hbm>>) target_semaphore(%run_scoped3A : memref<!tpu.dma_semaphore, #tpu.memory_space<semaphore_mem>>)
      %dma_wait3A = tpu.memref_slice %arg9[%mul3A_2] : memref<16384xi32, #tpu.memory_space<hbm>> -> memref<512xi32, #tpu.memory_space<hbm>>
      %dma_wait3A_925 = tpu.memref_slice %arg9[%mul3A_2] : memref<16384xi32, #tpu.memory_space<hbm>> -> memref<512xi32, #tpu.memory_space<hbm>>
      tpu.wait_dma2 semaphore(%run_scoped3A : memref<!tpu.dma_semaphore, #tpu.memory_space<semaphore_mem>>) src(%arg19 : memref<512xi32, #tpu.memory_space<vmem>>) dst(%dma_wait3A_925 : memref<512xi32, #tpu.memory_space<hbm>>)
      tpu.yield
    }) : () -> ()
    return
  }
}

</mosaic_0001>

<sc_bundles>
// kernel: kernel.3.cloned.1.call-start
scs
__scs_entry_jumppad:
0x0: {  	(pc) =	sbr.rel $0x88, $3  }
0x1: {  	(tag) =	ssettag $0x0;
	lr =	simm.s32 $0x1  }
0x2: {  	[smem:$0x3F9B] =	sst lr;
	_ =	strace $0xD0000000  }
0x3: {  	_ = 	snop  }
0x4: {  	_ = 	snop  }
0x5: {  	_ = 	snop  }
0x6: {  	_ = 	snop  }
0x7: {  	_ = 	snop  }
__scs_overlays_trampoline_lowered:
0x8: {  	[smem:$0x3FAA] =	sst s0  }
0x9: {  	[smem:$0x3FAB] =	sst s1  }
0xa: {  	[smem:$0x3FAC] =	sst s2  }
0xb: {  	[smem:$0x3FAD] =	sst s3  }
0xc: {  	[smem:$0x3FAE] =	sst s4  }
0xd: {  	[smem:$0x3FAF] =	sst s5  }
0xe: {  	[smem:$0x3FB0] =	sst s6  }
0xf: {  	[smem:$0x3FB1] =	sst s7  }
0x10: {  	[smem:$0x3FB2] =	sst s8  }
0x11: {  	[smem:$0x3FB3] =	sst s9;
	s0 =	simm.s32 @!p0 $0x0  }
0x12: {  	s1 =	sld [smem:$0x3F99];
	s0 =	simm.s32 @p0 $0x1  }
0x13: {  	[smem:$0x3FB4] =	sst s0;
	s0 =	simm.s32 @!p1 $0x0  }
0x14: {  	s2 =	sld [smem:$0x3F98];
	s0 =	simm.s32 @p1 $0x1  }
0x15: {  	[smem:$0x3FB5] =	sst s0;
	s0 =	simm.s32 @!p2 $0x0  }
0x16: {  	s3 =	sld [smem:$0x3FDB];
	s0 =	simm.s32 @p2 $0x1  }
0x17: {  	s4 =	simm.s32 $0x1BF5;
	[smem:$0x3FB7] =	sst s0  }
0x18: {  	s0 =	sld [smem:$0x3F9A];
	_ =	swait.ge [sflag:s4], $0x0  }
0x19: {  	s7 =	sld [smem:$0x3F9B]  }
0x1a: {  	s8 =	sadd.s32 $0xFFFFE003, lr  }
0x1b: {  	s9 =	sadd.s32 $0xFFFFFEF7, lr;
	s5 =	simm.s32 $0xFFFFFFFF;
	p2 =	slt.u32 s8, $0xFFFFF086  }
0x1c: {  	p1 =	slt.u32 s9, $0xF7A;
	s5 =	simm.s32 @!p2 $0x0  }
0x1d: {  	s5 =	simm.s32 @p1 $0x1;
	p0 =	seq.s32 s7, s2  }
0x1e: {  	s7 =	smul.u32 @!p0 $0xF7A, s2;
	p2 =	seq.s32 @!p0 s5, $0x0  }
0x1f: {  	s9 =	smul.u32 $0xF7A, s1;
	s8 =	simm.s32 @!p0 $0x1BF5;
	p2 =	por !p2, p0  }
0x20: {  	[sflag:s8] =	ssyncset.s32 @!p0 $0xFFFFF086;
	s6 =	sadd.s32 @!p0 s3, s7;
	s7 =	simm.s32 @!p0 $0x108  }
0x21: {  	s3 =	sadd.s32 s3, s9;
	s6 =	sadd.s32 @!p0 $0x88, s6;
	s7 =	simm.s32 @p2 $0x1082  }
0x22: {  	[simem:s7], [sflag:s8] =	dma.local @!p0 [hbm:s6], $0xF7A  }
0x23: {  	s9 =	sor.u32 $0xD0000000, s2;
	s6 =	simm.s32 $0x108;
	_ =	swait.ge @!p0 [sflag:s8], $0x0  }
0x24: {  	s3 =	sadd.s32 $0x88, s3;
	s6 =	simm.s32 @!p1 $0x1082;
	[sflag:s4] =	ssyncset.s32 $0xFFFFF086  }
0x25: {  	[simem:s6], [sflag:s4] =	dma.local [hbm:s3], $0xF7A  }
0x26: {  	[smem:$0x3F9B] =	sst s1;
	(tag) =	ssettag s2;
	_ =	strace s9  }
0x27: {  	s1 =	sld [smem:$0x3FAB]  }
0x28: {  	s2 =	sld [smem:$0x3FAC]  }
0x29: {  	s4 =	sld [smem:$0x3FAE]  }
0x2a: {  	p0 =	seq.s32 s5, $0x0;
	s5 =	sld [smem:$0x3FAF]  }
0x2b: {  	s6 =	sld [smem:$0x3FB0]  }
0x2c: {  	s7 =	sld [smem:$0x3FB1]  }
0x2d: {  	s3 =	simm.s32 $0x108;
	s8 =	sld [smem:$0x3FB2]  }
0x2e: {  	s3 =	simm.s32 @!p0 $0x1082;
	s9 =	sld [smem:$0x3FB3]  }
0x2f: {  	lr =	sadd.s32 s0, s3;
	s0 =	sld [smem:$0x3FAA]  }
0x30: {  	s3 =	sld [smem:$0x3FAD]  }
0x31: {  	[smem:$0x3FB6] =	sst s10  }
0x32: {  	s10 =	sld [smem:$0x3FB4];
	_ =	sdelay $0x3  }
0x33: {  	p0 =	seq.s32 s10, $0x1;
	s10 =	sld [smem:$0x3FB6];
	_ =	sdelay $0x3  }
0x34: {  	[smem:$0x3FB6] =	sst s10  }
0x35: {  	s10 =	sld [smem:$0x3FB5];
	_ =	sdelay $0x3  }
0x36: {  	p1 =	seq.s32 s10, $0x1;
	s10 =	sld [smem:$0x3FB6];
	_ =	sdelay $0x3  }
0x37: {  	[smem:$0x3FB6] =	sst s10  }
0x38: {  	s10 =	sld [smem:$0x3FB7]  }
0x39: {  	_ = 	snop;
	(pc) =	sbr.ind lr, $3  }
0x3a: {  	_ = 	snop  }
0x3b: {  	_ = 	snop  }
0x3c: {  	p2 =	seq.s32 s10, $0x1;
	s10 =	sld [smem:$0x3FB6]  }
0x3d: {  	_ =	shalt  }
0x3e: {  	_ =	shalt  }
0x3f: {  	_ =	shalt  }
0x40: {  	_ =	shalt  }
0x41: {  	_ =	shalt  }
0x42: {  	_ =	shalt  }
0x43: {  	_ =	shalt  }
0x44: {  	_ =	shalt  }
0x45: {  	_ =	shalt  }
0x46: {  	_ =	shalt  }
0x47: {  	_ =	shalt  }
0x48: {  	_ =	shalt  }
0x49: {  	_ =	shalt  }
0x4a: {  	_ =	shalt  }
0x4b: {  	_ =	shalt  }
0x4c: {  	_ =	shalt  }
0x4d: {  	_ =	shalt  }
0x4e: {  	_ =	shalt  }
0x4f: {  	_ =	shalt  }
0x50: {  	_ =	shalt  }
0x51: {  	_ =	shalt  }
0x52: {  	_ =	shalt  }
0x53: {  	_ =	shalt  }
0x54: {  	_ =	shalt  }
0x55: {  	_ =	shalt  }
0x56: {  	_ =	shalt  }
0x57: {  	_ =	shalt  }
0x58: {  	_ =	shalt  }
0x59: {  	_ =	shalt  }
0x5a: {  	_ =	shalt  }
0x5b: {  	_ =	shalt  }
0x5c: {  	_ =	shalt  }
0x5d: {  	_ =	shalt  }
0x5e: {  	_ =	shalt  }
0x5f: {  	_ =	shalt  }
0x60: {  	_ =	shalt  }
0x61: {  	_ =	shalt  }
0x62: {  	_ =	shalt  }
0x63: {  	_ =	shalt  }
0x64: {  	_ =	shalt  }
0x65: {  	_ =	shalt  }
0x66: {  	_ =	shalt  }
0x67: {  	_ =	shalt  }
0x68: {  	_ =	shalt  }
0x69: {  	_ =	shalt  }
0x6a: {  	_ =	shalt  }
0x6b: {  	_ =	shalt  }
0x6c: {  	_ =	shalt  }
0x6d: {  	_ =	shalt  }
0x6e: {  	_ =	shalt  }
0x6f: {  	_ =	shalt  }
0x70: {  	_ =	shalt  }
0x71: {  	_ =	shalt  }
0x72: {  	_ =	shalt  }
0x73: {  	_ =	shalt  }
0x74: {  	_ =	shalt  }
0x75: {  	_ =	shalt  }
0x76: {  	_ =	shalt  }
0x77: {  	_ =	shalt  }
0x78: {  	_ =	shalt  }
0x79: {  	_ =	shalt  }
0x7a: {  	_ =	shalt  }
0x7b: {  	_ =	shalt  }
0x7c: {  	_ =	shalt  }
0x7d: {  	_ =	shalt  }
0x7e: {  	_ =	shalt  }
0x7f: {  	_ =	shalt  }
0x80: {  	_ =	shalt  }
0x81: {  	_ =	shalt  }
0x82: {  	_ =	shalt  }
0x83: {  	_ =	shalt  }
0x84: {  	_ =	shalt  }
0x85: {  	_ =	shalt  }
0x86: {  	_ =	shalt  }
0x87: {  	_ =	shalt  }
.Lfunc_end0:
.L_simem_size_0:
called_computation_lowered:
.L_overlay_start_0:
0x88: {  	s2 =	sld [smem:$0x3FD9]  }
0x89: {  	s3 =	sld [smem:$0x3FFE];
	_ =	sdelay $0x1  }
0x8a: {  	s1 =	srdreg.scid  }
0x8b: {  	s0 =	sand.u32 $0x1, s1  }
0x8c: {  	s14 =	sshll.u32 s0, $0xA;
	s2 =	sadd.s32 s3, s2  }
0x8d: {  	s2 =	sadd.s32 s2, s14  }
0x8e: {  	[smem:$0x3FC2] =	sst s2  }
0x8f: {  	_ = 	snop  }
0x90: {  	s2 =	sld [smem:$0x3FD0];
	_ =	sdelay $0x2  }
0x91: {  	s15 =	simm.s32 $0xA;
	s4 =	simm.s32 $0x10  }
0x92: {  	[smem:s4], [sflag:s15] =	dma.local [hbm:s2], $0x1  }
0x93: {  	_ =	swait.eq [sflag:s15], $0x1  }
0x94: {  	s16 =	sld [smem:$0x10];
	[sflag:s15] =	ssyncset.done $0x0  }
0x95: {  	s17 =	sld [smem:$0x11];
	[sflag:s15] =	ssyncadd.s32 $0xFFFFFFFF  }
0x96: {  	s18 =	sld [smem:$0x12];
	(tm) =	ssettm $0x1  }
0x97: {  	s5 =	sld [smem:$0x3FFB];
	_ =	sdelay $0x3  }
0x98: {  	_ =	strace s5  }
0x99: {  	s5 =	sld [smem:$0x3FFC];
	_ =	sdelay $0x3  }
0x9a: {  	_ =	strace s5  }
0x9b: {  	s5 =	sld [smem:$0x3FFD];
	_ =	sdelay $0x3  }
0x9c: {  	_ =	strace s5  }
0x9d: {  	_ =	strace $0x8FFFFFFF  }
0x9e: {  	s19 =	sld [smem:$0x3FDB];
	_ =	sdelay $0x1  }
0x9f: {  	s6 =	simm.s32 $_scs_section_size  }
0xa0: {  	s7 =	simm.s32 $_size__tile_overlayer_lowered;
	s8 =	simm.s32 $_tile_overlayer_lowered  }
0xa1: {  	s22 =	simm.s32 $0x1BFF;
	s21 =	sshll.u32 s8, $0x1;
	s5 =	sadd.s32 s6, s19  }
0xa2: {  	s9 =	simm.s32 $0x0;
	s20 =	sshll.u32 s7, $0x1;
	s7 =	sadd.s32 s21, s5  }
0xa3: {  	[timem:s9], [sflag:s22] =	dma.local [hbm:s7], s20  }
0xa4: {  	_ =	swait.ge [sflag:s22], s20  }
0xa5: {  	s6 =	ssub.s32 $0x0, s20;
	[sflag:s22] =	ssyncset.done $0x0  }
0xa6: {  	[sflag:s22] =	ssyncadd.s32 s6;
	_ =	sdelay $0x1  }
0xa7: {  	s23 =	simm.s32 $0x1B8B  }
0xa8: {  	_ =	swait.ge [sflag:s23], $0x1  }
0xa9: {  	[sflag:s23] =	ssyncset.done $0x0  }
0xaa: {  	s25 =	simm.s32 $0x1B8E;
	s24 =	sld [smem:$0x3FFE];
	[sflag:s23] =	ssyncadd.s32 $0xFFFFFFFF  }
0xab: {  	s26 =	simm.s32 $execute0_lowered;
	[smem:$0x3FD2] =	sst s25  }
0xac: {  	s7 =	sshll.u32 s26, $0x1;
	_ =	strace $0x80000046;
	[dreg:$0x1] =	wrdreg $0xFFFFFFFF  }
0xad: {  	s28 =	simm.s32 $_size_execute0_lowered;
	s5 =	sadd.s32 s5, s7;
	[dreg:$0x0] =	wrdreg $0x0  }
0xae: {  	s7 =	sshll.u32 s28, $0x1;
	[dreg:$0x2] =	wrdreg s5  }
0xaf: {  	[dreg:$0x3] =	wrdreg s7  }
0xb0: {  	[dreg:$0x4] =	wrdreg $0xC0  }
0xb1: {  	_ =	task [dreg:s9], $0x5FFFF  }
0xb2: {  	[dreg:$0x1] =	wrdreg $0xFFFFFFFF  }
0xb3: {  	[dreg:$0x0] =	wrdreg $0x60  }
0xb4: {  	[dreg:$0x2] =	wrdreg s16  }
0xb5: {  	[dreg:$0x3] =	wrdreg s24  }
0xb6: {  	[dreg:$0x4] =	wrdreg s18  }
0xb7: {  	[dreg:$0x5] =	wrdreg s17  }
0xb8: {  	[dreg:$0x6] =	wrdreg $0x93000  }
0xb9: {  	[dreg:$0x7] =	wrdreg $0x9  }
0xba: {  	_ =	task.clear_ibuf [dreg:s9], $0x8FFFF;
	_ =	strace $0x90000046  }
0xbb: {  	s29 =	simm.s32 $0x9;
	_ =	strace $0x80000048  }
0xbc: {  	_ =	swait.ge [sflag:s29], $0x1  }
0xbd: {  	[sflag:s29] =	ssyncadd.s32 $0xFFFFFFFF  }
0xbe: {  	_ =	strace $0x90000048  }
0xbf: {  	_ =	sfence  }
0xc0: {  	s30 =	sld [smem:$0x0];
	_ =	sdelay $0x2  }
0xc1: {  	s31 =	sshll.u32 s1, $0xD;
	s1 =	sshrl.u32 s1, $0x2  }
0xc2: {  	s3 =	sand.u32 $0x4000, s31;
	s1 =	sadd.s32 s1, s30  }
0xc3: {  	s0 =	sor.u32 s3, s0;
	s1 =	sshll.u32 s1, $0x11  }
0xc4: {  	s0 =	sor.u32 s1, s0  }
0xc5: {  	s0 =	sadd.s32 $0x8F2B, s0  }
0xc6: {  	[sflag:s0] =	ssyncadd.remote.s32 $0x1  }
0xc7: {  	_ =	sfence.sel $0xFFFF  }
0xc8: {  	[dreg:$0x0] =	wrdreg $0xFFFFFFFF;
	(pc) =	sbr.abs _section_cstart, $3  }
0xc9: {  	[dreg:$0x1] =	wrdreg $0xFFFFFFFF  }
0xca: {  	_ =	task.clear_ibuf [dreg:s9], $0x2FFFF;
	_ =	strace $0x9FFFFFFF  }
0xcb: {  	(tm) =	ssettm $0x7FFFFFFF  }
tec
execute0_lowered:
.L_overlay_start_1:
0x0: {  	(tag) =	ssettag $0x1  }
0x1: {  	s5 =	rddreg [dreg:$0x0]  }
0x2: {  	s6 =	rddreg [dreg:$0x1]  }
0x3: {  	s10 =	rddreg [dreg:$0x2]  }
0x4: {  	s12 =	rddreg [dreg:$0x3]  }
0x5: {  	s1 =	srdreg.scid;
	s0 =	stileid.u32  }
0x6: {  	s2 =	rddreg [dreg:$0x4];
	s3 =	simm.s32 $0x0;
	s18 =	simm.s32 $0x8000  }
0x7: {  	s19 =	simm.s32 $0x8800;
	s20 =	simm.s32 $0x6200;
	s21 =	simm.s32 $0x8900  }
0x8: {  	s22 =	simm.s32 $0x8D00;
	s23 =	simm.s32 $0x9100;
	s24 =	simm.s32 $0x0  }
0x9: {  	s7 =	sand.u32 $0x1, s1;
	s4 =	sshll.u32 s0, $0x1;
	s1 =	rddreg [dreg:$0x5]  }
0xa: {  	[smem:$0x7FF] =	sst s3;
	s15 =	sshll.u32 s0, $0x6;
	s16 =	smul.u32 $0x1800, s0  }
0xb: {  	s11 =	sor.u32 s7, s4;
	_ =	strace $0x80000047;
	s7 =	ssub.s32 $0x2, s7  }
0xc: {  	s5 =	sadd.s32 s5, s15;
	s15 =	simm.s32 $0x1;
	s4 =	sshll.u32 s11, $0x9  }
0xd: {  	s8 =	sshll.u32 s11, $0x8;
	s13 =	sshll.u32 s11, $0x7;
	s14 =	sshrl.u32 s7, $0x1  }
0xe: {  	s30 =	sshrl.u32 s16, $0x2;
	s31 =	sshll.u32 s11, $0x6;
	s16 =	simm.s32 $0x6800  }
0xf: {  	s9 =	sadd.s32 s4, s6;
	s8 =	sadd.s32 s8, s6;
	s4 =	sadd.s32 $0x9400, s6  }
0x10: {  	s17 =	sadd.s32 s13, s6;
	s14 =	ssub.s32 s7, s14;
	s10 =	sadd.s32 s10, s13  }
0x11: {  	s12 =	sadd.s32 s12, s31;
	s6 =	sadd.s32 $0x1400, s9;
	s7 =	sadd.s32 $0x5400, s8  }
0x12: {  	s8 =	sadd.s32 $0x7400, s8;
	s9 =	sadd.s32 s30, s2;
	s11 =	sadd.s32 $0x9600, s17  }
0x13: {  	v0 =	vlaneseq.u32;
	v1 =	vimm.s32 $0x0;
	s13 =	smax.u32 s14, $0x1;
	s14 =	simm.s32 $0x6000;
	s17 =	simm.s32 $0x7800  }
.LBB2_1:
0x14: {  	[tilespmem:s14], [sflag:$0x1] =	stream.linear.gather [hbm4b:s5+s3], $0x200, $0x38;
	[tilespmem:$0x9900] =	vst v63  }
0x15: {  	_ =	swait.ge [sflag:s15], $0x200  }
0x16: {  	[sflag:s15] =	ssyncset.done $0x0  }
0x17: {  	[sflag:s15] =	ssyncadd.s32 $0xFFFFFE00  }
0x18: {  	[tilespmem:s16], [sflag:$0x1] =	stream.linear.gather [hbm4b:s6+s3], $0x1000, $0x38;
	[tilespmem:$0x9900] =	vst v63  }
0x19: {  	_ =	swait.ge [sflag:s15], $0x1000  }
0x1a: {  	[sflag:s15] =	ssyncset.done $0x0  }
0x1b: {  	[sflag:s15] =	ssyncadd.s32 $0xFFFFF000  }
0x1c: {  	[tilespmem:s17], [sflag:$0x1] =	stream.linear.gather [hbm4b:s7+s3], $0x800, $0x38;
	[tilespmem:$0x9900] =	vst v63  }
0x1d: {  	_ =	swait.ge [sflag:s15], $0x800  }
0x1e: {  	[sflag:s15] =	ssyncset.done $0x0  }
0x1f: {  	[sflag:s15] =	ssyncadd.s32 $0xFFFFF800  }
0x20: {  	[tilespmem:s18], [sflag:$0x1] =	stream.linear.gather [hbm4b:s8+s3], $0x800, $0x38;
	[tilespmem:$0x9900] =	vst v63  }
0x21: {  	_ =	swait.ge [sflag:s15], $0x800  }
0x22: {  	[sflag:s15] =	ssyncset.done $0x0  }
0x23: {  	[sflag:s15] =	ssyncadd.s32 $0xFFFFF800  }
0x24: {  	[tilespmem:s19], [sflag:$0x1] =	stream.linear.gather [hbm4b:s4+s3], $0x100, $0x38;
	[tilespmem:$0x9900] =	vst v63  }
0x25: {  	_ =	swait.ge [sflag:s15], $0x100  }
0x26: {  	[sflag:s15] =	ssyncset.done $0x0  }
0x27: {  	[sflag:s15] =	ssyncadd.s32 $0xFFFFFF00  }
0x28: {  	v2 =	vld [tilespmem:$0x8800];
	_ =	sdelay $0x4  }
0x29: {  	v3 =	vshrl.u32 v2, $0x10  }
0x2a: {  	v3 =	vand.u32 $0x1, v3  }
0x2b: {  	v2 =	vadd.s32 v3, v2  }
0x2c: {  	v2 =	vadd.s32 $0x7FFF, v2  }
0x2d: {  	v2 =	vand.u32 $0xFFFF0000, v2  }
0x2e: {  	v4 =	vbroadcast v2, $0x0;
	_ =	sdelay $0x1  }
0x2f: {  	[tilespmem:$0x1F5E0] =	vst v4;
	v4 =	vbroadcast v2, $0x1  }
0x30: {  	v3 =	vld [tilespmem:$0x8808]  }
0x31: {  	[tilespmem:$0x1F5F0] =	vst v4;
	v4 =	vbroadcast v2, $0x2;
	_ =	sdelay $0x1  }
0x32: {  	[tilespmem:$0x1F600] =	vst v4;
	v4 =	vbroadcast v2, $0x3;
	_ =	sdelay $0x1  }
0x33: {  	[tilespmem:$0x1F610] =	vst v4;
	v4 =	vshrl.u32 v3, $0x10  }
0x34: {  	v4 =	vand.u32 $0x1, v4  }
0x35: {  	v3 =	vadd.s32 v4, v3;
	v4 =	vbroadcast v2, $0x8;
	_ =	sdelay $0x1  }
0x36: {  	[tilespmem:$0x1F660] =	vst v4;
	v4 =	vbroadcast v2, $0x9;
	_ =	sdelay $0x1  }
0x37: {  	[tilespmem:$0x1F670] =	vst v4;
	v4 =	vbroadcast v2, $0xA  }
0x38: {  	v5 =	vbroadcast v2, $0x4  }
0x39: {  	[tilespmem:$0x1F680] =	vst v4;
	v4 =	vbroadcast v2, $0xB  }
0x3a: {  	[tilespmem:$0x1F620] =	vst v5;
	v5 =	vbroadcast v2, $0x5  }
0x3b: {  	[tilespmem:$0x1F690] =	vst v4;
	v4 =	vbroadcast v2, $0xC  }
0x3c: {  	[tilespmem:$0x1F630] =	vst v5  }
0x3d: {  	v5 =	vld [tilespmem:$0x8818];
	[tilespmem:$0x1F6A0] =	vst v4;
	v4 =	vbroadcast v2, $0xD  }
0x3e: {  	v6 =	vbroadcast v2, $0x6  }
0x3f: {  	v3 =	vadd.s32 $0x7FFF, v3;
	[tilespmem:$0x1F6B0] =	vst v4;
	v4 =	vbroadcast v2, $0xE  }
0x40: {  	[tilespmem:$0x1F640] =	vst v6;
	v6 =	vbroadcast v2, $0x7;
	v3 =	vand.u32 $0xFFFF0000, v3;
	v2 =	vbroadcast v2, $0xF  }
0x41: {  	[tilespmem:$0x1F6C0] =	vst v4;
	v4 =	vbroadcast v3, $0x8  }
0x42: {  	[tilespmem:$0x1F6D0] =	vst v2;
	v2 =	vshrl.u32 v5, $0x10  }
0x43: {  	v2 =	vand.u32 $0x1, v2;
	[tilespmem:$0x1F6E0] =	vst v4;
	v4 =	vbroadcast v3, $0x9  }
0x44: {  	v2 =	vadd.s32 v2, v5;
	v5 =	vbroadcast v3, $0xC  }
0x45: {  	[tilespmem:$0x1F6F0] =	vst v4;
	v4 =	vbroadcast v3, $0xA  }
0x46: {  	[tilespmem:$0x1F720] =	vst v5;
	v5 =	vbroadcast v3, $0xD  }
0x47: {  	[tilespmem:$0x1F700] =	vst v4;
	v4 =	vbroadcast v3, $0xB  }
0x48: {  	v2 =	vadd.s32 $0x7FFF, v2;
	[tilespmem:$0x1F730] =	vst v5;
	v5 =	vbroadcast v3, $0xE;
	v3 =	vbroadcast v3, $0xF  }
0x49: {  	v2 =	vand.u32 $0xFFFF0000, v2  }
0x4a: {  	[tilespmem:$0x1F750] =	vst v3;
	v3 =	vbroadcast v2, $0x0;
	_ =	sdelay $0x1  }
0x4b: {  	[tilespmem:$0x1F760] =	vst v3;
	v3 =	vbroadcast v2, $0x1  }
0x4c: {  	[tilespmem:$0x1F710] =	vst v4;
	v4 =	vld [tilespmem:$0x8820]  }
0x4d: {  	[tilespmem:$0x1F770] =	vst v3;
	v3 =	vbroadcast v2, $0x2;
	_ =	sdelay $0x1  }
0x4e: {  	[tilespmem:$0x1F780] =	vst v3;
	v3 =	vbroadcast v2, $0x3;
	_ =	sdelay $0x1  }
0x4f: {  	[tilespmem:$0x1F790] =	vst v3;
	v3 =	vshrl.u32 v4, $0x10  }
0x50: {  	v3 =	vand.u32 $0x1, v3  }
0x51: {  	v3 =	vadd.s32 v3, v4;
	v4 =	vbroadcast v2, $0x8;
	_ =	sdelay $0x1  }
0x52: {  	[tilespmem:$0x1F7E0] =	vst v4;
	v4 =	vbroadcast v2, $0x9;
	_ =	sdelay $0x1  }
0x53: {  	[tilespmem:$0x1F7F0] =	vst v4;
	v4 =	vbroadcast v2, $0xA  }
0x54: {  	[tilespmem:$0x1F740] =	vst v5;
	v5 =	vbroadcast v2, $0x4  }
0x55: {  	[tilespmem:$0x1F800] =	vst v4;
	v4 =	vbroadcast v2, $0xB  }
0x56: {  	[tilespmem:$0x1F7A0] =	vst v5;
	v5 =	vbroadcast v2, $0x5  }
0x57: {  	[tilespmem:$0x1F810] =	vst v4;
	v4 =	vbroadcast v2, $0xC  }
0x58: {  	[tilespmem:$0x1F7B0] =	vst v5  }
0x59: {  	v5 =	vld [tilespmem:$0x8830];
	[tilespmem:$0x1F820] =	vst v4;
	v4 =	vbroadcast v2, $0xD  }
0x5a: {  	[tilespmem:$0x1F650] =	vst v6;
	v6 =	vbroadcast v2, $0x6  }
0x5b: {  	v3 =	vadd.s32 $0x7FFF, v3;
	[tilespmem:$0x1F830] =	vst v4;
	v4 =	vbroadcast v2, $0xE  }
0x5c: {  	[tilespmem:$0x1F7C0] =	vst v6;
	v6 =	vbroadcast v2, $0x7;
	v3 =	vand.u32 $0xFFFF0000, v3;
	v2 =	vbroadcast v2, $0xF  }
0x5d: {  	[tilespmem:$0x1F840] =	vst v4;
	v4 =	vbroadcast v3, $0x8  }
0x5e: {  	[tilespmem:$0x1F850] =	vst v2;
	v2 =	vshrl.u32 v5, $0x10  }
0x5f: {  	v2 =	vand.u32 $0x1, v2;
	[tilespmem:$0x1F860] =	vst v4;
	v4 =	vbroadcast v3, $0x9  }
0x60: {  	v2 =	vadd.s32 v2, v5;
	v5 =	vbroadcast v3, $0xC  }
0x61: {  	[tilespmem:$0x1F870] =	vst v4;
	v4 =	vbroadcast v3, $0xA  }
0x62: {  	[tilespmem:$0x1F8A0] =	vst v5;
	v5 =	vbroadcast v3, $0xD  }
0x63: {  	[tilespmem:$0x1F880] =	vst v4;
	v4 =	vbroadcast v3, $0xB  }
0x64: {  	v2 =	vadd.s32 $0x7FFF, v2;
	[tilespmem:$0x1F8B0] =	vst v5;
	v5 =	vbroadcast v3, $0xE;
	v3 =	vbroadcast v3, $0xF  }
0x65: {  	v2 =	vand.u32 $0xFFFF0000, v2  }
0x66: {  	[tilespmem:$0x1F8D0] =	vst v3;
	v3 =	vbroadcast v2, $0x0;
	_ =	sdelay $0x1  }
0x67: {  	[tilespmem:$0x1F8E0] =	vst v3;
	v3 =	vbroadcast v2, $0x1  }
0x68: {  	[tilespmem:$0x1F890] =	vst v4;
	v4 =	vld [tilespmem:$0x8838]  }
0x69: {  	[tilespmem:$0x1F8F0] =	vst v3;
	v3 =	vbroadcast v2, $0x2;
	_ =	sdelay $0x1  }
0x6a: {  	[tilespmem:$0x1F900] =	vst v3;
	v3 =	vbroadcast v2, $0x3;
	_ =	sdelay $0x1  }
0x6b: {  	[tilespmem:$0x1F910] =	vst v3;
	v3 =	vshrl.u32 v4, $0x10  }
0x6c: {  	v3 =	vand.u32 $0x1, v3  }
0x6d: {  	v3 =	vadd.s32 v3, v4;
	v4 =	vbroadcast v2, $0x8;
	_ =	sdelay $0x1  }
0x6e: {  	[tilespmem:$0x1F960] =	vst v4;
	v4 =	vbroadcast v2, $0x9;
	_ =	sdelay $0x1  }
0x6f: {  	[tilespmem:$0x1F970] =	vst v4;
	v4 =	vbroadcast v2, $0xA  }
0x70: {  	[tilespmem:$0x1F8C0] =	vst v5;
	v5 =	vbroadcast v2, $0x4  }
0x71: {  	[tilespmem:$0x1F980] =	vst v4;
	v4 =	vbroadcast v2, $0xB  }
0x72: {  	[tilespmem:$0x1F920] =	vst v5;
	v5 =	vbroadcast v2, $0x5  }
0x73: {  	[tilespmem:$0x1F990] =	vst v4;
	v4 =	vbroadcast v2, $0xC  }
0x74: {  	[tilespmem:$0x1F930] =	vst v5  }
0x75: {  	v5 =	vld [tilespmem:$0x8848];
	[tilespmem:$0x1F9A0] =	vst v4;
	v4 =	vbroadcast v2, $0xD  }
0x76: {  	[tilespmem:$0x1F7D0] =	vst v6;
	v6 =	vbroadcast v2, $0x6  }
0x77: {  	v3 =	vadd.s32 $0x7FFF, v3;
	[tilespmem:$0x1F9B0] =	vst v4;
	v4 =	vbroadcast v2, $0xE  }
0x78: {  	[tilespmem:$0x1F940] =	vst v6;
	v6 =	vbroadcast v2, $0x7;
	v3 =	vand.u32 $0xFFFF0000, v3;
	v2 =	vbroadcast v2, $0xF  }
0x79: {  	[tilespmem:$0x1F9C0] =	vst v4;
	v4 =	vbroadcast v3, $0x8  }
0x7a: {  	[tilespmem:$0x1F9D0] =	vst v2;
	v2 =	vshrl.u32 v5, $0x10  }
0x7b: {  	v2 =	vand.u32 $0x1, v2;
	[tilespmem:$0x1F9E0] =	vst v4;
	v4 =	vbroadcast v3, $0x9  }
0x7c: {  	v2 =	vadd.s32 v2, v5;
	v5 =	vbroadcast v3, $0xC  }
0x7d: {  	[tilespmem:$0x1F9F0] =	vst v4;
	v4 =	vbroadcast v3, $0xA  }
0x7e: {  	[tilespmem:$0x1FA20] =	vst v5;
	v5 =	vbroadcast v3, $0xD  }
0x7f: {  	[tilespmem:$0x1FA00] =	vst v4;
	v4 =	vbroadcast v3, $0xB  }
0x80: {  	v2 =	vadd.s32 $0x7FFF, v2;
	[tilespmem:$0x1FA30] =	vst v5;
	v5 =	vbroadcast v3, $0xE;
	v3 =	vbroadcast v3, $0xF  }
0x81: {  	v2 =	vand.u32 $0xFFFF0000, v2  }
0x82: {  	[tilespmem:$0x1FA50] =	vst v3;
	v3 =	vbroadcast v2, $0x0;
	_ =	sdelay $0x1  }
0x83: {  	[tilespmem:$0x1FA60] =	vst v3;
	v3 =	vbroadcast v2, $0x1  }
0x84: {  	[tilespmem:$0x1FA10] =	vst v4;
	v4 =	vld [tilespmem:$0x8850]  }
0x85: {  	[tilespmem:$0x1FA70] =	vst v3;
	v3 =	vbroadcast v2, $0x2;
	_ =	sdelay $0x1  }
0x86: {  	[tilespmem:$0x1FA80] =	vst v3;
	v3 =	vbroadcast v2, $0x3;
	_ =	sdelay $0x1  }
0x87: {  	[tilespmem:$0x1FA90] =	vst v3;
	v3 =	vshrl.u32 v4, $0x10  }
0x88: {  	v3 =	vand.u32 $0x1, v3  }
0x89: {  	v3 =	vadd.s32 v3, v4;
	v4 =	vbroadcast v2, $0x8;
	_ =	sdelay $0x1  }
0x8a: {  	[tilespmem:$0x1FAE0] =	vst v4;
	v4 =	vbroadcast v2, $0x9;
	_ =	sdelay $0x1  }
0x8b: {  	[tilespmem:$0x1FAF0] =	vst v4;
	v4 =	vbroadcast v2, $0xA  }
0x8c: {  	[tilespmem:$0x1FA40] =	vst v5;
	v5 =	vbroadcast v2, $0x4  }
0x8d: {  	[tilespmem:$0x1FB00] =	vst v4;
	v4 =	vbroadcast v2, $0xB  }
0x8e: {  	[tilespmem:$0x1FAA0] =	vst v5;
	v5 =	vbroadcast v2, $0x5  }
0x8f: {  	[tilespmem:$0x1FB10] =	vst v4;
	v4 =	vbroadcast v2, $0xC  }
0x90: {  	[tilespmem:$0x1FAB0] =	vst v5  }
0x91: {  	v5 =	vld [tilespmem:$0x8860];
	[tilespmem:$0x1FB20] =	vst v4;
	v4 =	vbroadcast v2, $0xD  }
0x92: {  	[tilespmem:$0x1F950] =	vst v6;
	v6 =	vbroadcast v2, $0x6  }
0x93: {  	v3 =	vadd.s32 $0x7FFF, v3;
	[tilespmem:$0x1FB30] =	vst v4;
	v4 =	vbroadcast v2, $0xE  }
0x94: {  	[tilespmem:$0x1FAC0] =	vst v6;
	v6 =	vbroadcast v2, $0x7;
	v3 =	vand.u32 $0xFFFF0000, v3;
	v2 =	vbroadcast v2, $0xF  }
0x95: {  	[tilespmem:$0x1FB40] =	vst v4;
	v4 =	vbroadcast v3, $0x8  }
0x96: {  	[tilespmem:$0x1FB50] =	vst v2;
	v2 =	vshrl.u32 v5, $0x10  }
0x97: {  	v2 =	vand.u32 $0x1, v2;
	[tilespmem:$0x1FB60] =	vst v4;
	v4 =	vbroadcast v3, $0x9  }
0x98: {  	v2 =	vadd.s32 v2, v5;
	v5 =	vbroadcast v3, $0xC  }
0x99: {  	[tilespmem:$0x1FB70] =	vst v4;
	v4 =	vbroadcast v3, $0xA  }
0x9a: {  	[tilespmem:$0x1FBA0] =	vst v5;
	v5 =	vbroadcast v3, $0xD  }
0x9b: {  	[tilespmem:$0x1FB80] =	vst v4;
	v4 =	vbroadcast v3, $0xB  }
0x9c: {  	v2 =	vadd.s32 $0x7FFF, v2;
	[tilespmem:$0x1FBB0] =	vst v5;
	v5 =	vbroadcast v3, $0xE;
	v3 =	vbroadcast v3, $0xF  }
0x9d: {  	v2 =	vand.u32 $0xFFFF0000, v2  }
0x9e: {  	[tilespmem:$0x1FBD0] =	vst v3;
	v3 =	vbroadcast v2, $0x0;
	_ =	sdelay $0x1  }
0x9f: {  	[tilespmem:$0x1FBE0] =	vst v3;
	v3 =	vbroadcast v2, $0x1  }
0xa0: {  	[tilespmem:$0x1FB90] =	vst v4;
	v4 =	vld [tilespmem:$0x8868]  }
0xa1: {  	[tilespmem:$0x1FBF0] =	vst v3;
	v3 =	vbroadcast v2, $0x2;
	_ =	sdelay $0x1  }
0xa2: {  	[tilespmem:$0x1FC00] =	vst v3;
	v3 =	vbroadcast v2, $0x3;
	_ =	sdelay $0x1  }
0xa3: {  	[tilespmem:$0x1FC10] =	vst v3;
	v3 =	vshrl.u32 v4, $0x10  }
0xa4: {  	v3 =	vand.u32 $0x1, v3  }
0xa5: {  	v3 =	vadd.s32 v3, v4;
	v4 =	vbroadcast v2, $0x8;
	_ =	sdelay $0x1  }
0xa6: {  	[tilespmem:$0x1FC60] =	vst v4;
	v4 =	vbroadcast v2, $0x9;
	_ =	sdelay $0x1  }
0xa7: {  	[tilespmem:$0x1FC70] =	vst v4;
	v4 =	vbroadcast v2, $0xA  }
0xa8: {  	[tilespmem:$0x1FBC0] =	vst v5;
	v5 =	vbroadcast v2, $0x4  }
0xa9: {  	[tilespmem:$0x1FC80] =	vst v4;
	v4 =	vbroadcast v2, $0xB  }
0xaa: {  	[tilespmem:$0x1FC20] =	vst v5;
	v5 =	vbroadcast v2, $0x5  }
0xab: {  	[tilespmem:$0x1FC90] =	vst v4;
	v4 =	vbroadcast v2, $0xC  }
0xac: {  	[tilespmem:$0x1FC30] =	vst v5  }
0xad: {  	v5 =	vld [tilespmem:$0x8878];
	[tilespmem:$0x1FCA0] =	vst v4;
	v4 =	vbroadcast v2, $0xD  }
0xae: {  	[tilespmem:$0x1FAD0] =	vst v6;
	v6 =	vbroadcast v2, $0x6  }
0xaf: {  	v3 =	vadd.s32 $0x7FFF, v3;
	[tilespmem:$0x1FCB0] =	vst v4;
	v4 =	vbroadcast v2, $0xE  }
0xb0: {  	[tilespmem:$0x1FC40] =	vst v6;
	v6 =	vbroadcast v2, $0x7;
	v3 =	vand.u32 $0xFFFF0000, v3;
	v2 =	vbroadcast v2, $0xF  }
0xb1: {  	[tilespmem:$0x1FCC0] =	vst v4;
	v4 =	vbroadcast v3, $0x8  }
0xb2: {  	[tilespmem:$0x1FCD0] =	vst v2;
	v2 =	vshrl.u32 v5, $0x10  }
0xb3: {  	v2 =	vand.u32 $0x1, v2;
	[tilespmem:$0x1FCE0] =	vst v4;
	v4 =	vbroadcast v3, $0x9  }
0xb4: {  	v2 =	vadd.s32 v2, v5;
	v5 =	vbroadcast v3, $0xC  }
0xb5: {  	[tilespmem:$0x1FCF0] =	vst v4;
	v4 =	vbroadcast v3, $0xA  }
0xb6: {  	[tilespmem:$0x1FD20] =	vst v5;
	v5 =	vbroadcast v3, $0xD  }
0xb7: {  	[tilespmem:$0x1FD00] =	vst v4;
	v4 =	vbroadcast v3, $0xB  }
0xb8: {  	v2 =	vadd.s32 $0x7FFF, v2;
	[tilespmem:$0x1FD30] =	vst v5;
	v5 =	vbroadcast v3, $0xE;
	v3 =	vbroadcast v3, $0xF  }
0xb9: {  	v2 =	vand.u32 $0xFFFF0000, v2  }
0xba: {  	[tilespmem:$0x1FD50] =	vst v3;
	v3 =	vbroadcast v2, $0x0;
	_ =	sdelay $0x1  }
0xbb: {  	[tilespmem:$0x1FD60] =	vst v3;
	v3 =	vbroadcast v2, $0x1  }
0xbc: {  	[tilespmem:$0x1FD10] =	vst v4;
	v4 =	vld [tilespmem:$0x8880]  }
0xbd: {  	[tilespmem:$0x1FD70] =	vst v3;
	v3 =	vbroadcast v2, $0x2;
	_ =	sdelay $0x1  }
0xbe: {  	[tilespmem:$0x1FD80] =	vst v3;
	v3 =	vbroadcast v2, $0x3;
	_ =	sdelay $0x1  }
0xbf: {  	[tilespmem:$0x1FD90] =	vst v3;
	v3 =	vshrl.u32 v4, $0x10  }
0xc0: {  	v3 =	vand.u32 $0x1, v3  }
0xc1: {  	v3 =	vadd.s32 v3, v4;
	v4 =	vbroadcast v2, $0x8;
	_ =	sdelay $0x1  }
0xc2: {  	[tilespmem:$0x1FDE0] =	vst v4;
	v4 =	vbroadcast v2, $0x9;
	_ =	sdelay $0x1  }
0xc3: {  	[tilespmem:$0x1FDF0] =	vst v4;
	v4 =	vbroadcast v2, $0xA  }
0xc4: {  	[tilespmem:$0x1FD40] =	vst v5;
	v5 =	vbroadcast v2, $0x4  }
0xc5: {  	[tilespmem:$0x1FE00] =	vst v4;
	v4 =	vbroadcast v2, $0xB  }
0xc6: {  	[tilespmem:$0x1FDA0] =	vst v5;
	v5 =	vbroadcast v2, $0x5  }
0xc7: {  	[tilespmem:$0x1FE10] =	vst v4;
	v4 =	vbroadcast v2, $0xC  }
0xc8: {  	[tilespmem:$0x1FDB0] =	vst v5  }
0xc9: {  	v5 =	vld [tilespmem:$0x8890];
	[tilespmem:$0x1FE20] =	vst v4;
	v4 =	vbroadcast v2, $0xD  }
0xca: {  	[tilespmem:$0x1FC50] =	vst v6;
	v6 =	vbroadcast v2, $0x6  }
0xcb: {  	v3 =	vadd.s32 $0x7FFF, v3;
	[tilespmem:$0x1FE30] =	vst v4;
	v4 =	vbroadcast v2, $0xE  }
0xcc: {  	[tilespmem:$0x1FDC0] =	vst v6;
	v6 =	vbroadcast v2, $0x7;
	v3 =	vand.u32 $0xFFFF0000, v3;
	v2 =	vbroadcast v2, $0xF  }
0xcd: {  	[tilespmem:$0x1FE40] =	vst v4;
	v4 =	vbroadcast v3, $0x8  }
0xce: {  	[tilespmem:$0x1FE50] =	vst v2;
	v2 =	vshrl.u32 v5, $0x10  }
0xcf: {  	v2 =	vand.u32 $0x1, v2;
	[tilespmem:$0x1FE60] =	vst v4;
	v4 =	vbroadcast v3, $0x9  }
0xd0: {  	v2 =	vadd.s32 v2, v5;
	v5 =	vbroadcast v3, $0xC  }
0xd1: {  	[tilespmem:$0x1FE70] =	vst v4;
	v4 =	vbroadcast v3, $0xA  }
0xd2: {  	[tilespmem:$0x1FEA0] =	vst v5;
	v5 =	vbroadcast v3, $0xD  }
0xd3: {  	[tilespmem:$0x1FE80] =	vst v4;
	v4 =	vbroadcast v3, $0xB  }
0xd4: {  	v2 =	vadd.s32 $0x7FFF, v2;
	[tilespmem:$0x1FEB0] =	vst v5;
	v5 =	vbroadcast v3, $0xE;
	v3 =	vbroadcast v3, $0xF  }
0xd5: {  	v2 =	vand.u32 $0xFFFF0000, v2  }
0xd6: {  	[tilespmem:$0x1FED0] =	vst v3;
	v3 =	vbroadcast v2, $0x0;
	_ =	sdelay $0x1  }
0xd7: {  	[tilespmem:$0x1FEE0] =	vst v3;
	v3 =	vbroadcast v2, $0x1  }
0xd8: {  	[tilespmem:$0x1FE90] =	vst v4;
	v4 =	vld [tilespmem:$0x8898]  }
0xd9: {  	[tilespmem:$0x1FEF0] =	vst v3;
	v3 =	vbroadcast v2, $0x2;
	_ =	sdelay $0x1  }
0xda: {  	[tilespmem:$0x1FF00] =	vst v3;
	v3 =	vbroadcast v2, $0x3;
	_ =	sdelay $0x1  }
0xdb: {  	[tilespmem:$0x1FF10] =	vst v3;
	v3 =	vshrl.u32 v4, $0x10  }
0xdc: {  	v3 =	vand.u32 $0x1, v3  }
0xdd: {  	v3 =	vadd.s32 v3, v4;
	v4 =	vbroadcast v2, $0x8;
	_ =	sdelay $0x1  }
0xde: {  	[tilespmem:$0x1FF60] =	vst v4;
	v4 =	vbroadcast v2, $0x9  }
0xdf: {  	[tilespmem:$0x1FDD0] =	vst v6  }
0xe0: {  	[tilespmem:$0x1FF70] =	vst v4;
	v4 =	vbroadcast v2, $0xA  }
0xe1: {  	[tilespmem:$0x1FEC0] =	vst v5;
	v5 =	vbroadcast v2, $0x4  }
0xe2: {  	[tilespmem:$0x1FF80] =	vst v4;
	v4 =	vbroadcast v2, $0xB  }
0xe3: {  	[tilespmem:$0x1FF20] =	vst v5;
	v5 =	vbroadcast v2, $0x5  }
0xe4: {  	v9 =	vld [tilespmem:$0x88C0];
	[tilespmem:$0x1FF90] =	vst v4;
	v4 =	vbroadcast v2, $0xC  }
0xe5: {  	v6 =	vbroadcast v2, $0x6;
	[tilespmem:$0x1FF30] =	vst v5;
	v5 =	vld [tilespmem:$0x88A8]  }
0xe6: {  	[tilespmem:$0x1FFA0] =	vst v4;
	v4 =	vbroadcast v2, $0xD  }
0xe7: {  	[tilespmem:$0x1FF40] =	vst v6;
	v6 =	vbroadcast v2, $0x7  }
0xe8: {  	[tilespmem:$0x1FFB0] =	vst v4;
	v4 =	vbroadcast v2, $0xE;
	v2 =	vbroadcast v2, $0xF  }
0xe9: {  	v8 =	vbroadcast v9, $0x0;
	v3 =	vadd.s32 $0x7FFF, v3  }
0xea: {  	v9 =	vbroadcast v9, $0x1;
	v3 =	vand.u32 $0xFFFF0000, v3;
	[tilespmem:$0x1FFD0] =	vst v2;
	v2 =	vshrl.u32 v5, $0x10  }
0xeb: {  	v39 =	vbroadcast v3, $0x9;
	[tilespmem:$0x1FFC0] =	vst v4;
	v4 =	vbroadcast v3, $0x8;
	v2 =	vand.u32 $0x1, v2  }
0xec: {  	v40 =	vbroadcast v3, $0xA;
	v41 =	vbroadcast v3, $0xB;
	v2 =	vadd.s32 v2, v5  }
0xed: {  	v42 =	vbroadcast v3, $0xC;
	v43 =	vbroadcast v3, $0xD;
	[tilespmem:$0x1FFE0] =	vst v4;
	v4 =	vld [tilespmem:$0x88B0];
	v2 =	vadd.s32 $0x7FFF, v2  }
0xee: {  	v44 =	vbroadcast v3, $0xE;
	v45 =	vbroadcast v3, $0xF;
	v2 =	vand.u32 $0xFFFF0000, v2  }
0xef: {  	v46 =	vbroadcast v2, $0x0;
	v47 =	vbroadcast v2, $0x1  }
0xf0: {  	v48 =	vbroadcast v2, $0x2;
	v49 =	vbroadcast v2, $0x3  }
0xf1: {  	v50 =	vbroadcast v2, $0x4;
	v51 =	vbroadcast v2, $0x5  }
0xf2: {  	v52 =	vbroadcast v2, $0x6;
	v53 =	vbroadcast v2, $0x7;
	v3 =	vshrl.u32 v4, $0x10  }
0xf3: {  	v54 =	vbroadcast v2, $0x8;
	v55 =	vbroadcast v2, $0x9;
	v3 =	vand.u32 $0x1, v3  }
0xf4: {  	v10 =	vld [tilespmem:$0x88D0];
	v56 =	vbroadcast v2, $0xA;
	v57 =	vbroadcast v2, $0xB;
	v3 =	vadd.s32 v3, v4  }
0xf5: {  	v58 =	vbroadcast v2, $0xC;
	v59 =	vbroadcast v2, $0xD;
	v3 =	vadd.s32 $0x7FFF, v3  }
0xf6: {  	v60 =	vbroadcast v2, $0xE;
	v61 =	vbroadcast v2, $0xF;
	v7 =	vand.u32 $0xFFFF0000, v3  }
0xf7: {  	v62 =	vbroadcast v7, $0x8;
	v63 =	vbroadcast v7, $0x9  }
0xf8: {  	v2 =	vbroadcast v7, $0xA;
	v3 =	vbroadcast v7, $0xB  }
0xf9: {  	[tilespmem:$0x1FFF0] =	vst v10;
	v4 =	vbroadcast v7, $0xC;
	v5 =	vbroadcast v7, $0xD  }
0xfa: {  	s25 =	simm.s32 $0x0;
	[tilespmem:$0x1FF50] =	vst v6;
	v6 =	vbroadcast v7, $0xE;
	v7 =	vbroadcast v7, $0xF  }
.LBB2_2:
0xfb: {  	v18 =	vor.u32 s25, v0  }
0xfc: {  	v11 =	vshll.u32 v18, $0x3  }
0xfd: {  	v10 =	vor.u32 $0x1, v11  }
0xfe: {  	v12 =	vor.u32 $0x2, v11  }
0xff: {  	v14 =	vor.u32 $0x3, v11  }
0x100: {  	v24 =	vld [tilespmem:$0x1F5E0];
	v17 =	vor.u32 $0x5, v11  }
0x101: {  	v19 =	vor.u32 $0x6, v11;
	v13 =	vld.idx.msk [tilespmem:v11+s14+$0x0], $0xffff  }
0x102: {  	v15 =	vld.idx.msk [tilespmem:v10+s14+$0x0], $0xffff  }
0x103: {  	v12 =	vld.idx.msk [tilespmem:v12+s14+$0x0], $0xffff  }
0x104: {  	v14 =	vld.idx.msk [tilespmem:v14+s14+$0x0], $0xffff  }
0x105: {  	v17 =	vld.idx.msk [tilespmem:v17+s14+$0x0], $0xffff  }
0x106: {  	v10 =	vor.u32 $0x4, v11;
	v37 =	vld.idx.msk [tilespmem:v19+s14+$0x0], $0xffff  }
0x107: {  	v21 =	vld [tilespmem:$0x1F760];
	v11 =	vor.u32 $0x7, v11  }
0x108: {  	v26 =	vld [tilespmem:$0x1F8E0]  }
0x109: {  	v28 =	vld [tilespmem:$0x1FA60];
	v16 =	vshrl.u32 v13, $0x10  }
0x10a: {  	v31 =	vld [tilespmem:$0x1FBE0];
	v16 =	vand.u32 $0x1, v16;
	v32 =	vshrl.u32 v15, $0x10;
	v34 =	vshrl.u32 v12, $0x10  }
0x10b: {  	v20 =	vld.idx.msk [tilespmem:v10+s14+$0x0], $0xffff;
	v35 =	vshrl.u32 v14, $0x10;
	v25 =	vshrl.u32 v17, $0x10;
	v27 =	vshrl.u32 v37, $0x10  }
0x10c: {  	v22 =	vld.idx.msk [tilespmem:v11+s14+$0x0], $0xffff;
	v13 =	vadd.s32 v16, v13;
	v16 =	vand.u32 $0x1, v32;
	v36 =	vand.u32 $0x1, v35  }
0x10d: {  	v11 =	vand.u32 $0x1, v27;
	v35 =	vld [tilespmem:$0x1F5F0];
	v13 =	vadd.s32 $0x7FFF, v13;
	v33 =	vadd.s32 v16, v15  }
0x10e: {  	v27 =	vld [tilespmem:$0x1F600];
	v15 =	vand.u32 $0x1, v34;
	v11 =	vadd.s32 v11, v37;
	v10 =	vand.u32 $0xFFFF0000, v13  }
0x10f: {  	v34 =	vld [tilespmem:$0x1FD60];
	v13 =	vadd.s32 $0x7FFF, v33;
	v12 =	vadd.s32 v15, v12;
	v15 =	vadd.s32 v36, v14  }
0x110: {  	v37 =	vld [tilespmem:$0x1F8F0];
	v13 =	vand.u32 $0xFFFF0000, v13;
	v12 =	vadd.s32 $0x7FFF, v12;
	v38 =	vadd.s32 $0x7FFF, v15  }
0x111: {  	v36 =	vld [tilespmem:$0x1FEE0];
	v19 =	vmul.f32 v10, v24;
	v14 =	vand.u32 $0xFFFF0000, v12;
	v21 =	vmul.f32 v13, v21  }
0x112: {  	v24 =	vld [tilespmem:$0x1F780];
	v23 =	vshrl.u32 v20, $0x10;
	v12 =	vand.u32 $0xFFFF0000, v38;
	v33 =	vshrl.u32 v22, $0x10  }
0x113: {  	v15 =	vand.u32 $0x1, v23;
	v23 =	vld [tilespmem:$0x1F770];
	v19 =	vadd.f32 v21, v19;
	v21 =	vmul.f32 v14, v26  }
0x114: {  	v29 =	vmul.f32 v12, v28;
	v15 =	vadd.s32 v15, v20;
	v20 =	vand.u32 $0x1, v25;
	v26 =	vld [tilespmem:$0x1FA70]  }
0x115: {  	v25 =	vld [tilespmem:$0x1F790];
	v15 =	vadd.s32 $0x7FFF, v15;
	v20 =	vadd.s32 v20, v17;
	v19 =	vadd.f32 v21, v19  }
0x116: {  	v17 =	vand.u32 $0xFFFF0000, v15;
	v30 =	vadd.s32 $0x7FFF, v20;
	v15 =	vand.u32 $0x1, v33;
	v33 =	vld [tilespmem:$0x1FEF0]  }
0x117: {  	v21 =	vmul.f32 v10, v35;
	v35 =	vld [tilespmem:$0x1F610];
	v32 =	vmul.f32 v17, v31;
	v19 =	vadd.f32 v29, v19  }
0x118: {  	v11 =	vadd.s32 $0x7FFF, v11;
	v16 =	vand.u32 $0xFFFF0000, v30;
	v31 =	vld [tilespmem:$0x1F900];
	v23 =	vmul.f32 v13, v23  }
0x119: {  	v11 =	vand.u32 $0xFFFF0000, v11;
	v20 =	vmul.f32 v16, v34;
	v29 =	vld [tilespmem:$0x1FBF0];
	v19 =	vadd.f32 v32, v19  }
0x11a: {  	v15 =	vadd.s32 v15, v22;
	v22 =	vmul.f32 v14, v37;
	v34 =	vld [tilespmem:$0x1FA80];
	v21 =	vadd.f32 v23, v21  }
0x11b: {  	v24 =	vmul.f32 v13, v24;
	v23 =	vmul.f32 v10, v27;
	v32 =	vld [tilespmem:$0x1FD70];
	v19 =	vadd.f32 v20, v19  }
0x11c: {  	v20 =	vmul.f32 v11, v36;
	v21 =	vadd.f32 v22, v21;
	v22 =	vmul.f32 v12, v26;
	v36 =	vld [tilespmem:$0x1FC00]  }
0x11d: {  	v37 =	vld [tilespmem:$0x1F910];
	v30 =	vadd.f32 v24, v23;
	v23 =	vmul.f32 v14, v31  }
0x11e: {  	v27 =	vld [tilespmem:$0x1FD80];
	v28 =	vadd.f32 v22, v21;
	v21 =	vmul.f32 v17, v29  }
0x11f: {  	v26 =	vld [tilespmem:$0x1FF00];
	v22 =	vadd.f32 v23, v30;
	v23 =	vmul.f32 v12, v34  }
0x120: {  	v31 =	vld [tilespmem:$0x1F920];
	v19 =	vadd.f32 v20, v19;
	v20 =	vadd.f32 v21, v28;
	v21 =	vmul.f32 v16, v32  }
0x121: {  	v29 =	vld [tilespmem:$0x1F620];
	v22 =	vadd.f32 v23, v22;
	v23 =	vmul.f32 v17, v36  }
0x122: {  	v25 =	vmul.f32 v13, v25;
	v24 =	vmul.f32 v11, v33;
	v28 =	vld [tilespmem:$0x1FA90];
	v20 =	vadd.f32 v21, v20  }
0x123: {  	v21 =	vmul.f32 v10, v35;
	v22 =	vadd.f32 v23, v22;
	v23 =	vmul.f32 v16, v27;
	v27 =	vld [tilespmem:$0x1F7A0]  }
0x124: {  	v30 =	vld [tilespmem:$0x1FC10]  }
0x125: {  	v33 =	vld [tilespmem:$0x1FD90];
	v20 =	vadd.f32 v24, v20;
	v21 =	vadd.f32 v25, v21;
	v24 =	vmul.f32 v14, v37  }
0x126: {  	v34 =	vld [tilespmem:$0x1FAA0]  }
0x127: {  	v36 =	vld [tilespmem:$0x1FC20];
	v21 =	vadd.f32 v24, v21;
	v24 =	vmul.f32 v12, v28  }
0x128: {  	v35 =	vld [tilespmem:$0x1FF10];
	v22 =	vadd.f32 v23, v22;
	v23 =	vmul.f32 v10, v29;
	v27 =	vmul.f32 v13, v27  }
0x129: {  	v29 =	vld [tilespmem:$0x1F7B0];
	v21 =	vadd.f32 v24, v21;
	v24 =	vmul.f32 v17, v30  }
0x12a: {  	v25 =	vmul.f32 v14, v31;
	v28 =	vld [tilespmem:$0x1F630];
	v23 =	vadd.f32 v27, v23  }
0x12b: {  	v37 =	vld [tilespmem:$0x1FDA0];
	v21 =	vadd.f32 v24, v21;
	v24 =	vmul.f32 v16, v33  }
0x12c: {  	v31 =	vld [tilespmem:$0x1FF20];
	v23 =	vadd.f32 v25, v23;
	v25 =	vmul.f32 v12, v34  }
0x12d: {  	v15 =	vadd.s32 $0x7FFF, v15;
	v26 =	vmul.f32 v11, v26;
	v33 =	vld [tilespmem:$0x1F930];
	v21 =	vadd.f32 v24, v21  }
0x12e: {  	v30 =	vld [tilespmem:$0x1F7C0];
	v24 =	vmul.f32 v11, v35;
	v23 =	vadd.f32 v25, v23;
	v25 =	vmul.f32 v17, v36  }
0x12f: {  	v15 =	vand.u32 $0xFFFF0000, v15;
	v29 =	vmul.f32 v13, v29;
	v28 =	vmul.f32 v10, v28;
	v35 =	vld [tilespmem:$0x1FAB0]  }
0x130: {  	v34 =	vld [tilespmem:$0x1F640];
	v21 =	vadd.f32 v24, v21;
	v24 =	vmul.f32 v16, v37;
	v23 =	vadd.f32 v25, v23  }
0x131: {  	v32 =	vmul.f32 v15, v48;
	v22 =	vadd.f32 v26, v22;
	v31 =	vmul.f32 v11, v31;
	v37 =	vld [tilespmem:$0x1FC30]  }
0x132: {  	v28 =	vadd.f32 v29, v28;
	v36 =	vld [tilespmem:$0x1F940];
	v29 =	vmul.f32 v14, v33;
	v23 =	vadd.f32 v24, v23  }
0x133: {  	v38 =	vmul.f32 v15, v46;
	v22 =	vadd.f32 v32, v22;
	v32 =	vld [tilespmem:$0x1FDB0]  }
0x134: {  	v28 =	vadd.f32 v29, v28;
	v29 =	vmul.f32 v12, v35;
	v23 =	vadd.f32 v31, v23;
	v31 =	vld [tilespmem:$0x1FAC0]  }
0x135: {  	v30 =	vmul.f32 v13, v30;
	v33 =	vld [tilespmem:$0x1FC40];
	v24 =	vmul.f32 v10, v34  }
0x136: {  	v35 =	vld [tilespmem:$0x1F7D0];
	v28 =	vadd.f32 v29, v28;
	v29 =	vmul.f32 v17, v37  }
0x137: {  	v19 =	vadd.f32 v38, v19;
	v25 =	vmul.f32 v14, v36;
	v36 =	vld [tilespmem:$0x1FDC0];
	v24 =	vadd.f32 v30, v24  }
0x138: {  	v38 =	vmul.f32 v15, v47;
	v28 =	vadd.f32 v29, v28;
	v29 =	vmul.f32 v16, v32;
	v32 =	vld [tilespmem:$0x1FF30]  }
0x139: {  	v34 =	vld [tilespmem:$0x1F650];
	v24 =	vadd.f32 v25, v24;
	v25 =	vmul.f32 v12, v31  }
0x13a: {  	v20 =	vadd.f32 v38, v20;
	v38 =	vmul.f32 v15, v49  }
0x13b: {  	v37 =	vld [tilespmem:$0x1F950];
	v24 =	vadd.f32 v25, v24;
	v25 =	vmul.f32 v17, v33  }
0x13c: {  	v21 =	vadd.f32 v38, v21;
	v38 =	vmul.f32 v15, v50;
	v28 =	vadd.f32 v29, v28  }
0x13d: {  	v32 =	vmul.f32 v11, v32;
	v24 =	vadd.f32 v25, v24;
	v25 =	vmul.f32 v16, v36;
	v36 =	vld [tilespmem:$0x1FF40]  }
0x13e: {  	v30 =	vmul.f32 v13, v35;
	v29 =	vmul.f32 v10, v34  }
0x13f: {  	v23 =	vadd.f32 v38, v23;
	v38 =	vmul.f32 v15, v51;
	v28 =	vadd.f32 v32, v28  }
0x140: {  	v29 =	vadd.f32 v30, v29;
	v30 =	vmul.f32 v14, v37;
	v37 =	vld [tilespmem:$0x1FAD0]  }
0x141: {  	v28 =	vadd.f32 v38, v28;
	v38 =	vld [tilespmem:$0x1F660]  }
0x142: {  	v18 =	vmul.u32 $0x18, v18;
	v24 =	vadd.f32 v25, v24;
	v25 =	vmul.f32 v11, v36;
	v36 =	vld [tilespmem:$0x1FC50]  }
0x143: {  	v35 =	vld [tilespmem:$0x1FAE0]  }
0x144: {  	v27 =	vor.u32 $0x1, v18;
	v33 =	vld [tilespmem:$0x1F7E0]  }
0x145: {  	v19 =	vadd.f32 v19, v8;
	v34 =	vld [tilespmem:$0x1FDD0];
	v29 =	vadd.f32 v30, v29;
	v30 =	vmul.f32 v12, v37  }
0x146: {  	v37 =	vmul.f32 v15, v52;
	v32 =	vmul.f32 v10, v38;
	v38 =	vld [tilespmem:$0x1F960];
	v24 =	vadd.f32 v25, v24  }
0x147: {  	v20 =	vadd.f32 v20, v9;
	v25 =	vadd.f32 v30, v29;
	v29 =	vmul.f32 v17, v36;
	v36 =	vld [tilespmem:$0x1F670]  }
0x148: {  	[tilespmem:v18+s20+$0x0] =	vst.idx.msk $0xffff, v19;
	v24 =	vadd.f32 v37, v24;
	v37 =	vld [tilespmem:$0x1F7F0]  }
0x149: {  	[tilespmem:v27+s20+$0x0] =	vst.idx.msk $0xffff, v20;
	v33 =	vmul.f32 v13, v33  }
0x14a: {  	v27 =	vmul.f32 v16, v34;
	v30 =	vmul.f32 v12, v35;
	v35 =	vld [tilespmem:$0x1FC60];
	v25 =	vadd.f32 v29, v25  }
0x14b: {  	v32 =	vadd.f32 v33, v32;
	v33 =	vmul.f32 v14, v38;
	v38 =	vld [tilespmem:$0x1FF50]  }
0x14c: {  	v26 =	vor.u32 $0x2, v18;
	v25 =	vadd.f32 v27, v25;
	v27 =	vmul.f32 v10, v36;
	v36 =	vld [tilespmem:$0x1F970]  }
0x14d: {  	v29 =	vadd.f32 v33, v32;
	v32 =	vmul.f32 v13, v37;
	v37 =	vld [tilespmem:$0x1FDE0];
	_ =	sdelay $0x2  }
0x14e: {  	v29 =	vadd.f32 v30, v29;
	v30 =	vmul.f32 v17, v35;
	v33 =	vmul.f32 v11, v38;
	v38 =	vld [tilespmem:$0x1FF60]  }
0x14f: {  	[tilespmem:v26+s20+$0x0] =	vst.idx.msk $0xffff, v22;
	v22 =	vadd.f32 v32, v27;
	v27 =	vmul.f32 v14, v36;
	v36 =	vld [tilespmem:$0x1FAF0]  }
0x150: {  	v29 =	vadd.f32 v30, v29;
	v30 =	vmul.f32 v16, v37;
	v37 =	vld [tilespmem:$0x1F680]  }
0x151: {  	v31 =	vor.u32 $0x3, v18  }
0x152: {  	v19 =	vor.u32 $0x4, v18  }
0x153: {  	v32 =	vmul.f32 v11, v38;
	v38 =	vld [tilespmem:$0x1F800]  }
0x154: {  	v22 =	vadd.f32 v27, v22;
	v27 =	vmul.f32 v12, v36;
	v36 =	vld [tilespmem:$0x1FC70]  }
0x155: {  	v29 =	vadd.f32 v30, v29;
	v30 =	vmul.f32 v10, v37;
	v37 =	vld [tilespmem:$0x1F980]  }
0x156: {  	[tilespmem:v31+s20+$0x0] =	vst.idx.msk $0xffff, v21  }
0x157: {  	[tilespmem:v19+s20+$0x0] =	vst.idx.msk $0xffff, v23;
	v23 =	vld [tilespmem:$0x1F690]  }
0x158: {  	v35 =	vld [tilespmem:$0x1FDF0];
	v25 =	vadd.f32 v33, v25;
	v29 =	vadd.f32 v32, v29;
	v33 =	vmul.f32 v13, v38  }
0x159: {  	v38 =	vmul.f32 v15, v54;
	v22 =	vadd.f32 v27, v22;
	v27 =	vmul.f32 v17, v36;
	v36 =	vld [tilespmem:$0x1FB00]  }
0x15a: {  	v32 =	vmul.f32 v14, v37;
	v37 =	vld [tilespmem:$0x1FF70]  }
0x15b: {  	v29 =	vadd.f32 v38, v29;
	v38 =	vld [tilespmem:$0x1FC80]  }
0x15c: {  	v30 =	vadd.f32 v33, v30;
	v33 =	vld [tilespmem:$0x1F810]  }
0x15d: {  	v22 =	vadd.f32 v27, v22;
	v27 =	vmul.f32 v16, v35;
	v35 =	vld [tilespmem:$0x1FE00]  }
0x15e: {  	v30 =	vadd.f32 v32, v30;
	v32 =	vmul.f32 v12, v36;
	v36 =	vld [tilespmem:$0x1F990]  }
0x15f: {  	v22 =	vadd.f32 v27, v22;
	v27 =	vmul.f32 v11, v37;
	v37 =	vld [tilespmem:$0x1F6A0]  }
0x160: {  	v34 =	vmul.f32 v15, v53;
	v31 =	vmul.f32 v17, v38;
	v30 =	vadd.f32 v32, v30  }
0x161: {  	v19 =	vmul.f32 v10, v23;
	v23 =	vmul.f32 v13, v33;
	v38 =	vld [tilespmem:$0x1F820]  }
0x162: {  	v25 =	vadd.f32 v34, v25;
	v34 =	vadd.f32 v31, v30;
	v30 =	vmul.f32 v16, v35  }
0x163: {  	v19 =	vadd.f32 v23, v19;
	v23 =	vmul.f32 v14, v36;
	v36 =	vld [tilespmem:$0x1FF80]  }
0x164: {  	v22 =	vadd.f32 v27, v22;
	v27 =	vadd.f32 v30, v34;
	v30 =	vmul.f32 v10, v37;
	v37 =	vld [tilespmem:$0x1FB10];
	_ =	sdelay $0x1  }
0x165: {  	v33 =	vmul.f32 v13, v38;
	_ =	sdelay $0x1  }
0x166: {  	v38 =	vadd.f32 v33, v30;
	v33 =	vld [tilespmem:$0x1F9A0];
	v34 =	vmul.f32 v11, v36  }
0x167: {  	v23 =	vadd.f32 v23, v19;
	v35 =	vmul.f32 v12, v37;
	v37 =	vld [tilespmem:$0x1FE10]  }
0x168: {  	v27 =	vadd.f32 v34, v27;
	v34 =	vld [tilespmem:$0x1FC90]  }
0x169: {  	v23 =	vadd.f32 v35, v23;
	v35 =	vld [tilespmem:$0x1FB20];
	_ =	sdelay $0x1  }
0x16a: {  	v20 =	vor.u32 $0x5, v18;
	v31 =	vmul.f32 v15, v55  }
0x16b: {  	v30 =	vmul.f32 v14, v33  }
0x16c: {  	v19 =	vadd.f32 v31, v22;
	v33 =	vmul.f32 v15, v56;
	v31 =	vmul.f32 v17, v34  }
0x16d: {  	v30 =	vadd.f32 v30, v38;
	v38 =	vmul.f32 v16, v37;
	v37 =	vld [tilespmem:$0x1F830];
	v36 =	vmul.f32 v12, v35  }
0x16e: {  	v35 =	vld [tilespmem:$0x1FCA0];
	v23 =	vadd.f32 v31, v23  }
0x16f: {  	[tilespmem:v20+s20+$0x0] =	vst.idx.msk $0xffff, v28;
	v20 =	vadd.f32 v33, v27;
	v27 =	vadd.f32 v36, v30;
	v36 =	vld [tilespmem:$0x1F6B0]  }
0x170: {  	v23 =	vadd.f32 v38, v23;
	v38 =	vld [tilespmem:$0x1FF90];
	_ =	sdelay $0x1  }
0x171: {  	v31 =	vmul.f32 v13, v37;
	v37 =	vld [tilespmem:$0x1F9B0]  }
0x172: {  	v30 =	vmul.f32 v17, v35;
	v35 =	vld [tilespmem:$0x1FE20]  }
0x173: {  	v26 =	vor.u32 $0x6, v18  }
0x174: {  	v28 =	vmul.f32 v10, v36;
	v33 =	vmul.f32 v11, v38;
	_ =	sdelay $0x1  }
0x175: {  	v36 =	vadd.f32 v31, v28;
	v28 =	vmul.f32 v14, v37;
	v23 =	vadd.f32 v33, v23;
	v33 =	vld [tilespmem:$0x1FFA0]  }
0x176: {  	v27 =	vadd.f32 v30, v27;
	v30 =	vmul.f32 v16, v35;
	v35 =	vld [tilespmem:$0x1F6C0]  }
0x177: {  	[tilespmem:v26+s20+$0x0] =	vst.idx.msk $0xffff, v24;
	v38 =	vmul.f32 v15, v57;
	v26 =	vadd.f32 v28, v36;
	v36 =	vld [tilespmem:$0x1F840]  }
0x178: {  	v34 =	vld [tilespmem:$0x1FB30]  }
0x179: {  	v23 =	vadd.f32 v38, v23;
	v38 =	vld [tilespmem:$0x1F9C0]  }
0x17a: {  	v37 =	vld [tilespmem:$0x1FCB0]  }
0x17b: {  	v27 =	vadd.f32 v30, v27;
	v30 =	vmul.f32 v11, v33  }
0x17c: {  	v31 =	vmul.f32 v10, v35;
	v33 =	vmul.f32 v13, v36;
	v36 =	vld [tilespmem:$0x1FE30]  }
0x17d: {  	v28 =	vmul.f32 v12, v34  }
0x17e: {  	v31 =	vadd.f32 v33, v31;
	v33 =	vmul.f32 v14, v38  }
0x17f: {  	v26 =	vadd.f32 v28, v26;
	v28 =	vmul.f32 v17, v37  }
0x180: {  	v21 =	vor.u32 $0x7, v18;
	v38 =	vadd.f32 v33, v31;
	v33 =	vld [tilespmem:$0x1FB40]  }
0x181: {  	v34 =	vld [tilespmem:$0x1F6D0];
	v26 =	vadd.f32 v28, v26;
	v37 =	vmul.f32 v16, v36;
	_ =	sdelay $0x1  }
0x182: {  	v27 =	vadd.f32 v30, v27;
	v30 =	vmul.f32 v15, v58;
	v26 =	vadd.f32 v37, v26;
	v37 =	vld [tilespmem:$0x1FCC0]  }
0x183: {  	v35 =	vld [tilespmem:$0x1F850]  }
0x184: {  	[tilespmem:v21+s20+$0x0] =	vst.idx.msk $0xffff, v25;
	v21 =	vadd.f32 v30, v27;
	v36 =	vld [tilespmem:$0x1FFB0];
	v30 =	vmul.f32 v12, v33  }
0x185: {  	v28 =	vmul.f32 v10, v34;
	v34 =	vld [tilespmem:$0x1FE40]  }
0x186: {  	v27 =	vadd.f32 v30, v38;
	v38 =	vld [tilespmem:$0x1F9D0]  }
0x187: {  	v30 =	vmul.f32 v17, v37;
	v37 =	vld [tilespmem:$0x1F860]  }
0x188: {  	v32 =	vadd.s32 $0x8, v18  }
0x189: {  	v31 =	vmul.f32 v13, v35;
	v33 =	vmul.f32 v11, v36;
	v36 =	vld [tilespmem:$0x1F6E0]  }
0x18a: {  	v35 =	vld [tilespmem:$0x1FB50]  }
0x18b: {  	v28 =	vadd.f32 v31, v28;
	v26 =	vadd.f32 v33, v26;
	v31 =	vmul.f32 v14, v38;
	v38 =	vld [tilespmem:$0x1FFC0]  }
0x18c: {  	v27 =	vadd.f32 v30, v27;
	v30 =	vmul.f32 v16, v34;
	v33 =	vmul.f32 v13, v37;
	v37 =	vld [tilespmem:$0x1F9E0]  }
0x18d: {  	[tilespmem:v32+s20+$0x0] =	vst.idx.msk $0xffff, v29  }
0x18e: {  	v32 =	vmul.f32 v15, v59;
	v27 =	vadd.f32 v30, v27;
	v30 =	vmul.f32 v10, v36;
	v36 =	vld [tilespmem:$0x1FCD0];
	_ =	sdelay $0x1  }
0x18f: {  	v26 =	vadd.f32 v32, v26;
	v34 =	vmul.f32 v11, v38  }
0x190: {  	v28 =	vadd.f32 v31, v28;
	v31 =	vmul.f32 v12, v35;
	v32 =	vmul.f32 v14, v37;
	v37 =	vld [tilespmem:$0x1F6F0]  }
0x191: {  	v38 =	vmul.f32 v15, v60;
	v27 =	vadd.f32 v34, v27  }
0x192: {  	v28 =	vadd.f32 v31, v28;
	v31 =	vmul.f32 v17, v36;
	v36 =	vld [tilespmem:$0x1FB60]  }
0x193: {  	v27 =	vadd.f32 v38, v27;
	v38 =	vld [tilespmem:$0x1F870]  }
0x194: {  	v35 =	vld [tilespmem:$0x1FE50]  }
0x195: {  	v30 =	vadd.f32 v33, v30;
	v33 =	vmul.f32 v10, v37;
	v37 =	vld [tilespmem:$0x1FCE0];
	_ =	sdelay $0x1  }
0x196: {  	v30 =	vadd.f32 v32, v30;
	v32 =	vmul.f32 v12, v36;
	v36 =	vld [tilespmem:$0x1FFD0]  }
0x197: {  	v34 =	vmul.f32 v13, v38;
	v38 =	vld [tilespmem:$0x1F9F0]  }
0x198: {  	v28 =	vadd.f32 v31, v28  }
0x199: {  	v31 =	vmul.f32 v16, v35;
	v30 =	vadd.f32 v32, v30;
	v32 =	vmul.f32 v17, v37;
	v37 =	vld [tilespmem:$0x1FB70];
	_ =	sdelay $0x1  }
0x19a: {  	v35 =	vld [tilespmem:$0x1F700];
	v28 =	vadd.f32 v31, v28  }
0x19b: {  	v31 =	vmul.f32 v11, v36;
	v36 =	vld [tilespmem:$0x1F880];
	v33 =	vadd.f32 v34, v33;
	v34 =	vmul.f32 v14, v38;
	_ =	sdelay $0x1  }
0x19c: {  	v30 =	vadd.f32 v32, v30;
	v32 =	vadd.f32 v34, v33;
	v33 =	vmul.f32 v12, v37;
	v37 =	vld [tilespmem:$0x1FCF0];
	_ =	sdelay $0x1  }
0x19d: {  	v38 =	vld [tilespmem:$0x1FE60]  }
0x19e: {  	v28 =	vadd.f32 v31, v28;
	v31 =	vmul.f32 v10, v35;
	v35 =	vmul.f32 v13, v36;
	v36 =	vld [tilespmem:$0x1FA00];
	_ =	sdelay $0x1  }
0x19f: {  	v32 =	vadd.f32 v33, v32;
	v33 =	vmul.f32 v17, v37;
	v37 =	vld [tilespmem:$0x1FFE0];
	_ =	sdelay $0x2  }
0x1a0: {  	v31 =	vadd.f32 v35, v31;
	v34 =	vmul.f32 v16, v38;
	v38 =	vld [tilespmem:$0x1FB80];
	v35 =	vmul.f32 v14, v36;
	_ =	sdelay $0x1  }
0x1a1: {  	v36 =	vmul.f32 v15, v61;
	v31 =	vadd.f32 v35, v31;
	v35 =	vmul.f32 v11, v37;
	v37 =	vld [tilespmem:$0x1FD00];
	_ =	sdelay $0x1  }
0x1a2: {  	v28 =	vadd.f32 v36, v28;
	v36 =	vld [tilespmem:$0x1FE80]  }
0x1a3: {  	v30 =	vadd.f32 v34, v30;
	v34 =	vmul.f32 v12, v38;
	_ =	sdelay $0x1  }
0x1a4: {  	v31 =	vadd.f32 v34, v31;
	v34 =	vmul.f32 v17, v37  }
0x1a5: {  	v37 =	vld [tilespmem:$0x1F710]  }
0x1a6: {  	v31 =	vadd.f32 v34, v31;
	v34 =	vmul.f32 v16, v36;
	v36 =	vld [tilespmem:$0x1F890];
	_ =	sdelay $0x4  }
0x1a7: {  	v38 =	vld [tilespmem:$0x1FE70];
	v30 =	vadd.f32 v35, v30;
	v35 =	vmul.f32 v10, v37;
	v36 =	vmul.f32 v13, v36;
	_ =	sdelay $0x1  }
0x1a8: {  	v35 =	vadd.f32 v36, v35;
	v36 =	vld [tilespmem:$0x1FA10];
	_ =	sdelay $0x2  }
0x1a9: {  	v32 =	vadd.f32 v33, v32;
	v33 =	vmul.f32 v16, v38;
	v38 =	vmul.f32 v15, v62;
	_ =	sdelay $0x1  }
0x1aa: {  	v30 =	vadd.f32 v38, v30;
	v38 =	vld [tilespmem:$0x1F720];
	v36 =	vmul.f32 v14, v36  }
0x1ab: {  	v37 =	vld [tilespmem:$0x1F8A0]  }
0x1ac: {  	v32 =	vadd.f32 v33, v32;
	v33 =	vmul.f32 v11, v39;
	v35 =	vadd.f32 v36, v35;
	v36 =	vld [tilespmem:$0x1FB90];
	_ =	sdelay $0x1  }
0x1ad: {  	v32 =	vadd.f32 v33, v32;
	v33 =	vmul.f32 v11, v40;
	v31 =	vadd.f32 v34, v31;
	_ =	sdelay $0x1  }
0x1ae: {  	v31 =	vadd.f32 v33, v31;
	v33 =	vmul.f32 v10, v38;
	v37 =	vmul.f32 v13, v37  }
0x1af: {  	v36 =	vmul.f32 v12, v36  }
0x1b0: {  	v38 =	vmul.f32 v15, v2;
	v33 =	vadd.f32 v37, v33;
	v37 =	vld [tilespmem:$0x1FA20]  }
0x1b1: {  	v35 =	vadd.f32 v36, v35;
	v36 =	vld [tilespmem:$0x1FD10]  }
0x1b2: {  	v31 =	vadd.f32 v38, v31;
	v38 =	vld [tilespmem:$0x1FBA0]  }
0x1b3: {  	v34 =	vmul.f32 v15, v63;
	_ =	sdelay $0x1  }
0x1b4: {  	v32 =	vadd.f32 v34, v32;
	v34 =	vmul.f32 v14, v37  }
0x1b5: {  	v37 =	vld [tilespmem:$0x1FE90];
	v36 =	vmul.f32 v17, v36  }
0x1b6: {  	v33 =	vadd.f32 v34, v33;
	v34 =	vmul.f32 v12, v38;
	v38 =	vld [tilespmem:$0x1F8B0]  }
0x1b7: {  	v35 =	vadd.f32 v36, v35;
	v36 =	vld [tilespmem:$0x1F730]  }
0x1b8: {  	v22 =	vadd.s32 $0x9, v18;
	_ =	sdelay $0x2  }
0x1b9: {  	v37 =	vmul.f32 v16, v37  }
0x1ba: {  	v38 =	vmul.f32 v13, v38;
	v36 =	vmul.f32 v10, v36  }
0x1bb: {  	[tilespmem:v22+s20+$0x0] =	vst.idx.msk $0xffff, v19;
	v22 =	vadd.f32 v34, v33  }
0x1bc: {  	v34 =	vadd.f32 v37, v35;
	v35 =	vadd.f32 v38, v36;
	v36 =	vld [tilespmem:$0x1FA30];
	_ =	sdelay $0x1  }
0x1bd: {  	v24 =	vadd.s32 $0xA, v18;
	v33 =	vld [tilespmem:$0x1FD20];
	_ =	sdelay $0x1  }
0x1be: {  	v38 =	vld [tilespmem:$0x1FEA0]  }
0x1bf: {  	v36 =	vmul.f32 v14, v36;
	_ =	sdelay $0x1  }
0x1c0: {  	[tilespmem:v24+s20+$0x0] =	vst.idx.msk $0xffff, v20;
	v33 =	vmul.f32 v17, v33;
	v24 =	vadd.f32 v36, v35;
	v36 =	vld [tilespmem:$0x1FBB0];
	_ =	sdelay $0x1  }
0x1c1: {  	v22 =	vadd.f32 v33, v22;
	v33 =	vmul.f32 v16, v38  }
0x1c2: {  	v37 =	vmul.f32 v11, v41  }
0x1c3: {  	v22 =	vadd.f32 v33, v22;
	v33 =	vmul.f32 v11, v42  }
0x1c4: {  	v34 =	vadd.f32 v37, v34;
	v37 =	vld [tilespmem:$0x1FD30];
	v35 =	vmul.f32 v12, v36;
	v36 =	vmul.f32 v15, v3;
	_ =	sdelay $0x1  }
0x1c5: {  	v22 =	vadd.f32 v33, v22;
	v33 =	vadd.f32 v36, v34;
	v36 =	vld [tilespmem:$0x1FEB0];
	_ =	sdelay $0x2  }
0x1c6: {  	v25 =	vadd.s32 $0xB, v18;
	v24 =	vadd.f32 v35, v24;
	v35 =	vmul.f32 v17, v37;
	v37 =	vld [tilespmem:$0x1F740];
	_ =	sdelay $0x1  }
0x1c7: {  	v38 =	vmul.f32 v15, v4;
	v34 =	vmul.f32 v16, v36;
	v36 =	vld [tilespmem:$0x1F750];
	_ =	sdelay $0x1  }
0x1c8: {  	v22 =	vadd.f32 v38, v22;
	v38 =	vld [tilespmem:$0x1F8C0]  }
0x1c9: {  	[tilespmem:v25+s20+$0x0] =	vst.idx.msk $0xffff, v23;
	v25 =	vmul.f32 v10, v37;
	v37 =	vld [tilespmem:$0x1F8D0];
	_ =	sdelay $0x1  }
0x1ca: {  	v10 =	vmul.f32 v10, v36;
	v36 =	vld [tilespmem:$0x1FA40]  }
0x1cb: {  	v29 =	vadd.s32 $0xC, v18  }
0x1cc: {  	v19 =	vadd.s32 $0xD, v18  }
0x1cd: {  	v24 =	vadd.f32 v35, v24;
	v35 =	vmul.f32 v13, v38;
	v13 =	vmul.f32 v13, v37;
	v37 =	vld [tilespmem:$0x1FA50]  }
0x1ce: {  	v20 =	vadd.s32 $0xE, v18;
	v23 =	vadd.s32 $0xF, v18;
	v38 =	vmul.f32 v11, v43  }
0x1cf: {  	v24 =	vadd.f32 v34, v24;
	v25 =	vadd.f32 v35, v25;
	v35 =	vmul.f32 v14, v36  }
0x1d0: {  	[tilespmem:v29+s20+$0x0] =	vst.idx.msk $0xffff, v21;
	v29 =	vld [tilespmem:$0x1FBC0];
	v10 =	vadd.f32 v13, v10;
	v13 =	vadd.s32 $0x10, v18  }
0x1d1: {  	v21 =	vadd.f32 v38, v24;
	v38 =	vadd.f32 v35, v25;
	v35 =	vld [tilespmem:$0x1FBD0]  }
0x1d2: {  	[tilespmem:v19+s20+$0x0] =	vst.idx.msk $0xffff, v26;
	v14 =	vmul.f32 v14, v37;
	v37 =	vld [tilespmem:$0x1FD40]  }
0x1d3: {  	[tilespmem:v20+s20+$0x0] =	vst.idx.msk $0xffff, v27;
	v27 =	vld [tilespmem:$0x1FD50]  }
0x1d4: {  	[tilespmem:v23+s20+$0x0] =	vst.idx.msk $0xffff, v28;
	v28 =	vld [tilespmem:$0x1FEC0]  }
0x1d5: {  	v25 =	vmul.f32 v12, v29;
	[tilespmem:v13+s20+$0x0] =	vst.idx.msk $0xffff, v30;
	v30 =	vld [tilespmem:$0x1FED0]  }
0x1d6: {  	v34 =	vadd.s32 $0x11, v18;
	v10 =	vadd.f32 v14, v10;
	v12 =	vmul.f32 v12, v35  }
0x1d7: {  	v19 =	vadd.s32 $0x12, v18;
	v36 =	vadd.f32 v25, v38;
	v24 =	vmul.f32 v17, v37  }
0x1d8: {  	v38 =	vadd.s32 $0x13, v18;
	v17 =	vmul.f32 v17, v27;
	v10 =	vadd.f32 v12, v10  }
0x1d9: {  	v23 =	vmul.f32 v16, v28;
	v13 =	vadd.s32 $0x14, v18;
	v20 =	vadd.f32 v24, v36  }
0x1da: {  	v29 =	vmul.f32 v15, v5;
	v16 =	vmul.f32 v16, v30;
	v10 =	vadd.f32 v17, v10  }
0x1db: {  	[tilespmem:v34+s20+$0x0] =	vst.idx.msk $0xffff, v32;
	v34 =	vadd.s32 $0x15, v18;
	v35 =	vmul.f32 v11, v44;
	v20 =	vadd.f32 v23, v20  }
0x1dc: {  	[tilespmem:v19+s20+$0x0] =	vst.idx.msk $0xffff, v31;
	v36 =	vadd.s32 $0x16, v18;
	v11 =	vmul.f32 v11, v45;
	v10 =	vadd.f32 v16, v10  }
0x1dd: {  	p0 =	sne.s32 s25, $0x30;
	v18 =	vadd.s32 $0x17, v18;
	[tilespmem:v38+s20+$0x0] =	vst.idx.msk $0xffff, v33;
	v38 =	vmul.f32 v15, v6;
	v37 =	vadd.f32 v35, v20  }
.Ltmp0:
0x1de: {  	v17 =	vadd.f32 v29, v21;
	v10 =	vadd.f32 v11, v10;
	v11 =	vmul.f32 v15, v7;
	(pc) =	sbr.rel @p0 .LBB2_2-.Ltmp0, $4  }
0x1df: {  	[tilespmem:v13+s20+$0x0] =	vst.idx.msk $0xffff, v22;
	v12 =	vadd.f32 v38, v37  }
0x1e0: {  	[tilespmem:v34+s20+$0x0] =	vst.idx.msk $0xffff, v17;
	v10 =	vadd.f32 v11, v10  }
0x1e1: {  	[tilespmem:v36+s20+$0x0] =	vst.idx.msk $0xffff, v12  }
0x1e2: {  	s25 =	sadd.s32 $0x10, s25;
	[tilespmem:v18+s20+$0x0] =	vst.idx.msk $0xffff, v10  }
0x1e3: {  	[spmem:s9] =	stream.linear.scatter [tilespmem:s20], [sflag:$0x1], $0x600, $0x38;
	[tilespmem:$0x9900] =	vst v63  }
0x1e4: {  	s25 =	simm.s32 $0x0;
	_ =	swait.ge [sflag:s15], $0x600  }
0x1e5: {  	v2 =	vor.u32 s25, v0;
	[sflag:s15] =	ssyncset.done $0x0  }
0x1e6: {  	v11 =	vshll.u32 v2, $0x2;
	[sflag:s15] =	ssyncadd.s32 $0xFFFFFA00  }
0x1e7: {  	v12 =	vor.u32 $0x1, v11;
	[bflag:$0x0] =	sbarrier.arrive $0xFFFF  }
0x1e8: {  	v13 =	vor.u32 $0x2, v11;
	[tilespmem:s25], [sflag:$0x1] =	stream.linear.gather [spmem:s2], $0x6000, $0x38;
	[tilespmem:$0x9900] =	vst v63  }
0x1e9: {  	v4 =	vld [tilespmem:$0x1FFF0];
	_ =	swait.ge [sflag:s15], $0x6000  }
0x1ea: {  	v14 =	vor.u32 $0x3, v11;
	[sflag:s15] =	ssyncset.done $0x0  }
0x1eb: {  	v15 =	vshll.u32 v2, $0x3;
	[sflag:s15] =	ssyncadd.s32 $0xFFFFA000  }
0x1ec: {  	v16 =	vor.u32 $0x2, v15;
	v17 =	vld.idx.msk [tilespmem:v12+s18+$0x0], $0xffff  }
0x1ed: {  	v21 =	vor.u32 $0x1, v15;
	v18 =	vld.idx.msk [tilespmem:v13+s18+$0x0], $0xffff  }
0x1ee: {  	v23 =	vor.u32 $0x3, v15;
	v19 =	vld.idx.msk [tilespmem:v11+s18+$0x0], $0xffff  }
0x1ef: {  	v24 =	vor.u32 $0x4, v15;
	v20 =	vld.idx.msk [tilespmem:v14+s18+$0x0], $0xffff  }
0x1f0: {  	v22 =	vld.idx.msk [tilespmem:v15+s16+$0x0], $0xffff;
	v3 =	vshrl.u32 v4, $0x10  }
0x1f1: {  	v16 =	vld.idx.msk [tilespmem:v16+s16+$0x0], $0xffff;
	v3 =	vand.u32 $0x1, v3  }
0x1f2: {  	v21 =	vld.idx.msk [tilespmem:v21+s16+$0x0], $0xffff;
	v3 =	vadd.s32 v3, v4  }
0x1f3: {  	v25 =	vor.u32 $0x5, v15;
	v27 =	vor.u32 $0x6, v15;
	v23 =	vld.idx.msk [tilespmem:v23+s16+$0x0], $0xffff;
	v3 =	vadd.s32 $0x7FFF, v3  }
0x1f4: {  	v15 =	vor.u32 $0x7, v15;
	v24 =	vld.idx.msk [tilespmem:v24+s16+$0x0], $0xffff;
	v10 =	vand.u32 $0xFFFF0000, v3;
	v26 =	vshrl.u32 v17, $0x10  }
0x1f5: {  	v28 =	vshrl.u32 v19, $0x10;
	v29 =	vshrl.u32 v18, $0x10;
	v30 =	vshrl.u32 v20, $0x10  }
0x1f6: {  	v22 =	vmul.u32 $0x18, v22;
	v16 =	vmul.u32 $0x18, v16;
	v3 =	vbroadcast v10, $0x8  }
0x1f7: {  	v21 =	vmul.u32 $0x18, v21;
	v4 =	vbroadcast v10, $0x9;
	v5 =	vbroadcast v10, $0xA  }
0x1f8: {  	v23 =	vmul.u32 $0x18, v23;
	v6 =	vbroadcast v10, $0xB;
	v7 =	vbroadcast v10, $0xC  }
0x1f9: {  	v24 =	vmul.u32 $0x18, v24;
	v8 =	vbroadcast v10, $0xD;
	v9 =	vbroadcast v10, $0xE  }
0x1fa: {  	v10 =	vbroadcast v10, $0xF;
	v28 =	vand.u32 $0x1, v28;
	v26 =	vand.u32 $0x1, v26  }
0x1fb: {  	v29 =	vand.u32 $0x1, v29;
	v35 =	vand.u32 $0x1, v30;
	v17 =	vadd.s32 v26, v17  }
0x1fc: {  	v14 =	vld.idx.msk [tilespmem:v14+s17+$0x0], $0xffff;
	v18 =	vadd.s32 v29, v18;
	v20 =	vadd.s32 v35, v20;
	v36 =	vor.u32 $0x1, v22  }
0x1fd: {  	v13 =	vld.idx.msk [tilespmem:v13+s17+$0x0], $0xffff;
	v19 =	vadd.s32 v28, v19;
	v37 =	vor.u32 $0x4, v16;
	v31 =	vor.u32 $0x3, v21  }
0x1fe: {  	v12 =	vld.idx.msk [tilespmem:v12+s17+$0x0], $0xffff;
	v21 =	vor.u32 $0x2, v21;
	v17 =	vadd.s32 $0x7FFF, v17;
	v19 =	vadd.s32 $0x7FFF, v19  }
0x1ff: {  	v11 =	vld.idx.msk [tilespmem:v11+s17+$0x0], $0xffff;
	v18 =	vadd.s32 $0x7FFF, v18;
	v19 =	vand.u32 $0xFFFF0000, v19;
	v17 =	vand.u32 $0xFFFF0000, v17  }
0x200: {  	v25 =	vld.idx.msk [tilespmem:v25+s16+$0x0], $0xffff;
	v20 =	vadd.s32 $0x7FFF, v20;
	v38 =	vmul.f32 v19, v7;
	v39 =	vmul.f32 v17, v8  }
0x201: {  	v27 =	vld.idx.msk [tilespmem:v27+s16+$0x0], $0xffff;
	v18 =	vand.u32 $0xFFFF0000, v18;
	v19 =	vmul.f32 v19, v3;
	v17 =	vmul.f32 v17, v4  }
0x202: {  	v15 =	vld.idx.msk [tilespmem:v15+s16+$0x0], $0xffff;
	v16 =	vor.u32 $0x5, v16;
	v20 =	vand.u32 $0xFFFF0000, v20;
	v40 =	vmul.f32 v18, v9  }
0x203: {  	v18 =	vmul.f32 v18, v5;
	v22 =	vld.idx.msk [tilespmem:v22+s3+$0x0], $0xffff;
	v29 =	vadd.f32 v39, v38;
	v17 =	vadd.f32 v17, v19  }
0x204: {  	v32 =	vor.u32 $0x6, v23;
	v23 =	vor.u32 $0x7, v23;
	v41 =	vmul.f32 v20, v6;
	v26 =	vld.idx.msk [tilespmem:v36+s3+$0x0], $0xffff  }
0x205: {  	v20 =	vmul.f32 v20, v10;
	v42 =	vld.idx.msk [tilespmem:v31+s3+$0x0], $0xffff;
	v19 =	vadd.f32 v40, v29;
	v17 =	vadd.f32 v18, v17  }
0x206: {  	v25 =	vmul.u32 $0x18, v25;
	v43 =	vadd.s32 $0x9, v24;
	v21 =	vld.idx.msk [tilespmem:v21+s3+$0x0], $0xffff  }
0x207: {  	v24 =	vadd.s32 $0x8, v24;
	v16 =	vld.idx.msk [tilespmem:v16+s3+$0x0], $0xffff;
	v17 =	vadd.f32 v41, v17;
	v44 =	vadd.f32 v20, v19  }
0x208: {  	v27 =	vmul.u32 $0x18, v27;
	v46 =	vadd.s32 $0xB, v25;
	v45 =	vld.idx.msk [tilespmem:v37+s3+$0x0], $0xffff  }
0x209: {  	v25 =	vadd.s32 $0xA, v25;
	v23 =	vld.idx.msk [tilespmem:v23+s3+$0x0], $0xffff;
	v18 =	vadd.f32 v44, v26;
	v17 =	vadd.f32 v17, v22  }
0x20a: {  	v48 =	vadd.s32 $0xD, v27;
	v15 =	vmul.u32 $0x18, v15;
	v47 =	vld.idx.msk [tilespmem:v32+s3+$0x0], $0xffff  }
0x20b: {  	v27 =	vadd.s32 $0xC, v27;
	v49 =	vld.idx.msk [tilespmem:v43+s3+$0x0], $0xffff;
	v18 =	vadd.f32 v18, v42;
	v17 =	vadd.f32 v17, v21  }
0x20c: {  	v11 =	vmul.u32 $0x18, v11;
	v50 =	vadd.s32 $0xF, v15;
	v24 =	vld.idx.msk [tilespmem:v24+s3+$0x0], $0xffff;
	v15 =	vadd.s32 $0xE, v15  }
0x20d: {  	v51 =	vld.idx.msk [tilespmem:v46+s3+$0x0], $0xffff;
	v16 =	vadd.f32 v18, v16;
	v17 =	vadd.f32 v17, v45  }
0x20e: {  	v12 =	vmul.u32 $0x18, v12;
	v52 =	vadd.s32 $0x11, v11;
	v53 =	vld.idx.msk [tilespmem:v25+s3+$0x0], $0xffff  }
0x20f: {  	v11 =	vadd.s32 $0x10, v11;
	v54 =	vld.idx.msk [tilespmem:v48+s3+$0x0], $0xffff;
	v16 =	vadd.f32 v23, v16;
	v17 =	vadd.f32 v47, v17  }
0x210: {  	v13 =	vmul.u32 $0x18, v13;
	v55 =	vadd.s32 $0x13, v12;
	v56 =	vld.idx.msk [tilespmem:v27+s3+$0x0], $0xffff  }
0x211: {  	v12 =	vadd.s32 $0x12, v12;
	v15 =	vld.idx.msk [tilespmem:v15+s3+$0x0], $0xffff;
	v16 =	vadd.f32 v49, v16;
	v17 =	vadd.f32 v24, v17  }
0x212: {  	v14 =	vmul.u32 $0x18, v14;
	v57 =	vadd.s32 $0x15, v13;
	v21 =	vld.idx.msk [tilespmem:v50+s3+$0x0], $0xffff  }
0x213: {  	v13 =	vadd.s32 $0x14, v13;
	v58 =	vld.idx.msk [tilespmem:v52+s3+$0x0], $0xffff;
	v16 =	vadd.f32 v51, v16;
	v17 =	vadd.f32 v53, v17  }
0x214: {  	v59 =	vadd.s32 $0x17, v14;
	v11 =	vld.idx.msk [tilespmem:v11+s3+$0x0], $0xffff  }
0x215: {  	v14 =	vadd.s32 $0x16, v14;
	v60 =	vld.idx.msk [tilespmem:v55+s3+$0x0], $0xffff;
	v16 =	vadd.f32 v54, v16;
	v17 =	vadd.f32 v56, v17  }
0x216: {  	v12 =	vld.idx.msk [tilespmem:v12+s3+$0x0], $0xffff  }
0x217: {  	v61 =	vld.idx.msk [tilespmem:v57+s3+$0x0], $0xffff;
	v16 =	vadd.f32 v21, v16;
	v15 =	vadd.f32 v15, v17  }
0x218: {  	v13 =	vld.idx.msk [tilespmem:v13+s3+$0x0], $0xffff  }
0x219: {  	v62 =	vld.idx.msk [tilespmem:v59+s3+$0x0], $0xffff;
	v16 =	vadd.f32 v58, v16;
	v11 =	vadd.f32 v11, v15  }
0x21a: {  	v14 =	vld.idx.msk [tilespmem:v14+s3+$0x0], $0xffff  }
0x21b: {  	v15 =	vadd.f32 v60, v16;
	v11 =	vadd.f32 v12, v11;
	_ =	sdelay $0x1  }
0x21c: {  	v15 =	vadd.f32 v61, v15;
	v13 =	vadd.f32 v13, v11  }
0x21d: {  	v11 =	vshll.u32 v2, $0x1  }
0x21e: {  	v12 =	vor.u32 $0x1, v11;
	v13 =	vadd.f32 v14, v13;
	v14 =	vadd.f32 v62, v15;
	_ =	sdelay $0x1  }
0x21f: {  	v15 =	vmax.f32 v13, v14  }
0x220: {  	v63 =	vsub.f32 v13, v15;
	v15 =	vsub.f32 v14, v15  }
0x221: {  	[tilespmem:v11+s21+$0x0] =	vst.idx.msk $0xffff, v13  }
0x222: {  	s25 =	simm.s32 $0x10;
	vm0 =	vgt.f32 v14, v13;
	[tilespmem:v12+s21+$0x0] =	vst.idx.msk $0xffff, v14;
	v13 =	vmul.f32 $1.442695020e+00, v63;
	v14 =	vmul.f32 $1.442695020e+00, v15  }
.LBB2_4:
0x223: {  	_ = 	snop  }
0x224: {  	p0 =	sne.s32 s25, $0x1F0;
	s26 =	smov.u32 s25;
	s25 =	sadd.s32 $0x10, s25;
	(erf) = vpow2.f32 v14  }
0x225: {  	(erf) = vpow2.f32 v13;
	_ =	sdelay $0x1  }
0x226: {  	v13 =	vor.u32 s26, v0  }
0x227: {  	v14 =	vshll.u32 v13, $0x2;
	v15 =	vshll.u32 v13, $0x3  }
0x228: {  	v16 =	vor.u32 $0x1, v14;
	v17 =	vor.u32 $0x2, v14  }
0x229: {  	v18 =	vor.u32 $0x3, v14;
	v19 =	vor.u32 $0x2, v15  }
0x22a: {  	v20 =	vor.u32 $0x4, v15;
	v21 =	vor.u32 $0x5, v15;
	_ =	sdelay $0x1  }
0x22b: {  	v22 =	vor.u32 $0x1, v15;
	v23 =	vpop (erf)  }
0x22c: {  	v24 =	vpop (erf)  }
0x22d: {  	v25 =	vadd.f32 v23, v24;
	_ =	sdelay $0x1  }
0x22e: {  	(erf) = vrcp.f32 v25;
	_ =	sdelay $0x1  }
0x22f: {  	v25 =	vor.u32 $0x3, v15;
	_ =	sdelay $0x6  }
0x230: {  	v26 =	vpop (erf)  }
0x231: {  	v24 =	vmul.f32 v26, v24;
	v23 =	vmul.f32 v26, v23;
	_ =	sdelay $0x1  }
0x232: {  	[tilespmem:v11+s22+$0x0] =	vst.idx.msk $0xffff, v24  }
0x233: {  	v11 =	vsel vm0, $0x1, v1;
	[tilespmem:v12+s22+$0x0] =	vst.idx.msk $0xffff, v23  }
0x234: {  	[tilespmem:v2+s23+$0x0] =	vst.idx.msk $0xffff, v11;
	v2 =	vmov v13  }
0x235: {  	v11 =	vld.idx.msk [tilespmem:v16+s18+$0x0], $0xffff  }
0x236: {  	v12 =	vld.idx.msk [tilespmem:v17+s18+$0x0], $0xffff  }
0x237: {  	v13 =	vld.idx.msk [tilespmem:v14+s18+$0x0], $0xffff  }
0x238: {  	v23 =	vld.idx.msk [tilespmem:v18+s18+$0x0], $0xffff  }
0x239: {  	v24 =	vld.idx.msk [tilespmem:v15+s16+$0x0], $0xffff  }
0x23a: {  	v19 =	vld.idx.msk [tilespmem:v19+s16+$0x0], $0xffff;
	_ =	sdelay $0x1  }
0x23b: {  	v27 =	vor.u32 $0x6, v15;
	v26 =	vshrl.u32 v11, $0x10  }
0x23c: {  	v15 =	vor.u32 $0x7, v15;
	v29 =	vshrl.u32 v12, $0x10;
	v28 =	vshrl.u32 v13, $0x10;
	v22 =	vld.idx.msk [tilespmem:v22+s16+$0x0], $0xffff  }
0x23d: {  	v26 =	vand.u32 $0x1, v26;
	v29 =	vand.u32 $0x1, v29;
	v28 =	vand.u32 $0x1, v28;
	v25 =	vld.idx.msk [tilespmem:v25+s16+$0x0], $0xffff  }
0x23e: {  	v12 =	vadd.s32 v29, v12;
	v29 =	vshrl.u32 v23, $0x10;
	v24 =	vmul.u32 $0x18, v24  }
0x23f: {  	v11 =	vadd.s32 v26, v11;
	v26 =	vand.u32 $0x1, v29;
	v19 =	vmul.u32 $0x18, v19  }
0x240: {  	v11 =	vadd.s32 $0x7FFF, v11;
	v23 =	vadd.s32 v26, v23;
	v26 =	vor.u32 $0x1, v24;
	v18 =	vld.idx.msk [tilespmem:v18+s17+$0x0], $0xffff  }
0x241: {  	v13 =	vadd.s32 v28, v13;
	v28 =	vor.u32 $0x4, v19;
	v19 =	vor.u32 $0x5, v19;
	v17 =	vld.idx.msk [tilespmem:v17+s17+$0x0], $0xffff  }
0x242: {  	v12 =	vadd.s32 $0x7FFF, v12;
	v13 =	vadd.s32 $0x7FFF, v13;
	v22 =	vmul.u32 $0x18, v22;
	v16 =	vld.idx.msk [tilespmem:v16+s17+$0x0], $0xffff  }
0x243: {  	v11 =	vand.u32 $0xFFFF0000, v11;
	v13 =	vand.u32 $0xFFFF0000, v13;
	v25 =	vmul.u32 $0x18, v25;
	v20 =	vld.idx.msk [tilespmem:v20+s16+$0x0], $0xffff  }
0x244: {  	v30 =	vmul.f32 v11, v8;
	v29 =	vmul.f32 v13, v7;
	v31 =	vor.u32 $0x3, v22;
	v14 =	vld.idx.msk [tilespmem:v14+s17+$0x0], $0xffff  }
0x245: {  	v11 =	vmul.f32 v11, v4;
	v13 =	vmul.f32 v13, v3;
	v32 =	vor.u32 $0x6, v25;
	v21 =	vld.idx.msk [tilespmem:v21+s16+$0x0], $0xffff  }
0x246: {  	v12 =	vand.u32 $0xFFFF0000, v12;
	v29 =	vadd.f32 v30, v29;
	v22 =	vor.u32 $0x2, v22;
	v15 =	vld.idx.msk [tilespmem:v15+s16+$0x0], $0xffff  }
0x247: {  	v11 =	vadd.f32 v11, v13;
	v13 =	vmul.f32 v12, v9;
	v25 =	vor.u32 $0x7, v25;
	v27 =	vld.idx.msk [tilespmem:v27+s16+$0x0], $0xffff  }
0x248: {  	v23 =	vadd.s32 $0x7FFF, v23;
	v12 =	vmul.f32 v12, v5;
	v16 =	vmul.u32 $0x18, v16;
	v26 =	vld.idx.msk [tilespmem:v26+s3+$0x0], $0xffff  }
0x249: {  	v23 =	vand.u32 $0xFFFF0000, v23;
	v13 =	vadd.f32 v13, v29;
	v20 =	vmul.u32 $0x18, v20;
	v24 =	vld.idx.msk [tilespmem:v24+s3+$0x0], $0xffff  }
0x24a: {  	v11 =	vadd.f32 v12, v11;
	v12 =	vmul.f32 v23, v6;
	v23 =	vmul.f32 v23, v10;
	v29 =	vld.idx.msk [tilespmem:v31+s3+$0x0], $0xffff  }
0x24b: {  	v30 =	vadd.s32 $0x8, v20;
	v20 =	vadd.s32 $0x9, v20;
	v21 =	vmul.u32 $0x18, v21;
	v22 =	vld.idx.msk [tilespmem:v22+s3+$0x0], $0xffff  }
0x24c: {  	v11 =	vadd.f32 v12, v11;
	v12 =	vadd.f32 v23, v13;
	v15 =	vmul.u32 $0x18, v15;
	v13 =	vld.idx.msk [tilespmem:v19+s3+$0x0], $0xffff  }
0x24d: {  	v23 =	vadd.s32 $0xA, v21;
	v21 =	vadd.s32 $0xB, v21;
	v27 =	vmul.u32 $0x18, v27;
	v19 =	vld.idx.msk [tilespmem:v28+s3+$0x0], $0xffff  }
0x24e: {  	v12 =	vadd.f32 v12, v26;
	v26 =	vadd.s32 $0xE, v15;
	v15 =	vadd.s32 $0xF, v15;
	v25 =	vld.idx.msk [tilespmem:v25+s3+$0x0], $0xffff  }
0x24f: {  	v11 =	vadd.f32 v11, v24;
	v28 =	vadd.s32 $0xC, v27;
	v27 =	vadd.s32 $0xD, v27;
	v24 =	vld.idx.msk [tilespmem:v32+s3+$0x0], $0xffff  }
0x250: {  	v14 =	vmul.u32 $0x18, v14;
	v12 =	vadd.f32 v12, v29;
	v29 =	vadd.s32 $0x13, v16;
	v20 =	vld.idx.msk [tilespmem:v20+s3+$0x0], $0xffff  }
0x251: {  	v17 =	vmul.u32 $0x18, v17;
	v16 =	vadd.s32 $0x12, v16;
	v11 =	vadd.f32 v11, v22;
	v22 =	vld.idx.msk [tilespmem:v30+s3+$0x0], $0xffff  }
0x252: {  	v12 =	vadd.f32 v12, v13;
	v13 =	vld.idx.msk [tilespmem:v21+s3+$0x0], $0xffff;
	v21 =	vadd.s32 $0x10, v14;
	v14 =	vadd.s32 $0x11, v14  }
0x253: {  	v11 =	vadd.f32 v11, v19;
	v19 =	vld.idx.msk [tilespmem:v23+s3+$0x0], $0xffff;
	v23 =	vadd.s32 $0x14, v17;
	v17 =	vadd.s32 $0x15, v17  }
0x254: {  	v18 =	vmul.u32 $0x18, v18;
	v12 =	vadd.f32 v25, v12;
	v25 =	vld.idx.msk [tilespmem:v27+s3+$0x0], $0xffff  }
0x255: {  	v11 =	vadd.f32 v24, v11;
	v24 =	vld.idx.msk [tilespmem:v28+s3+$0x0], $0xffff  }
0x256: {  	v12 =	vadd.f32 v20, v12;
	v20 =	vadd.s32 $0x16, v18;
	v18 =	vadd.s32 $0x17, v18;
	v15 =	vld.idx.msk [tilespmem:v15+s3+$0x0], $0xffff  }
0x257: {  	v11 =	vadd.f32 v22, v11;
	v22 =	vld.idx.msk [tilespmem:v26+s3+$0x0], $0xffff  }
0x258: {  	v12 =	vadd.f32 v13, v12;
	v13 =	vld.idx.msk [tilespmem:v14+s3+$0x0], $0xffff  }
0x259: {  	v11 =	vadd.f32 v19, v11;
	v14 =	vld.idx.msk [tilespmem:v21+s3+$0x0], $0xffff  }
0x25a: {  	v12 =	vadd.f32 v25, v12;
	v19 =	vld.idx.msk [tilespmem:v29+s3+$0x0], $0xffff  }
0x25b: {  	v11 =	vadd.f32 v24, v11;
	v16 =	vld.idx.msk [tilespmem:v16+s3+$0x0], $0xffff  }
0x25c: {  	v12 =	vadd.f32 v15, v12;
	v15 =	vld.idx.msk [tilespmem:v17+s3+$0x0], $0xffff  }
0x25d: {  	v11 =	vadd.f32 v22, v11;
	v17 =	vld.idx.msk [tilespmem:v23+s3+$0x0], $0xffff  }
0x25e: {  	v12 =	vadd.f32 v13, v12;
	v13 =	vld.idx.msk [tilespmem:v18+s3+$0x0], $0xffff  }
0x25f: {  	v11 =	vadd.f32 v14, v11;
	v14 =	vld.idx.msk [tilespmem:v20+s3+$0x0], $0xffff  }
0x260: {  	v12 =	vadd.f32 v19, v12  }
0x261: {  	v16 =	vadd.f32 v16, v11  }
0x262: {  	v11 =	vshll.u32 v2, $0x1;
	v15 =	vadd.f32 v15, v12  }
0x263: {  	v12 =	vor.u32 $0x1, v11;
	v16 =	vadd.f32 v17, v16;
	_ =	sdelay $0x1  }
0x264: {  	v13 =	vadd.f32 v13, v15;
	v14 =	vadd.f32 v14, v16  }
.Ltmp1:
0x265: {  	(pc) =	sbr.rel @p0 .LBB2_4-.Ltmp1, $3  }
0x266: {  	v15 =	vmax.f32 v14, v13;
	vm0 =	vgt.f32 v13, v14;
	[tilespmem:v11+s21+$0x0] =	vst.idx.msk $0xffff, v14  }
0x267: {  	v14 =	vsub.f32 v14, v15;
	v15 =	vsub.f32 v13, v15;
	[tilespmem:v12+s21+$0x0] =	vst.idx.msk $0xffff, v13;
	_ =	sdelay $0x1  }
0x268: {  	v13 =	vmul.f32 $1.442695020e+00, v14;
	v14 =	vmul.f32 $1.442695020e+00, v15  }
0x269: {  	_ = 	snop  }
0x26a: {  	(erf) = vpow2.f32 v14  }
0x26b: {  	(erf) = vpow2.f32 v13;
	_ =	sdelay $0x7  }
0x26c: {  	v3 =	vpop (erf)  }
0x26d: {  	v4 =	vpop (erf)  }
0x26e: {  	v5 =	vadd.f32 v3, v4;
	_ =	sdelay $0x1  }
0x26f: {  	(erf) = vrcp.f32 v5;
	_ =	sdelay $0x8  }
0x270: {  	v5 =	vpop (erf)  }
0x271: {  	v4 =	vmul.f32 v5, v4  }
0x272: {  	v3 =	vmul.f32 v5, v3  }
0x273: {  	[tilespmem:v11+s22+$0x0] =	vst.idx.msk $0xffff, v4  }
0x274: {  	[tilespmem:v12+s22+$0x0] =	vst.idx.msk $0xffff, v3;
	v3 =	vsel vm0, $0x1, v1  }
0x275: {  	[tilespmem:v2+s23+$0x0] =	vst.idx.msk $0xffff, v3  }
0x276: {  	[hbm4b:s10+s3] =	stream.linear.scatter [tilespmem:s21], [sflag:$0x1], $0x400, $0x38;
	[tilespmem:$0x9900] =	vst v63  }
0x277: {  	_ =	swait.ge [sflag:s15], $0x400  }
0x278: {  	[sflag:s15] =	ssyncset.done $0x0  }
0x279: {  	[sflag:s15] =	ssyncadd.s32 $0xFFFFFC00  }
0x27a: {  	[hbm4b:s11+s3] =	stream.linear.scatter [tilespmem:s22], [sflag:$0x1], $0x400, $0x38;
	[tilespmem:$0x9900] =	vst v63  }
0x27b: {  	s24 =	sadd.s32 $0x1, s24;
	_ =	swait.ge [sflag:s15], $0x400  }
0x27c: {  	p0 =	sne.s32 s24, s13;
	[sflag:s15] =	ssyncset.done $0x0  }
.Ltmp2:
0x27d: {  	[sflag:s15] =	ssyncadd.s32 $0xFFFFFC00;
	(pc) =	sbr.rel @p0 .LBB2_1-.Ltmp2, $4  }
0x27e: {  	[hbm4b:s12+s3] =	stream.linear.scatter [tilespmem:s23], [sflag:$0x1], $0x200, $0x38;
	[tilespmem:$0x9900] =	vst v63  }
0x27f: {  	_ =	swait.ge [sflag:s15], $0x200  }
0x280: {  	[sflag:s15] =	ssyncset.done $0x0  }
0x281: {  	[sflag:s15] =	ssyncadd.s32 $0xFFFFFE00  }
0x282: {  	_ =	sfence.sel $0x180000  }
0x283: {  	[bflag:$0x0] =	sbarrier.arrive $0xFFFF  }
0x284: {  	p0 =	sne.s32 s0, $0x0;
	_ =	strace $0x90000047  }
0x285: {  	s0 =	sadd.s32 @!p0 $0x100000, s1;
	[bflag:$0x2] =	sbarrier.arrive $0xFFFF  }
0x286: {  	[sflag:s0] =	ssyncadd.tile.s32 @!p0 $0x1;
	_ =	shalt  }
.Lfunc_end2:
_tile_overlayer_lowered:
.L_overlay_start_2:
0x287: {  	(tag) =	ssettag $0x2  }
0x288: {  	s0 =	rddreg [dreg:$0x0];
	s2 =	stileid.u32  }
0x289: {  	s1 =	rddreg [dreg:$0x1];
	p0 =	sne.s32 s2, $0x0  }
0x28a: {  	s3 =	rddreg [dreg:$0x2];
	[bflag:$0x3] =	sbarrier.arrive $0xFFFF;
	s2 =	simm.s32 @!p0 $0x1C01  }
0x28b: {  	[timem:s3], [sflag:s2] =	dma.local @!p0 [hbm:s0], s1  }
0x28c: {  	s0 =	simm.s32 @!p0 $0x1  }
0x28d: {  	_ =	swait.ge @!p0 [sflag:s0], s1  }
0x28e: {  	s1 =	ssub.s32 @!p0 $0x0, s1;
	[sflag:s0] =	ssyncset.done @!p0 $0x0  }
0x28f: {  	[sflag:s0] =	ssyncadd.s32 @!p0 s1  }
0x290: {  	[bflag:$0x3] =	sbarrier.arrive $0xFFFF  }
0x291: {  	_ =	shalt  }

</sc_bundles>
